<compile_context>
chip_gen: v7x
topology: tpu7x:2x2x1
jax: 0.10.2.dev20260603
libtpu: 0.0.44.dev20260713+nightly
codegen_flags: <defaults>
</compile_context>

<pallas_src>
import jax
import jax.numpy as jnp
from jax import lax
from jax.experimental import pallas as pl
from jax.experimental.pallas import tpu as pltpu
from jax.experimental.pallas import tpu_sc as plsc

N = 10000
E = 320000
NC = 2
NS = 16
CHUNK = 128
CPT = 79
EPT = CPT * CHUNK
E_PAD = NC * NS * EPT
N_ACC = 10016
TRASH = 10008
FP = 128

RPT = 632

_mesh = plsc.VectorSubcoreMesh(core_axis_name="c", subcore_axis_name="s")


def _rows_copy(src_ref, dst_ref, s, nrows_last=520):
    @pl.when(s < NS - 1)
    def _():
        pltpu.sync_copy(src_ref.at[pl.ds(s * RPT, RPT)],
                        dst_ref.at[pl.ds(s * RPT, RPT)])

    @pl.when(s == NS - 1)
    def _():
        pltpu.sync_copy(src_ref.at[pl.ds(15 * RPT, nrows_last)],
                        dst_ref.at[pl.ds(15 * RPT, nrows_last)])


def _deg_body(dst_hbm, zeros_hbm, ones_hbm, out_hbm, dst_v, ones_v, acc_sh):
    c = lax.axis_index("c")
    s = lax.axis_index("s")
    wid = c * NS + s
    _rows_copy(zeros_hbm, acc_sh, s, nrows_last=N_ACC - 15 * RPT)
    pltpu.sync_copy(dst_hbm.at[wid], dst_v)
    pltpu.sync_copy(ones_hbm, ones_v)
    plsc.subcore_barrier()

    def chunk(j, _):
        pltpu.sync_copy(ones_v, acc_sh.at[dst_v.at[j]], add=True)
        return 0

    lax.fori_loop(0, CPT, chunk, 0)
    plsc.subcore_barrier()
    _rows_copy(acc_sh, out_hbm.at[c], s)


def _sc_degree(dst3, zeros, ones):
    return pl.kernel(
        _deg_body,
        out_type=jax.ShapeDtypeStruct((NC, N, FP), jnp.float32),
        mesh=_mesh,
        scratch_types=[
            pltpu.VMEM((CPT, CHUNK), jnp.int32),
            pltpu.VMEM((CHUNK, FP), jnp.float32),
            pltpu.VMEM_SHARED((N_ACC, FP), jnp.float32),
        ],
    )(dst3, zeros, ones)


def _seg_body(g_hbm, src_hbm, dst_hbm, out_hbm, src_v, dst_v, rows_v, acc_sh,
              sem):
    c = lax.axis_index("c")
    s = lax.axis_index("s")
    wid = c * NS + s
    _rows_copy(g_hbm, acc_sh, s)
    pltpu.sync_copy(src_hbm.at[wid], src_v)
    pltpu.sync_copy(dst_hbm.at[wid], dst_v)
    plsc.subcore_barrier()

    def chunk(j, _):
        pltpu.async_copy(g_hbm.at[src_v.at[j]], rows_v, sem).wait()
        pltpu.sync_copy(rows_v, acc_sh.at[dst_v.at[j]], add=True)
        return 0

    lax.fori_loop(0, CPT, chunk, 0)
    plsc.subcore_barrier()
    _rows_copy(acc_sh, out_hbm.at[c], s)


def _sc_segment_sum(g, src3, dst3):
    return pl.kernel(
        _seg_body,
        out_type=jax.ShapeDtypeStruct((NC, N, FP), jnp.float32),
        mesh=_mesh,
        scratch_types=[
            pltpu.VMEM((CPT, CHUNK), jnp.int32),
            pltpu.VMEM((CPT, CHUNK), jnp.int32),
            pltpu.VMEM((CHUNK, FP), jnp.float32),
            pltpu.VMEM_SHARED((N_ACC, FP), jnp.float32),
            pltpu.SemaphoreType.DMA,
        ],
    )(g, src3, dst3)



BM = 2000


def _k_dis_body(deg_ref, o_ref):
    deg = 1.0 + deg_ref[0, :, 0:1] + deg_ref[1, :, 0:1]
    o_ref[...] = lax.rsqrt(deg)


def _k_in_body(x_ref, w_ref, dis_ref, o_ref):
    f = w_ref.shape[1]
    r = dis_ref[...] * jnp.dot(x_ref[...], w_ref[...],
                               preferred_element_type=jnp.float32)
    o_ref[...] = jnp.concatenate(
        [r, jnp.zeros((r.shape[0], FP - f), jnp.float32)], axis=1)


def _k_mid_body(acc_ref, g_ref, w_ref, dis_ref, o_ref):
    fin, f = w_ref.shape
    dis = dis_ref[...]
    h = jnp.maximum(
        dis * (acc_ref[0, :, :fin] + acc_ref[1, :, :fin] - g_ref[:, :fin]),
        0.0)
    r = dis * jnp.dot(h, w_ref[...], preferred_element_type=jnp.float32)
    o_ref[...] = jnp.concatenate(
        [r, jnp.zeros((r.shape[0], FP - f), jnp.float32)], axis=1)


def _k_z_body(acc_ref, g_ref, eps_ref, dis_ref, o_ref):
    m = dis_ref[...] * (acc_ref[0, :, :64] + acc_ref[1, :, :64]
                        - g_ref[:, :64])
    o_ref[...] = m[:, :32] + eps_ref[...] * jnp.exp(m[:, 32:])


def _row_call(body, feat_out, in_specs):
    return pl.pallas_call(
        body,
        grid=(N // BM,),
        in_specs=in_specs,
        out_specs=pl.BlockSpec((BM, feat_out), lambda i: (i, 0)),
        out_shape=jax.ShapeDtypeStruct((N, feat_out), jnp.float32),
        compiler_params=pltpu.CompilerParams(
            dimension_semantics=("arbitrary",)),
    )


_acc_spec = pl.BlockSpec((NC, BM, FP), lambda i: (0, i, 0))
_g_spec = pl.BlockSpec((BM, FP), lambda i: (i, 0))
_dis_spec = pl.BlockSpec((BM, 1), lambda i: (i, 0))


def _w_spec(shape):
    return pl.BlockSpec(shape, lambda i: (0, 0))


ZBM = 400


def _k_zz_body(a_ref, b_ref, o_ref):
    o_ref[...] = lax.dot_general(a_ref[...], b_ref[...],
                                 (((1,), (1,)), ((), ())),
                                 preferred_element_type=jnp.float32)


def _decoder(z):
    return pl.pallas_call(
        _k_zz_body,
        grid=(N // ZBM,),
        in_specs=[
            pl.BlockSpec((ZBM, 32), lambda i: (i, 0)),
            pl.BlockSpec((N, 32), lambda i: (0, 0)),
        ],
        out_specs=pl.BlockSpec((ZBM, N), lambda i: (i, 0)),
        out_shape=jax.ShapeDtypeStruct((N, N), jnp.float32),
        compiler_params=pltpu.CompilerParams(
            dimension_semantics=("parallel",)),
    )(z, z)


def kernel(features, edge_index, W1, W2, W3, W4, W5, eps):
    src = edge_index[0].astype(jnp.int32)
    dst = edge_index[1].astype(jnp.int32)
    pad = E_PAD - E
    src3 = jnp.concatenate([src, jnp.zeros((pad,), jnp.int32)]
                           ).reshape(NC * NS, CPT, CHUNK)
    dst3 = jnp.concatenate([dst, jnp.full((pad,), TRASH, jnp.int32)]
                           ).reshape(NC * NS, CPT, CHUNK)
    zeros = jnp.zeros((N_ACC, FP), jnp.float32)
    ones = jnp.ones((CHUNK, FP), jnp.float32)
    W45 = jnp.concatenate([W4, W5], axis=1)

    deg = _sc_degree(dst3, zeros, ones)

    dis = _row_call(_k_dis_body, 1, [
        pl.BlockSpec((NC, BM, FP), lambda i: (0, i, 0))])(deg)

    g1 = _row_call(_k_in_body, FP, [
        pl.BlockSpec((BM, 128), lambda i: (i, 0)), _w_spec((128, 64)),
        _dis_spec])(features, W1, dis)
    a1 = _sc_segment_sum(g1, src3, dst3)

    g2 = _row_call(_k_mid_body, FP, [_acc_spec, _g_spec, _w_spec((64, 32)),
                                     _dis_spec])(a1, g1, W2, dis)
    a2 = _sc_segment_sum(g2, src3, dst3)

    g3 = _row_call(_k_mid_body, FP, [_acc_spec, _g_spec, _w_spec((32, 32)),
                                     _dis_spec])(a2, g2, W3, dis)
    a3 = _sc_segment_sum(g3, src3, dst3)

    g45 = _row_call(_k_mid_body, FP, [_acc_spec, _g_spec, _w_spec((32, 64)),
                                      _dis_spec])(a3, g3, W45, dis)
    a45 = _sc_segment_sum(g45, src3, dst3)

    z = _row_call(_k_z_body, 32, [_acc_spec, _g_spec,
                                  pl.BlockSpec((BM, 32), lambda i: (i, 0)),
                                  _dis_spec])(a45, g45, eps, dis)

    return jnp.reshape(_decoder(z), (-1,))

# --- scband reference (transcript-rebuilt; emitter-appended) ---
"""Pipeline reference for scband-vgaecci-71468255805459 (READ-ONLY COPY).

The authoritative reference and input builder live on the scoring server;
editing this copy changes nothing except your own understanding.
"""

import jax, jax.numpy as jnp
import numpy as np

N = 10000
E = 320000
D_IN = 128
H1 = 64
H2 = 32
H3 = 32


def _glorot(key, fan_in, fan_out):
    limit = np.sqrt(6.0 / (fan_in + fan_out)).astype(np.float32)
    return jax.random.uniform(key, (fan_in, fan_out), jnp.float32, -limit, limit)


def setup_inputs(seed: int = 0):
    key = jax.random.key(seed)
    ks = jax.random.split(key, 8)
    features = jax.random.normal(ks[0], (N, D_IN), jnp.float32)
    edge_index = jax.random.randint(ks[1], (2, E), 0, N).astype(jnp.int64)
    W1 = _glorot(ks[2], D_IN, H1)
    W2 = _glorot(ks[3], H1, H2)
    W3 = _glorot(ks[4], H2, H3)
    W4 = _glorot(ks[5], H3, H2)
    W5 = _glorot(ks[6], H3, H2)
    eps = jax.random.normal(ks[7], (N, H2), jnp.float32)
    return {"features": features, "edge_index": edge_index, "W1": W1, "W2": W2, "W3": W3, "W4": W4, "W5": W5, "eps": eps}


def _propagate(h, src, dst):
    # symmetric-normalized adjacency with self loops: D^-1/2 (A + I) D^-1/2
    deg = jnp.ones((N,), jnp.float32).at[dst].add(jnp.ones((dst.shape[0],), jnp.float32))
    dis = jax.lax.rsqrt(deg)
    w = dis[src] * dis[dst]
    out = (dis * dis)[:, None] * h  # self-loop contribution
    out = out.at[dst].add(w[:, None] * h[src])
    return out


def reference(features, edge_index, W1, W2, W3, W4, W5, eps):
    src = edge_index[0]
    dst = edge_index[1]
    # Encoder: GraphConvolutionSparse + 2x GraphConvolution (relu), dropout=0
    h1 = jax.nn.relu(_propagate(features @ W1, src, dst))
    h2 = jax.nn.relu(_propagate(h1 @ W2, src, dst))
    h3 = jax.nn.relu(_propagate(h2 @ W3, src, dst))
    z_mean = _propagate(h3 @ W4, src, dst)
    z_log_std = _propagate(h3 @ W5, src, dst)
    # reparameterization trick (eps is the pre-sampled standard normal noise)
    z = z_mean + eps * jnp.exp(z_log_std)
    # InnerProductDecoder with identity activation: flatten(z @ z^T)
    reconstructions = jnp.reshape(z @ z.T, (-1,))
    return reconstructions

if __name__ == "__main__":
    import jax
    _d = setup_inputs()
    print(jax.jit(kernel)(*tuple(_d.values())))

</pallas_src>

<mosaic_0001>
#map = affine_map<(d0, d1) -> (0, 0)>
#map1 = affine_map<(d0, d1) -> (0, 0, 0)>
module attributes {stable_mosaic.version = 14 : i64} {
  func.func @_seg_body(%arg0: i32, %arg1: i32, %arg2: memref<10000x128xf32, #tpu.memory_space<hbm>>, %arg3: memref<32x79x128xi32, #tpu.memory_space<hbm>>, %arg4: memref<32x79x128xi32, #tpu.memory_space<hbm>>, %arg5: memref<2x10000x128xf32, #tpu.memory_space<hbm>>, %arg6: memref<79x128xi32, #tpu.memory_space<vmem>>, %arg7: memref<79x128xi32, #tpu.memory_space<vmem>>, %arg8: memref<128x128xf32, #tpu.memory_space<vmem>>, %arg9: memref<10016x128xf32, #tpu.memory_space<vmem_shared>>, %arg10: memref<!tpu.dma_semaphore, #tpu.memory_space<semaphore_mem>>) attributes {dimension_semantics = [#tpu.dimension_semantics<core_parallel>, #tpu.dimension_semantics<subcore_parallel>], iteration_bounds = array<i64: 2, 16>, scalar_prefetch = 0 : i64, scratch_operands = 5 : i64, tpu.core_type = #tpu.core_type<sc_vector_subcore>, window_params = [{transform_indices = #map}, {transform_indices = #map1}, {transform_indices = #map1}, {transform_indices = #map1}]} {
    %mul3A = arith.constant 16 : i32
    %mul3A_0 = arith.muli %arg0, %mul3A : i32
    %add3A = arith.addi %mul3A_0, %arg1 : i32
    %lt3A = arith.constant 15 : i32
    %lt3A_1 = arith.cmpi slt, %arg1, %lt3A : i32
    %convert_element_type3A = arith.extui %lt3A_1 : i1 to i32
    %cond3A = arith.constant 0 : i32
    %cond3A_2 = arith.cmpi ne, %convert_element_type3A, %cond3A : i32
    scf.if %cond3A_2 {
      %mul3A_24 = arith.constant 632 : i32
      %mul3A_25 = arith.muli %arg1, %mul3A_24 : i32
      %mul3A_26 = arith.constant 632 : i32
      %mul3A_27 = arith.muli %arg1, %mul3A_26 : i32
      "tpu.region"() ({
        %run_scoped3A = tpu.sem_alloc : memref<!tpu.dma_semaphore, #tpu.memory_space<semaphore_mem>>
        %dma_start3A = arith.constant 0 : i32
        %dma_start3A_28 = tpu.memref_slice %arg9[%mul3A_27, %dma_start3A] : memref<10016x128xf32, #tpu.memory_space<vmem_shared>> -> memref<632x128xf32, #tpu.memory_space<vmem_shared>>
        %dma_start3A_29 = arith.constant 0 : i32
        %dma_start3A_30 = tpu.memref_slice %arg2[%mul3A_25, %dma_start3A_29] : memref<10000x128xf32, #tpu.memory_space<hbm>> -> memref<632x128xf32, #tpu.memory_space<hbm>>
        tpu.enqueue_dma source(%dma_start3A_30 : memref<632x128xf32, #tpu.memory_space<hbm>>) target(%dma_start3A_28 : memref<632x128xf32, #tpu.memory_space<vmem_shared>>) target_semaphore(%run_scoped3A : memref<!tpu.dma_semaphore, #tpu.memory_space<semaphore_mem>>)
        %dma_wait3A = arith.constant 0 : i32
        %dma_wait3A_31 = tpu.memref_slice %arg9[%mul3A_27, %dma_wait3A] : memref<10016x128xf32, #tpu.memory_space<vmem_shared>> -> memref<632x128xf32, #tpu.memory_space<vmem_shared>>
        %dma_wait3A_32 = arith.constant 0 : i32
        %dma_wait3A_33 = tpu.memref_slice %arg2[%mul3A_25, %dma_wait3A_32] : memref<10000x128xf32, #tpu.memory_space<hbm>> -> memref<632x128xf32, #tpu.memory_space<hbm>>
        tpu.wait_dma2 semaphore(%run_scoped3A : memref<!tpu.dma_semaphore, #tpu.memory_space<semaphore_mem>>) src(%dma_wait3A_33 : memref<632x128xf32, #tpu.memory_space<hbm>>) dst(%dma_wait3A_31 : memref<632x128xf32, #tpu.memory_space<vmem_shared>>)
        tpu.yield
      }) : () -> ()
    } else {
    }
    %eq3A = arith.constant 15 : i32
    %eq3A_3 = arith.cmpi eq, %arg1, %eq3A : i32
    %convert_element_type3A_4 = arith.extui %eq3A_3 : i1 to i32
    %cond3A_5 = arith.constant 0 : i32
    %cond3A_6 = arith.cmpi ne, %convert_element_type3A_4, %cond3A_5 : i32
    scf.if %cond3A_6 {
      "tpu.region"() ({
        %run_scoped3A = tpu.sem_alloc : memref<!tpu.dma_semaphore, #tpu.memory_space<semaphore_mem>>
        %dma_start3A = arith.constant 9480 : i32
        %dma_start3A_24 = arith.constant 0 : i32
        %dma_start3A_25 = tpu.memref_slice %arg9[%dma_start3A, %dma_start3A_24] : memref<10016x128xf32, #tpu.memory_space<vmem_shared>> -> memref<520x128xf32, #tpu.memory_space<vmem_shared>>
        %dma_start3A_26 = arith.constant 9480 : i32
        %dma_start3A_27 = arith.constant 0 : i32
        %dma_start3A_28 = tpu.memref_slice %arg2[%dma_start3A_26, %dma_start3A_27] : memref<10000x128xf32, #tpu.memory_space<hbm>> -> memref<520x128xf32, #tpu.memory_space<hbm>>
        tpu.enqueue_dma source(%dma_start3A_28 : memref<520x128xf32, #tpu.memory_space<hbm>>) target(%dma_start3A_25 : memref<520x128xf32, #tpu.memory_space<vmem_shared>>) target_semaphore(%run_scoped3A : memref<!tpu.dma_semaphore, #tpu.memory_space<semaphore_mem>>)
        %dma_wait3A = arith.constant 9480 : i32
        %dma_wait3A_29 = arith.constant 0 : i32
        %dma_wait3A_30 = tpu.memref_slice %arg9[%dma_wait3A, %dma_wait3A_29] : memref<10016x128xf32, #tpu.memory_space<vmem_shared>> -> memref<520x128xf32, #tpu.memory_space<vmem_shared>>
        %dma_wait3A_31 = arith.constant 9480 : i32
        %dma_wait3A_32 = arith.constant 0 : i32
        %dma_wait3A_33 = tpu.memref_slice %arg2[%dma_wait3A_31, %dma_wait3A_32] : memref<10000x128xf32, #tpu.memory_space<hbm>> -> memref<520x128xf32, #tpu.memory_space<hbm>>
        tpu.wait_dma2 semaphore(%run_scoped3A : memref<!tpu.dma_semaphore, #tpu.memory_space<semaphore_mem>>) src(%dma_wait3A_33 : memref<520x128xf32, #tpu.memory_space<hbm>>) dst(%dma_wait3A_30 : memref<520x128xf32, #tpu.memory_space<vmem_shared>>)
        tpu.yield
      }) : () -> ()
    } else {
    }
    "tpu.region"() ({
      %run_scoped3A = tpu.sem_alloc : memref<!tpu.dma_semaphore, #tpu.memory_space<semaphore_mem>>
      %dma_start3A = arith.constant 0 : i32
      %dma_start3A_24 = arith.constant 0 : i32
      %dma_start3A_25 = tpu.memref_slice %arg3[%add3A, %dma_start3A, %dma_start3A_24] : memref<32x79x128xi32, #tpu.memory_space<hbm>> -> memref<1x79x128xi32, #tpu.memory_space<hbm>>
      %dma_start3A_26 = tpu.memref_squeeze %dma_start3A_25 : memref<1x79x128xi32, #tpu.memory_space<hbm>> -> memref<79x128xi32, #tpu.memory_space<hbm>>
      %dma_start3A_27 = arith.constant 0 : i32
      %dma_start3A_28 = arith.constant 0 : i32
      %dma_start3A_29 = tpu.memref_slice %arg3[%add3A, %dma_start3A_27, %dma_start3A_28] : memref<32x79x128xi32, #tpu.memory_space<hbm>> -> memref<1x79x128xi32, #tpu.memory_space<hbm>>
      %dma_start3A_30 = tpu.memref_squeeze %dma_start3A_29 : memref<1x79x128xi32, #tpu.memory_space<hbm>> -> memref<79x128xi32, #tpu.memory_space<hbm>>
      tpu.enqueue_dma source(%dma_start3A_30 : memref<79x128xi32, #tpu.memory_space<hbm>>) target(%arg6 : memref<79x128xi32, #tpu.memory_space<vmem>>) target_semaphore(%run_scoped3A : memref<!tpu.dma_semaphore, #tpu.memory_space<semaphore_mem>>)
      %dma_wait3A = arith.constant 0 : i32
      %dma_wait3A_31 = arith.constant 0 : i32
      %dma_wait3A_32 = tpu.memref_slice %arg3[%add3A, %dma_wait3A, %dma_wait3A_31] : memref<32x79x128xi32, #tpu.memory_space<hbm>> -> memref<1x79x128xi32, #tpu.memory_space<hbm>>
      %dma_wait3A_33 = tpu.memref_squeeze %dma_wait3A_32 : memref<1x79x128xi32, #tpu.memory_space<hbm>> -> memref<79x128xi32, #tpu.memory_space<hbm>>
      %dma_wait3A_34 = arith.constant 0 : i32
      %dma_wait3A_35 = arith.constant 0 : i32
      %dma_wait3A_36 = tpu.memref_slice %arg3[%add3A, %dma_wait3A_34, %dma_wait3A_35] : memref<32x79x128xi32, #tpu.memory_space<hbm>> -> memref<1x79x128xi32, #tpu.memory_space<hbm>>
      %dma_wait3A_37 = tpu.memref_squeeze %dma_wait3A_36 : memref<1x79x128xi32, #tpu.memory_space<hbm>> -> memref<79x128xi32, #tpu.memory_space<hbm>>
      tpu.wait_dma2 semaphore(%run_scoped3A : memref<!tpu.dma_semaphore, #tpu.memory_space<semaphore_mem>>) src(%dma_wait3A_37 : memref<79x128xi32, #tpu.memory_space<hbm>>) dst(%arg6 : memref<79x128xi32, #tpu.memory_space<vmem>>)
      tpu.yield
    }) : () -> ()
    "tpu.region"() ({
      %run_scoped3A = tpu.sem_alloc : memref<!tpu.dma_semaphore, #tpu.memory_space<semaphore_mem>>
      %dma_start3A = arith.constant 0 : i32
      %dma_start3A_24 = arith.constant 0 : i32
      %dma_start3A_25 = tpu.memref_slice %arg4[%add3A, %dma_start3A, %dma_start3A_24] : memref<32x79x128xi32, #tpu.memory_space<hbm>> -> memref<1x79x128xi32, #tpu.memory_space<hbm>>
      %dma_start3A_26 = tpu.memref_squeeze %dma_start3A_25 : memref<1x79x128xi32, #tpu.memory_space<hbm>> -> memref<79x128xi32, #tpu.memory_space<hbm>>
      %dma_start3A_27 = arith.constant 0 : i32
      %dma_start3A_28 = arith.constant 0 : i32
      %dma_start3A_29 = tpu.memref_slice %arg4[%add3A, %dma_start3A_27, %dma_start3A_28] : memref<32x79x128xi32, #tpu.memory_space<hbm>> -> memref<1x79x128xi32, #tpu.memory_space<hbm>>
      %dma_start3A_30 = tpu.memref_squeeze %dma_start3A_29 : memref<1x79x128xi32, #tpu.memory_space<hbm>> -> memref<79x128xi32, #tpu.memory_space<hbm>>
      tpu.enqueue_dma source(%dma_start3A_30 : memref<79x128xi32, #tpu.memory_space<hbm>>) target(%arg7 : memref<79x128xi32, #tpu.memory_space<vmem>>) target_semaphore(%run_scoped3A : memref<!tpu.dma_semaphore, #tpu.memory_space<semaphore_mem>>)
      %dma_wait3A = arith.constant 0 : i32
      %dma_wait3A_31 = arith.constant 0 : i32
      %dma_wait3A_32 = tpu.memref_slice %arg4[%add3A, %dma_wait3A, %dma_wait3A_31] : memref<32x79x128xi32, #tpu.memory_space<hbm>> -> memref<1x79x128xi32, #tpu.memory_space<hbm>>
      %dma_wait3A_33 = tpu.memref_squeeze %dma_wait3A_32 : memref<1x79x128xi32, #tpu.memory_space<hbm>> -> memref<79x128xi32, #tpu.memory_space<hbm>>
      %dma_wait3A_34 = arith.constant 0 : i32
      %dma_wait3A_35 = arith.constant 0 : i32
      %dma_wait3A_36 = tpu.memref_slice %arg4[%add3A, %dma_wait3A_34, %dma_wait3A_35] : memref<32x79x128xi32, #tpu.memory_space<hbm>> -> memref<1x79x128xi32, #tpu.memory_space<hbm>>
      %dma_wait3A_37 = tpu.memref_squeeze %dma_wait3A_36 : memref<1x79x128xi32, #tpu.memory_space<hbm>> -> memref<79x128xi32, #tpu.memory_space<hbm>>
      tpu.wait_dma2 semaphore(%run_scoped3A : memref<!tpu.dma_semaphore, #tpu.memory_space<semaphore_mem>>) src(%dma_wait3A_37 : memref<79x128xi32, #tpu.memory_space<hbm>>) dst(%arg7 : memref<79x128xi32, #tpu.memory_space<vmem>>)
      tpu.yield
    }) : () -> ()
    %barrier3A = arith.constant 0 : index
    tpu.barrier barrier_id(%barrier3A)
    %scan3A = arith.constant 0 : i32
    %scan3A_7 = arith.constant 0 : i32
    %scan3A_8 = arith.constant 79 : i32
    %scan3A_9 = arith.addi %scan3A_7, %scan3A_8 : i32
    %scan3A_10 = arith.constant 1 : i32
    %scan3A_11 = scf.for %scan3A_24 = %scan3A_7 to %scan3A_9 step %scan3A_10 iter_args(%scan3A_25 = %scan3A) -> (i32)  : i32 {
      %dma_start3A = arith.constant 0 : i32
      %dma_start3A_26 = tpu.memref_slice %arg6[%scan3A_24, %dma_start3A] : memref<79x128xi32, #tpu.memory_space<vmem>> -> memref<1x128xi32, #tpu.memory_space<vmem>>
      %dma_start3A_27 = tpu.memref_squeeze %dma_start3A_26 : memref<1x128xi32, #tpu.memory_space<vmem>> -> memref<128xi32, #tpu.memory_space<vmem>>
      %dma_start3A_28 = arith.constant 0 : i32
      %dma_start3A_29 = arith.constant 0 : i32
      %dma_start3A_30 = tpu.memref_slice %arg2[%dma_start3A_28, %dma_start3A_29] : memref<10000x128xf32, #tpu.memory_space<hbm>> -> memref<10000x128xf32, #tpu.memory_space<hbm>>
      tpu.enqueue_indirect_dma source(%dma_start3A_30 : memref<10000x128xf32, #tpu.memory_space<hbm>>) target(%arg8 : memref<128x128xf32, #tpu.memory_space<vmem>>) offsets(%dma_start3A_27 : memref<128xi32, #tpu.memory_space<vmem>>) semaphore(%arg10 : memref<!tpu.dma_semaphore, #tpu.memory_space<semaphore_mem>>)
      %dma_wait3A = arith.constant 0 : i32
      %dma_wait3A_31 = tpu.memref_slice %arg6[%scan3A_24, %dma_wait3A] : memref<79x128xi32, #tpu.memory_space<vmem>> -> memref<1x128xi32, #tpu.memory_space<vmem>>
      %dma_wait3A_32 = tpu.memref_squeeze %dma_wait3A_31 : memref<1x128xi32, #tpu.memory_space<vmem>> -> memref<128xi32, #tpu.memory_space<vmem>>
      %dma_wait3A_33 = arith.constant 0 : i32
      %dma_wait3A_34 = arith.constant 0 : i32
      %dma_wait3A_35 = tpu.memref_slice %arg2[%dma_wait3A_33, %dma_wait3A_34] : memref<10000x128xf32, #tpu.memory_space<hbm>> -> memref<10000x128xf32, #tpu.memory_space<hbm>>
      tpu.wait_indirect_dma semaphore(%arg10 : memref<!tpu.dma_semaphore, #tpu.memory_space<semaphore_mem>>) src(%dma_wait3A_35 : memref<10000x128xf32, #tpu.memory_space<hbm>>) dst(%arg8 : memref<128x128xf32, #tpu.memory_space<vmem>>)
      "tpu.region"() ({
        %run_scoped3A = tpu.sem_alloc : memref<!tpu.dma_semaphore, #tpu.memory_space<semaphore_mem>>
        %dma_start3A_37 = arith.constant 0 : i32
        %dma_start3A_38 = tpu.memref_slice %arg7[%scan3A_24, %dma_start3A_37] : memref<79x128xi32, #tpu.memory_space<vmem>> -> memref<1x128xi32, #tpu.memory_space<vmem>>
        %dma_start3A_39 = tpu.memref_squeeze %dma_start3A_38 : memref<1x128xi32, #tpu.memory_space<vmem>> -> memref<128xi32, #tpu.memory_space<vmem>>
        %dma_start3A_40 = arith.constant 0 : i32
        %dma_start3A_41 = arith.constant 0 : i32
        %dma_start3A_42 = tpu.memref_slice %arg9[%dma_start3A_40, %dma_start3A_41] : memref<10016x128xf32, #tpu.memory_space<vmem_shared>> -> memref<10016x128xf32, #tpu.memory_space<vmem_shared>>
        tpu.enqueue_indirect_dma source(%arg8 : memref<128x128xf32, #tpu.memory_space<vmem>>) target(%dma_start3A_42 : memref<10016x128xf32, #tpu.memory_space<vmem_shared>>) offsets(%dma_start3A_39 : memref<128xi32, #tpu.memory_space<vmem>>) semaphore(%run_scoped3A : memref<!tpu.dma_semaphore, #tpu.memory_space<semaphore_mem>>) {add = true}
        %dma_wait3A_43 = arith.constant 0 : i32
        %dma_wait3A_44 = tpu.memref_slice %arg7[%scan3A_24, %dma_wait3A_43] : memref<79x128xi32, #tpu.memory_space<vmem>> -> memref<1x128xi32, #tpu.memory_space<vmem>>
        %dma_wait3A_45 = tpu.memref_squeeze %dma_wait3A_44 : memref<1x128xi32, #tpu.memory_space<vmem>> -> memref<128xi32, #tpu.memory_space<vmem>>
        %dma_wait3A_46 = arith.constant 0 : i32
        %dma_wait3A_47 = arith.constant 0 : i32
        %dma_wait3A_48 = tpu.memref_slice %arg9[%dma_wait3A_46, %dma_wait3A_47] : memref<10016x128xf32, #tpu.memory_space<vmem_shared>> -> memref<10016x128xf32, #tpu.memory_space<vmem_shared>>
        tpu.wait_indirect_dma semaphore(%run_scoped3A : memref<!tpu.dma_semaphore, #tpu.memory_space<semaphore_mem>>) src(%arg8 : memref<128x128xf32, #tpu.memory_space<vmem>>) dst(%dma_wait3A_48 : memref<10016x128xf32, #tpu.memory_space<vmem_shared>>)
        tpu.yield
      }) : () -> ()
      %scan3A_36 = arith.constant 0 : i32
      scf.yield %scan3A_36 : i32
    }
    %scan3A_12 = arith.constant 79 : i32
    %barrier3A_13 = arith.constant 0 : index
    tpu.barrier barrier_id(%barrier3A_13)
    %lt3A_14 = arith.constant 15 : i32
    %lt3A_15 = arith.cmpi slt, %arg1, %lt3A_14 : i32
    %convert_element_type3A_16 = arith.extui %lt3A_15 : i1 to i32
    %cond3A_17 = arith.constant 0 : i32
    %cond3A_18 = arith.cmpi ne, %convert_element_type3A_16, %cond3A_17 : i32
    scf.if %cond3A_18 {
      %mul3A_24 = arith.constant 632 : i32
      %mul3A_25 = arith.muli %arg1, %mul3A_24 : i32
      %mul3A_26 = arith.constant 632 : i32
      %mul3A_27 = arith.muli %arg1, %mul3A_26 : i32
      "tpu.region"() ({
        %run_scoped3A = tpu.sem_alloc : memref<!tpu.dma_semaphore, #tpu.memory_space<semaphore_mem>>
        %dma_start3A = arith.constant 0 : i32
        %dma_start3A_28 = arith.constant 0 : i32
        %dma_start3A_29 = tpu.memref_slice %arg5[%arg0, %dma_start3A, %dma_start3A_28] : memref<2x10000x128xf32, #tpu.memory_space<hbm>> -> memref<1x10000x128xf32, #tpu.memory_space<hbm>>
        %dma_start3A_30 = tpu.memref_squeeze %dma_start3A_29 : memref<1x10000x128xf32, #tpu.memory_space<hbm>> -> memref<10000x128xf32, #tpu.memory_space<hbm>>
        %dma_start3A_31 = arith.constant 0 : i32
        %dma_start3A_32 = tpu.memref_slice %dma_start3A_30[%mul3A_27, %dma_start3A_31] : memref<10000x128xf32, #tpu.memory_space<hbm>> -> memref<632x128xf32, #tpu.memory_space<hbm>>
        %dma_start3A_33 = arith.constant 0 : i32
        %dma_start3A_34 = tpu.memref_slice %arg9[%mul3A_25, %dma_start3A_33] : memref<10016x128xf32, #tpu.memory_space<vmem_shared>> -> memref<632x128xf32, #tpu.memory_space<vmem_shared>>
        tpu.enqueue_dma source(%dma_start3A_34 : memref<632x128xf32, #tpu.memory_space<vmem_shared>>) target(%dma_start3A_32 : memref<632x128xf32, #tpu.memory_space<hbm>>) target_semaphore(%run_scoped3A : memref<!tpu.dma_semaphore, #tpu.memory_space<semaphore_mem>>)
        %dma_wait3A = arith.constant 0 : i32
        %dma_wait3A_35 = arith.constant 0 : i32
        %dma_wait3A_36 = tpu.memref_slice %arg5[%arg0, %dma_wait3A, %dma_wait3A_35] : memref<2x10000x128xf32, #tpu.memory_space<hbm>> -> memref<1x10000x128xf32, #tpu.memory_space<hbm>>
        %dma_wait3A_37 = tpu.memref_squeeze %dma_wait3A_36 : memref<1x10000x128xf32, #tpu.memory_space<hbm>> -> memref<10000x128xf32, #tpu.memory_space<hbm>>
        %dma_wait3A_38 = arith.constant 0 : i32
        %dma_wait3A_39 = tpu.memref_slice %dma_wait3A_37[%mul3A_27, %dma_wait3A_38] : memref<10000x128xf32, #tpu.memory_space<hbm>> -> memref<632x128xf32, #tpu.memory_space<hbm>>
        %dma_wait3A_40 = arith.constant 0 : i32
        %dma_wait3A_41 = tpu.memref_slice %arg9[%mul3A_25, %dma_wait3A_40] : memref<10016x128xf32, #tpu.memory_space<vmem_shared>> -> memref<632x128xf32, #tpu.memory_space<vmem_shared>>
        tpu.wait_dma2 semaphore(%run_scoped3A : memref<!tpu.dma_semaphore, #tpu.memory_space<semaphore_mem>>) src(%dma_wait3A_41 : memref<632x128xf32, #tpu.memory_space<vmem_shared>>) dst(%dma_wait3A_39 : memref<632x128xf32, #tpu.memory_space<hbm>>)
        tpu.yield
      }) : () -> ()
    } else {
    }
    %eq3A_19 = arith.constant 15 : i32
    %eq3A_20 = arith.cmpi eq, %arg1, %eq3A_19 : i32
    %convert_element_type3A_21 = arith.extui %eq3A_20 : i1 to i32
    %cond3A_22 = arith.constant 0 : i32
    %cond3A_23 = arith.cmpi ne, %convert_element_type3A_21, %cond3A_22 : i32
    scf.if %cond3A_23 {
      "tpu.region"() ({
        %run_scoped3A = tpu.sem_alloc : memref<!tpu.dma_semaphore, #tpu.memory_space<semaphore_mem>>
        %dma_start3A = arith.constant 0 : i32
        %dma_start3A_24 = arith.constant 0 : i32
        %dma_start3A_25 = tpu.memref_slice %arg5[%arg0, %dma_start3A, %dma_start3A_24] : memref<2x10000x128xf32, #tpu.memory_space<hbm>> -> memref<1x10000x128xf32, #tpu.memory_space<hbm>>
        %dma_start3A_26 = tpu.memref_squeeze %dma_start3A_25 : memref<1x10000x128xf32, #tpu.memory_space<hbm>> -> memref<10000x128xf32, #tpu.memory_space<hbm>>
        %dma_start3A_27 = arith.constant 9480 : i32
        %dma_start3A_28 = arith.constant 0 : i32
        %dma_start3A_29 = tpu.memref_slice %dma_start3A_26[%dma_start3A_27, %dma_start3A_28] : memref<10000x128xf32, #tpu.memory_space<hbm>> -> memref<520x128xf32, #tpu.memory_space<hbm>>
        %dma_start3A_30 = arith.constant 9480 : i32
        %dma_start3A_31 = arith.constant 0 : i32
        %dma_start3A_32 = tpu.memref_slice %arg9[%dma_start3A_30, %dma_start3A_31] : memref<10016x128xf32, #tpu.memory_space<vmem_shared>> -> memref<520x128xf32, #tpu.memory_space<vmem_shared>>
        tpu.enqueue_dma source(%dma_start3A_32 : memref<520x128xf32, #tpu.memory_space<vmem_shared>>) target(%dma_start3A_29 : memref<520x128xf32, #tpu.memory_space<hbm>>) target_semaphore(%run_scoped3A : memref<!tpu.dma_semaphore, #tpu.memory_space<semaphore_mem>>)
        %dma_wait3A = arith.constant 0 : i32
        %dma_wait3A_33 = arith.constant 0 : i32
        %dma_wait3A_34 = tpu.memref_slice %arg5[%arg0, %dma_wait3A, %dma_wait3A_33] : memref<2x10000x128xf32, #tpu.memory_space<hbm>> -> memref<1x10000x128xf32, #tpu.memory_space<hbm>>
        %dma_wait3A_35 = tpu.memref_squeeze %dma_wait3A_34 : memref<1x10000x128xf32, #tpu.memory_space<hbm>> -> memref<10000x128xf32, #tpu.memory_space<hbm>>
        %dma_wait3A_36 = arith.constant 9480 : i32
        %dma_wait3A_37 = arith.constant 0 : i32
        %dma_wait3A_38 = tpu.memref_slice %dma_wait3A_35[%dma_wait3A_36, %dma_wait3A_37] : memref<10000x128xf32, #tpu.memory_space<hbm>> -> memref<520x128xf32, #tpu.memory_space<hbm>>
        %dma_wait3A_39 = arith.constant 9480 : i32
        %dma_wait3A_40 = arith.constant 0 : i32
        %dma_wait3A_41 = tpu.memref_slice %arg9[%dma_wait3A_39, %dma_wait3A_40] : memref<10016x128xf32, #tpu.memory_space<vmem_shared>> -> memref<520x128xf32, #tpu.memory_space<vmem_shared>>
        tpu.wait_dma2 semaphore(%run_scoped3A : memref<!tpu.dma_semaphore, #tpu.memory_space<semaphore_mem>>) src(%dma_wait3A_41 : memref<520x128xf32, #tpu.memory_space<vmem_shared>>) dst(%dma_wait3A_38 : memref<520x128xf32, #tpu.memory_space<hbm>>)
        tpu.yield
      }) : () -> ()
    } else {
    }
    return
  }
}

#map = affine_map<(d0, d1) -> (0, 0, 0)>
#map1 = affine_map<(d0, d1) -> (0, 0)>
module attributes {stable_mosaic.version = 14 : i64} {
  func.func @_deg_body(%arg0: i32, %arg1: i32, %arg2: memref<32x79x128xi32, #tpu.memory_space<hbm>>, %arg3: memref<10016x128xf32, #tpu.memory_space<hbm>>, %arg4: memref<128x128xf32, #tpu.memory_space<hbm>>, %arg5: memref<2x10000x128xf32, #tpu.memory_space<hbm>>, %arg6: memref<79x128xi32, #tpu.memory_space<vmem>>, %arg7: memref<128x128xf32, #tpu.memory_space<vmem>>, %arg8: memref<10016x128xf32, #tpu.memory_space<vmem_shared>>) attributes {dimension_semantics = [#tpu.dimension_semantics<core_parallel>, #tpu.dimension_semantics<subcore_parallel>], iteration_bounds = array<i64: 2, 16>, scalar_prefetch = 0 : i64, scratch_operands = 3 : i64, tpu.core_type = #tpu.core_type<sc_vector_subcore>, window_params = [{transform_indices = #map}, {transform_indices = #map1}, {transform_indices = #map1}, {transform_indices = #map}]} {
    %mul3A = arith.constant 16 : i32
    %mul3A_0 = arith.muli %arg0, %mul3A : i32
    %add3A = arith.addi %mul3A_0, %arg1 : i32
    %lt3A = arith.constant 15 : i32
    %lt3A_1 = arith.cmpi slt, %arg1, %lt3A : i32
    %convert_element_type3A = arith.extui %lt3A_1 : i1 to i32
    %cond3A = arith.constant 0 : i32
    %cond3A_2 = arith.cmpi ne, %convert_element_type3A, %cond3A : i32
    scf.if %cond3A_2 {
      %mul3A_24 = arith.constant 632 : i32
      %mul3A_25 = arith.muli %arg1, %mul3A_24 : i32
      %mul3A_26 = arith.constant 632 : i32
      %mul3A_27 = arith.muli %arg1, %mul3A_26 : i32
      "tpu.region"() ({
        %run_scoped3A = tpu.sem_alloc : memref<!tpu.dma_semaphore, #tpu.memory_space<semaphore_mem>>
        %dma_start3A = arith.constant 0 : i32
        %dma_start3A_28 = tpu.memref_slice %arg8[%mul3A_27, %dma_start3A] : memref<10016x128xf32, #tpu.memory_space<vmem_shared>> -> memref<632x128xf32, #tpu.memory_space<vmem_shared>>
        %dma_start3A_29 = arith.constant 0 : i32
        %dma_start3A_30 = tpu.memref_slice %arg3[%mul3A_25, %dma_start3A_29] : memref<10016x128xf32, #tpu.memory_space<hbm>> -> memref<632x128xf32, #tpu.memory_space<hbm>>
        tpu.enqueue_dma source(%dma_start3A_30 : memref<632x128xf32, #tpu.memory_space<hbm>>) target(%dma_start3A_28 : memref<632x128xf32, #tpu.memory_space<vmem_shared>>) target_semaphore(%run_scoped3A : memref<!tpu.dma_semaphore, #tpu.memory_space<semaphore_mem>>)
        %dma_wait3A = arith.constant 0 : i32
        %dma_wait3A_31 = tpu.memref_slice %arg8[%mul3A_27, %dma_wait3A] : memref<10016x128xf32, #tpu.memory_space<vmem_shared>> -> memref<632x128xf32, #tpu.memory_space<vmem_shared>>
        %dma_wait3A_32 = arith.constant 0 : i32
        %dma_wait3A_33 = tpu.memref_slice %arg3[%mul3A_25, %dma_wait3A_32] : memref<10016x128xf32, #tpu.memory_space<hbm>> -> memref<632x128xf32, #tpu.memory_space<hbm>>
        tpu.wait_dma2 semaphore(%run_scoped3A : memref<!tpu.dma_semaphore, #tpu.memory_space<semaphore_mem>>) src(%dma_wait3A_33 : memref<632x128xf32, #tpu.memory_space<hbm>>) dst(%dma_wait3A_31 : memref<632x128xf32, #tpu.memory_space<vmem_shared>>)
        tpu.yield
      }) : () -> ()
    } else {
    }
    %eq3A = arith.constant 15 : i32
    %eq3A_3 = arith.cmpi eq, %arg1, %eq3A : i32
    %convert_element_type3A_4 = arith.extui %eq3A_3 : i1 to i32
    %cond3A_5 = arith.constant 0 : i32
    %cond3A_6 = arith.cmpi ne, %convert_element_type3A_4, %cond3A_5 : i32
    scf.if %cond3A_6 {
      "tpu.region"() ({
        %run_scoped3A = tpu.sem_alloc : memref<!tpu.dma_semaphore, #tpu.memory_space<semaphore_mem>>
        %dma_start3A = arith.constant 9480 : i32
        %dma_start3A_24 = arith.constant 0 : i32
        %dma_start3A_25 = tpu.memref_slice %arg8[%dma_start3A, %dma_start3A_24] : memref<10016x128xf32, #tpu.memory_space<vmem_shared>> -> memref<536x128xf32, #tpu.memory_space<vmem_shared>>
        %dma_start3A_26 = arith.constant 9480 : i32
        %dma_start3A_27 = arith.constant 0 : i32
        %dma_start3A_28 = tpu.memref_slice %arg3[%dma_start3A_26, %dma_start3A_27] : memref<10016x128xf32, #tpu.memory_space<hbm>> -> memref<536x128xf32, #tpu.memory_space<hbm>>
        tpu.enqueue_dma source(%dma_start3A_28 : memref<536x128xf32, #tpu.memory_space<hbm>>) target(%dma_start3A_25 : memref<536x128xf32, #tpu.memory_space<vmem_shared>>) target_semaphore(%run_scoped3A : memref<!tpu.dma_semaphore, #tpu.memory_space<semaphore_mem>>)
        %dma_wait3A = arith.constant 9480 : i32
        %dma_wait3A_29 = arith.constant 0 : i32
        %dma_wait3A_30 = tpu.memref_slice %arg8[%dma_wait3A, %dma_wait3A_29] : memref<10016x128xf32, #tpu.memory_space<vmem_shared>> -> memref<536x128xf32, #tpu.memory_space<vmem_shared>>
        %dma_wait3A_31 = arith.constant 9480 : i32
        %dma_wait3A_32 = arith.constant 0 : i32
        %dma_wait3A_33 = tpu.memref_slice %arg3[%dma_wait3A_31, %dma_wait3A_32] : memref<10016x128xf32, #tpu.memory_space<hbm>> -> memref<536x128xf32, #tpu.memory_space<hbm>>
        tpu.wait_dma2 semaphore(%run_scoped3A : memref<!tpu.dma_semaphore, #tpu.memory_space<semaphore_mem>>) src(%dma_wait3A_33 : memref<536x128xf32, #tpu.memory_space<hbm>>) dst(%dma_wait3A_30 : memref<536x128xf32, #tpu.memory_space<vmem_shared>>)
        tpu.yield
      }) : () -> ()
    } else {
    }
    "tpu.region"() ({
      %run_scoped3A = tpu.sem_alloc : memref<!tpu.dma_semaphore, #tpu.memory_space<semaphore_mem>>
      %dma_start3A = arith.constant 0 : i32
      %dma_start3A_24 = arith.constant 0 : i32
      %dma_start3A_25 = tpu.memref_slice %arg2[%add3A, %dma_start3A, %dma_start3A_24] : memref<32x79x128xi32, #tpu.memory_space<hbm>> -> memref<1x79x128xi32, #tpu.memory_space<hbm>>
      %dma_start3A_26 = tpu.memref_squeeze %dma_start3A_25 : memref<1x79x128xi32, #tpu.memory_space<hbm>> -> memref<79x128xi32, #tpu.memory_space<hbm>>
      %dma_start3A_27 = arith.constant 0 : i32
      %dma_start3A_28 = arith.constant 0 : i32
      %dma_start3A_29 = tpu.memref_slice %arg2[%add3A, %dma_start3A_27, %dma_start3A_28] : memref<32x79x128xi32, #tpu.memory_space<hbm>> -> memref<1x79x128xi32, #tpu.memory_space<hbm>>
      %dma_start3A_30 = tpu.memref_squeeze %dma_start3A_29 : memref<1x79x128xi32, #tpu.memory_space<hbm>> -> memref<79x128xi32, #tpu.memory_space<hbm>>
      tpu.enqueue_dma source(%dma_start3A_30 : memref<79x128xi32, #tpu.memory_space<hbm>>) target(%arg6 : memref<79x128xi32, #tpu.memory_space<vmem>>) target_semaphore(%run_scoped3A : memref<!tpu.dma_semaphore, #tpu.memory_space<semaphore_mem>>)
      %dma_wait3A = arith.constant 0 : i32
      %dma_wait3A_31 = arith.constant 0 : i32
      %dma_wait3A_32 = tpu.memref_slice %arg2[%add3A, %dma_wait3A, %dma_wait3A_31] : memref<32x79x128xi32, #tpu.memory_space<hbm>> -> memref<1x79x128xi32, #tpu.memory_space<hbm>>
      %dma_wait3A_33 = tpu.memref_squeeze %dma_wait3A_32 : memref<1x79x128xi32, #tpu.memory_space<hbm>> -> memref<79x128xi32, #tpu.memory_space<hbm>>
      %dma_wait3A_34 = arith.constant 0 : i32
      %dma_wait3A_35 = arith.constant 0 : i32
      %dma_wait3A_36 = tpu.memref_slice %arg2[%add3A, %dma_wait3A_34, %dma_wait3A_35] : memref<32x79x128xi32, #tpu.memory_space<hbm>> -> memref<1x79x128xi32, #tpu.memory_space<hbm>>
      %dma_wait3A_37 = tpu.memref_squeeze %dma_wait3A_36 : memref<1x79x128xi32, #tpu.memory_space<hbm>> -> memref<79x128xi32, #tpu.memory_space<hbm>>
      tpu.wait_dma2 semaphore(%run_scoped3A : memref<!tpu.dma_semaphore, #tpu.memory_space<semaphore_mem>>) src(%dma_wait3A_37 : memref<79x128xi32, #tpu.memory_space<hbm>>) dst(%arg6 : memref<79x128xi32, #tpu.memory_space<vmem>>)
      tpu.yield
    }) : () -> ()
    "tpu.region"() ({
      %run_scoped3A = tpu.sem_alloc : memref<!tpu.dma_semaphore, #tpu.memory_space<semaphore_mem>>
      tpu.enqueue_dma source(%arg4 : memref<128x128xf32, #tpu.memory_space<hbm>>) target(%arg7 : memref<128x128xf32, #tpu.memory_space<vmem>>) target_semaphore(%run_scoped3A : memref<!tpu.dma_semaphore, #tpu.memory_space<semaphore_mem>>)
      tpu.wait_dma2 semaphore(%run_scoped3A : memref<!tpu.dma_semaphore, #tpu.memory_space<semaphore_mem>>) src(%arg4 : memref<128x128xf32, #tpu.memory_space<hbm>>) dst(%arg7 : memref<128x128xf32, #tpu.memory_space<vmem>>)
      tpu.yield
    }) : () -> ()
    %barrier3A = arith.constant 0 : index
    tpu.barrier barrier_id(%barrier3A)
    %scan3A = arith.constant 0 : i32
    %scan3A_7 = arith.constant 0 : i32
    %scan3A_8 = arith.constant 79 : i32
    %scan3A_9 = arith.addi %scan3A_7, %scan3A_8 : i32
    %scan3A_10 = arith.constant 1 : i32
    %scan3A_11 = scf.for %scan3A_24 = %scan3A_7 to %scan3A_9 step %scan3A_10 iter_args(%scan3A_25 = %scan3A) -> (i32)  : i32 {
      "tpu.region"() ({
        %run_scoped3A = tpu.sem_alloc : memref<!tpu.dma_semaphore, #tpu.memory_space<semaphore_mem>>
        %dma_start3A = arith.constant 0 : i32
        %dma_start3A_27 = tpu.memref_slice %arg6[%scan3A_24, %dma_start3A] : memref<79x128xi32, #tpu.memory_space<vmem>> -> memref<1x128xi32, #tpu.memory_space<vmem>>
        %dma_start3A_28 = tpu.memref_squeeze %dma_start3A_27 : memref<1x128xi32, #tpu.memory_space<vmem>> -> memref<128xi32, #tpu.memory_space<vmem>>
        %dma_start3A_29 = arith.constant 0 : i32
        %dma_start3A_30 = arith.constant 0 : i32
        %dma_start3A_31 = tpu.memref_slice %arg8[%dma_start3A_29, %dma_start3A_30] : memref<10016x128xf32, #tpu.memory_space<vmem_shared>> -> memref<10016x128xf32, #tpu.memory_space<vmem_shared>>
        tpu.enqueue_indirect_dma source(%arg7 : memref<128x128xf32, #tpu.memory_space<vmem>>) target(%dma_start3A_31 : memref<10016x128xf32, #tpu.memory_space<vmem_shared>>) offsets(%dma_start3A_28 : memref<128xi32, #tpu.memory_space<vmem>>) semaphore(%run_scoped3A : memref<!tpu.dma_semaphore, #tpu.memory_space<semaphore_mem>>) {add = true}
        %dma_wait3A = arith.constant 0 : i32
        %dma_wait3A_32 = tpu.memref_slice %arg6[%scan3A_24, %dma_wait3A] : memref<79x128xi32, #tpu.memory_space<vmem>> -> memref<1x128xi32, #tpu.memory_space<vmem>>
        %dma_wait3A_33 = tpu.memref_squeeze %dma_wait3A_32 : memref<1x128xi32, #tpu.memory_space<vmem>> -> memref<128xi32, #tpu.memory_space<vmem>>
        %dma_wait3A_34 = arith.constant 0 : i32
        %dma_wait3A_35 = arith.constant 0 : i32
        %dma_wait3A_36 = tpu.memref_slice %arg8[%dma_wait3A_34, %dma_wait3A_35] : memref<10016x128xf32, #tpu.memory_space<vmem_shared>> -> memref<10016x128xf32, #tpu.memory_space<vmem_shared>>
        tpu.wait_indirect_dma semaphore(%run_scoped3A : memref<!tpu.dma_semaphore, #tpu.memory_space<semaphore_mem>>) src(%arg7 : memref<128x128xf32, #tpu.memory_space<vmem>>) dst(%dma_wait3A_36 : memref<10016x128xf32, #tpu.memory_space<vmem_shared>>)
        tpu.yield
      }) : () -> ()
      %scan3A_26 = arith.constant 0 : i32
      scf.yield %scan3A_26 : i32
    }
    %scan3A_12 = arith.constant 79 : i32
    %barrier3A_13 = arith.constant 0 : index
    tpu.barrier barrier_id(%barrier3A_13)
    %lt3A_14 = arith.constant 15 : i32
    %lt3A_15 = arith.cmpi slt, %arg1, %lt3A_14 : i32
    %convert_element_type3A_16 = arith.extui %lt3A_15 : i1 to i32
    %cond3A_17 = arith.constant 0 : i32
    %cond3A_18 = arith.cmpi ne, %convert_element_type3A_16, %cond3A_17 : i32
    scf.if %cond3A_18 {
      %mul3A_24 = arith.constant 632 : i32
      %mul3A_25 = arith.muli %arg1, %mul3A_24 : i32
      %mul3A_26 = arith.constant 632 : i32
      %mul3A_27 = arith.muli %arg1, %mul3A_26 : i32
      "tpu.region"() ({
        %run_scoped3A = tpu.sem_alloc : memref<!tpu.dma_semaphore, #tpu.memory_space<semaphore_mem>>
        %dma_start3A = arith.constant 0 : i32
        %dma_start3A_28 = arith.constant 0 : i32
        %dma_start3A_29 = tpu.memref_slice %arg5[%arg0, %dma_start3A, %dma_start3A_28] : memref<2x10000x128xf32, #tpu.memory_space<hbm>> -> memref<1x10000x128xf32, #tpu.memory_space<hbm>>
        %dma_start3A_30 = tpu.memref_squeeze %dma_start3A_29 : memref<1x10000x128xf32, #tpu.memory_space<hbm>> -> memref<10000x128xf32, #tpu.memory_space<hbm>>
        %dma_start3A_31 = arith.constant 0 : i32
        %dma_start3A_32 = tpu.memref_slice %dma_start3A_30[%mul3A_27, %dma_start3A_31] : memref<10000x128xf32, #tpu.memory_space<hbm>> -> memref<632x128xf32, #tpu.memory_space<hbm>>
        %dma_start3A_33 = arith.constant 0 : i32
        %dma_start3A_34 = tpu.memref_slice %arg8[%mul3A_25, %dma_start3A_33] : memref<10016x128xf32, #tpu.memory_space<vmem_shared>> -> memref<632x128xf32, #tpu.memory_space<vmem_shared>>
        tpu.enqueue_dma source(%dma_start3A_34 : memref<632x128xf32, #tpu.memory_space<vmem_shared>>) target(%dma_start3A_32 : memref<632x128xf32, #tpu.memory_space<hbm>>) target_semaphore(%run_scoped3A : memref<!tpu.dma_semaphore, #tpu.memory_space<semaphore_mem>>)
        %dma_wait3A = arith.constant 0 : i32
        %dma_wait3A_35 = arith.constant 0 : i32
        %dma_wait3A_36 = tpu.memref_slice %arg5[%arg0, %dma_wait3A, %dma_wait3A_35] : memref<2x10000x128xf32, #tpu.memory_space<hbm>> -> memref<1x10000x128xf32, #tpu.memory_space<hbm>>
        %dma_wait3A_37 = tpu.memref_squeeze %dma_wait3A_36 : memref<1x10000x128xf32, #tpu.memory_space<hbm>> -> memref<10000x128xf32, #tpu.memory_space<hbm>>
        %dma_wait3A_38 = arith.constant 0 : i32
        %dma_wait3A_39 = tpu.memref_slice %dma_wait3A_37[%mul3A_27, %dma_wait3A_38] : memref<10000x128xf32, #tpu.memory_space<hbm>> -> memref<632x128xf32, #tpu.memory_space<hbm>>
        %dma_wait3A_40 = arith.constant 0 : i32
        %dma_wait3A_41 = tpu.memref_slice %arg8[%mul3A_25, %dma_wait3A_40] : memref<10016x128xf32, #tpu.memory_space<vmem_shared>> -> memref<632x128xf32, #tpu.memory_space<vmem_shared>>
        tpu.wait_dma2 semaphore(%run_scoped3A : memref<!tpu.dma_semaphore, #tpu.memory_space<semaphore_mem>>) src(%dma_wait3A_41 : memref<632x128xf32, #tpu.memory_space<vmem_shared>>) dst(%dma_wait3A_39 : memref<632x128xf32, #tpu.memory_space<hbm>>)
        tpu.yield
      }) : () -> ()
    } else {
    }
    %eq3A_19 = arith.constant 15 : i32
    %eq3A_20 = arith.cmpi eq, %arg1, %eq3A_19 : i32
    %convert_element_type3A_21 = arith.extui %eq3A_20 : i1 to i32
    %cond3A_22 = arith.constant 0 : i32
    %cond3A_23 = arith.cmpi ne, %convert_element_type3A_21, %cond3A_22 : i32
    scf.if %cond3A_23 {
      "tpu.region"() ({
        %run_scoped3A = tpu.sem_alloc : memref<!tpu.dma_semaphore, #tpu.memory_space<semaphore_mem>>
        %dma_start3A = arith.constant 0 : i32
        %dma_start3A_24 = arith.constant 0 : i32
        %dma_start3A_25 = tpu.memref_slice %arg5[%arg0, %dma_start3A, %dma_start3A_24] : memref<2x10000x128xf32, #tpu.memory_space<hbm>> -> memref<1x10000x128xf32, #tpu.memory_space<hbm>>
        %dma_start3A_26 = tpu.memref_squeeze %dma_start3A_25 : memref<1x10000x128xf32, #tpu.memory_space<hbm>> -> memref<10000x128xf32, #tpu.memory_space<hbm>>
        %dma_start3A_27 = arith.constant 9480 : i32
        %dma_start3A_28 = arith.constant 0 : i32
        %dma_start3A_29 = tpu.memref_slice %dma_start3A_26[%dma_start3A_27, %dma_start3A_28] : memref<10000x128xf32, #tpu.memory_space<hbm>> -> memref<520x128xf32, #tpu.memory_space<hbm>>
        %dma_start3A_30 = arith.constant 9480 : i32
        %dma_start3A_31 = arith.constant 0 : i32
        %dma_start3A_32 = tpu.memref_slice %arg8[%dma_start3A_30, %dma_start3A_31] : memref<10016x128xf32, #tpu.memory_space<vmem_shared>> -> memref<520x128xf32, #tpu.memory_space<vmem_shared>>
        tpu.enqueue_dma source(%dma_start3A_32 : memref<520x128xf32, #tpu.memory_space<vmem_shared>>) target(%dma_start3A_29 : memref<520x128xf32, #tpu.memory_space<hbm>>) target_semaphore(%run_scoped3A : memref<!tpu.dma_semaphore, #tpu.memory_space<semaphore_mem>>)
        %dma_wait3A = arith.constant 0 : i32
        %dma_wait3A_33 = arith.constant 0 : i32
        %dma_wait3A_34 = tpu.memref_slice %arg5[%arg0, %dma_wait3A, %dma_wait3A_33] : memref<2x10000x128xf32, #tpu.memory_space<hbm>> -> memref<1x10000x128xf32, #tpu.memory_space<hbm>>
        %dma_wait3A_35 = tpu.memref_squeeze %dma_wait3A_34 : memref<1x10000x128xf32, #tpu.memory_space<hbm>> -> memref<10000x128xf32, #tpu.memory_space<hbm>>
        %dma_wait3A_36 = arith.constant 9480 : i32
        %dma_wait3A_37 = arith.constant 0 : i32
        %dma_wait3A_38 = tpu.memref_slice %dma_wait3A_35[%dma_wait3A_36, %dma_wait3A_37] : memref<10000x128xf32, #tpu.memory_space<hbm>> -> memref<520x128xf32, #tpu.memory_space<hbm>>
        %dma_wait3A_39 = arith.constant 9480 : i32
        %dma_wait3A_40 = arith.constant 0 : i32
        %dma_wait3A_41 = tpu.memref_slice %arg8[%dma_wait3A_39, %dma_wait3A_40] : memref<10016x128xf32, #tpu.memory_space<vmem_shared>> -> memref<520x128xf32, #tpu.memory_space<vmem_shared>>
        tpu.wait_dma2 semaphore(%run_scoped3A : memref<!tpu.dma_semaphore, #tpu.memory_space<semaphore_mem>>) src(%dma_wait3A_41 : memref<520x128xf32, #tpu.memory_space<vmem_shared>>) dst(%dma_wait3A_38 : memref<520x128xf32, #tpu.memory_space<hbm>>)
        tpu.yield
      }) : () -> ()
    } else {
    }
    return
  }
}

#map = affine_map<(d0, d1) -> (0, 0)>
#map1 = affine_map<(d0, d1) -> (0, 0, 0)>
module attributes {stable_mosaic.version = 14 : i64} {
  func.func @_seg_body(%arg0: i32, %arg1: i32, %arg2: memref<10000x128xf32, #tpu.memory_space<hbm>>, %arg3: memref<32x79x128xi32, #tpu.memory_space<hbm>>, %arg4: memref<32x79x128xi32, #tpu.memory_space<hbm>>, %arg5: memref<2x10000x128xf32, #tpu.memory_space<hbm>>, %arg6: memref<79x128xi32, #tpu.memory_space<vmem>>, %arg7: memref<79x128xi32, #tpu.memory_space<vmem>>, %arg8: memref<128x128xf32, #tpu.memory_space<vmem>>, %arg9: memref<10016x128xf32, #tpu.memory_space<vmem_shared>>, %arg10: memref<!tpu.dma_semaphore, #tpu.memory_space<semaphore_mem>>) attributes {dimension_semantics = [#tpu.dimension_semantics<core_parallel>, #tpu.dimension_semantics<subcore_parallel>], iteration_bounds = array<i64: 2, 16>, scalar_prefetch = 0 : i64, scratch_operands = 5 : i64, tpu.core_type = #tpu.core_type<sc_vector_subcore>, window_params = [{transform_indices = #map}, {transform_indices = #map1}, {transform_indices = #map1}, {transform_indices = #map1}]} {
    %mul3A = arith.constant 16 : i32
    %mul3A_0 = arith.muli %arg0, %mul3A : i32
    %add3A = arith.addi %mul3A_0, %arg1 : i32
    %lt3A = arith.constant 15 : i32
    %lt3A_1 = arith.cmpi slt, %arg1, %lt3A : i32
    %convert_element_type3A = arith.extui %lt3A_1 : i1 to i32
    %cond3A = arith.constant 0 : i32
    %cond3A_2 = arith.cmpi ne, %convert_element_type3A, %cond3A : i32
    scf.if %cond3A_2 {
      %mul3A_24 = arith.constant 632 : i32
      %mul3A_25 = arith.muli %arg1, %mul3A_24 : i32
      %mul3A_26 = arith.constant 632 : i32
      %mul3A_27 = arith.muli %arg1, %mul3A_26 : i32
      "tpu.region"() ({
        %run_scoped3A = tpu.sem_alloc : memref<!tpu.dma_semaphore, #tpu.memory_space<semaphore_mem>>
        %dma_start3A = arith.constant 0 : i32
        %dma_start3A_28 = tpu.memref_slice %arg9[%mul3A_27, %dma_start3A] : memref<10016x128xf32, #tpu.memory_space<vmem_shared>> -> memref<632x128xf32, #tpu.memory_space<vmem_shared>>
        %dma_start3A_29 = arith.constant 0 : i32
        %dma_start3A_30 = tpu.memref_slice %arg2[%mul3A_25, %dma_start3A_29] : memref<10000x128xf32, #tpu.memory_space<hbm>> -> memref<632x128xf32, #tpu.memory_space<hbm>>
        tpu.enqueue_dma source(%dma_start3A_30 : memref<632x128xf32, #tpu.memory_space<hbm>>) target(%dma_start3A_28 : memref<632x128xf32, #tpu.memory_space<vmem_shared>>) target_semaphore(%run_scoped3A : memref<!tpu.dma_semaphore, #tpu.memory_space<semaphore_mem>>)
        %dma_wait3A = arith.constant 0 : i32
        %dma_wait3A_31 = tpu.memref_slice %arg9[%mul3A_27, %dma_wait3A] : memref<10016x128xf32, #tpu.memory_space<vmem_shared>> -> memref<632x128xf32, #tpu.memory_space<vmem_shared>>
        %dma_wait3A_32 = arith.constant 0 : i32
        %dma_wait3A_33 = tpu.memref_slice %arg2[%mul3A_25, %dma_wait3A_32] : memref<10000x128xf32, #tpu.memory_space<hbm>> -> memref<632x128xf32, #tpu.memory_space<hbm>>
        tpu.wait_dma2 semaphore(%run_scoped3A : memref<!tpu.dma_semaphore, #tpu.memory_space<semaphore_mem>>) src(%dma_wait3A_33 : memref<632x128xf32, #tpu.memory_space<hbm>>) dst(%dma_wait3A_31 : memref<632x128xf32, #tpu.memory_space<vmem_shared>>)
        tpu.yield
      }) : () -> ()
    } else {
    }
    %eq3A = arith.constant 15 : i32
    %eq3A_3 = arith.cmpi eq, %arg1, %eq3A : i32
    %convert_element_type3A_4 = arith.extui %eq3A_3 : i1 to i32
    %cond3A_5 = arith.constant 0 : i32
    %cond3A_6 = arith.cmpi ne, %convert_element_type3A_4, %cond3A_5 : i32
    scf.if %cond3A_6 {
      "tpu.region"() ({
        %run_scoped3A = tpu.sem_alloc : memref<!tpu.dma_semaphore, #tpu.memory_space<semaphore_mem>>
        %dma_start3A = arith.constant 9480 : i32
        %dma_start3A_24 = arith.constant 0 : i32
        %dma_start3A_25 = tpu.memref_slice %arg9[%dma_start3A, %dma_start3A_24] : memref<10016x128xf32, #tpu.memory_space<vmem_shared>> -> memref<520x128xf32, #tpu.memory_space<vmem_shared>>
        %dma_start3A_26 = arith.constant 9480 : i32
        %dma_start3A_27 = arith.constant 0 : i32
        %dma_start3A_28 = tpu.memref_slice %arg2[%dma_start3A_26, %dma_start3A_27] : memref<10000x128xf32, #tpu.memory_space<hbm>> -> memref<520x128xf32, #tpu.memory_space<hbm>>
        tpu.enqueue_dma source(%dma_start3A_28 : memref<520x128xf32, #tpu.memory_space<hbm>>) target(%dma_start3A_25 : memref<520x128xf32, #tpu.memory_space<vmem_shared>>) target_semaphore(%run_scoped3A : memref<!tpu.dma_semaphore, #tpu.memory_space<semaphore_mem>>)
        %dma_wait3A = arith.constant 9480 : i32
        %dma_wait3A_29 = arith.constant 0 : i32
        %dma_wait3A_30 = tpu.memref_slice %arg9[%dma_wait3A, %dma_wait3A_29] : memref<10016x128xf32, #tpu.memory_space<vmem_shared>> -> memref<520x128xf32, #tpu.memory_space<vmem_shared>>
        %dma_wait3A_31 = arith.constant 9480 : i32
        %dma_wait3A_32 = arith.constant 0 : i32
        %dma_wait3A_33 = tpu.memref_slice %arg2[%dma_wait3A_31, %dma_wait3A_32] : memref<10000x128xf32, #tpu.memory_space<hbm>> -> memref<520x128xf32, #tpu.memory_space<hbm>>
        tpu.wait_dma2 semaphore(%run_scoped3A : memref<!tpu.dma_semaphore, #tpu.memory_space<semaphore_mem>>) src(%dma_wait3A_33 : memref<520x128xf32, #tpu.memory_space<hbm>>) dst(%dma_wait3A_30 : memref<520x128xf32, #tpu.memory_space<vmem_shared>>)
        tpu.yield
      }) : () -> ()
    } else {
    }
    "tpu.region"() ({
      %run_scoped3A = tpu.sem_alloc : memref<!tpu.dma_semaphore, #tpu.memory_space<semaphore_mem>>
      %dma_start3A = arith.constant 0 : i32
      %dma_start3A_24 = arith.constant 0 : i32
      %dma_start3A_25 = tpu.memref_slice %arg3[%add3A, %dma_start3A, %dma_start3A_24] : memref<32x79x128xi32, #tpu.memory_space<hbm>> -> memref<1x79x128xi32, #tpu.memory_space<hbm>>
      %dma_start3A_26 = tpu.memref_squeeze %dma_start3A_25 : memref<1x79x128xi32, #tpu.memory_space<hbm>> -> memref<79x128xi32, #tpu.memory_space<hbm>>
      %dma_start3A_27 = arith.constant 0 : i32
      %dma_start3A_28 = arith.constant 0 : i32
      %dma_start3A_29 = tpu.memref_slice %arg3[%add3A, %dma_start3A_27, %dma_start3A_28] : memref<32x79x128xi32, #tpu.memory_space<hbm>> -> memref<1x79x128xi32, #tpu.memory_space<hbm>>
      %dma_start3A_30 = tpu.memref_squeeze %dma_start3A_29 : memref<1x79x128xi32, #tpu.memory_space<hbm>> -> memref<79x128xi32, #tpu.memory_space<hbm>>
      tpu.enqueue_dma source(%dma_start3A_30 : memref<79x128xi32, #tpu.memory_space<hbm>>) target(%arg6 : memref<79x128xi32, #tpu.memory_space<vmem>>) target_semaphore(%run_scoped3A : memref<!tpu.dma_semaphore, #tpu.memory_space<semaphore_mem>>)
      %dma_wait3A = arith.constant 0 : i32
      %dma_wait3A_31 = arith.constant 0 : i32
      %dma_wait3A_32 = tpu.memref_slice %arg3[%add3A, %dma_wait3A, %dma_wait3A_31] : memref<32x79x128xi32, #tpu.memory_space<hbm>> -> memref<1x79x128xi32, #tpu.memory_space<hbm>>
      %dma_wait3A_33 = tpu.memref_squeeze %dma_wait3A_32 : memref<1x79x128xi32, #tpu.memory_space<hbm>> -> memref<79x128xi32, #tpu.memory_space<hbm>>
      %dma_wait3A_34 = arith.constant 0 : i32
      %dma_wait3A_35 = arith.constant 0 : i32
      %dma_wait3A_36 = tpu.memref_slice %arg3[%add3A, %dma_wait3A_34, %dma_wait3A_35] : memref<32x79x128xi32, #tpu.memory_space<hbm>> -> memref<1x79x128xi32, #tpu.memory_space<hbm>>
      %dma_wait3A_37 = tpu.memref_squeeze %dma_wait3A_36 : memref<1x79x128xi32, #tpu.memory_space<hbm>> -> memref<79x128xi32, #tpu.memory_space<hbm>>
      tpu.wait_dma2 semaphore(%run_scoped3A : memref<!tpu.dma_semaphore, #tpu.memory_space<semaphore_mem>>) src(%dma_wait3A_37 : memref<79x128xi32, #tpu.memory_space<hbm>>) dst(%arg6 : memref<79x128xi32, #tpu.memory_space<vmem>>)
      tpu.yield
    }) : () -> ()
    "tpu.region"() ({
      %run_scoped3A = tpu.sem_alloc : memref<!tpu.dma_semaphore, #tpu.memory_space<semaphore_mem>>
      %dma_start3A = arith.constant 0 : i32
      %dma_start3A_24 = arith.constant 0 : i32
      %dma_start3A_25 = tpu.memref_slice %arg4[%add3A, %dma_start3A, %dma_start3A_24] : memref<32x79x128xi32, #tpu.memory_space<hbm>> -> memref<1x79x128xi32, #tpu.memory_space<hbm>>
      %dma_start3A_26 = tpu.memref_squeeze %dma_start3A_25 : memref<1x79x128xi32, #tpu.memory_space<hbm>> -> memref<79x128xi32, #tpu.memory_space<hbm>>
      %dma_start3A_27 = arith.constant 0 : i32
      %dma_start3A_28 = arith.constant 0 : i32
      %dma_start3A_29 = tpu.memref_slice %arg4[%add3A, %dma_start3A_27, %dma_start3A_28] : memref<32x79x128xi32, #tpu.memory_space<hbm>> -> memref<1x79x128xi32, #tpu.memory_space<hbm>>
      %dma_start3A_30 = tpu.memref_squeeze %dma_start3A_29 : memref<1x79x128xi32, #tpu.memory_space<hbm>> -> memref<79x128xi32, #tpu.memory_space<hbm>>
      tpu.enqueue_dma source(%dma_start3A_30 : memref<79x128xi32, #tpu.memory_space<hbm>>) target(%arg7 : memref<79x128xi32, #tpu.memory_space<vmem>>) target_semaphore(%run_scoped3A : memref<!tpu.dma_semaphore, #tpu.memory_space<semaphore_mem>>)
      %dma_wait3A = arith.constant 0 : i32
      %dma_wait3A_31 = arith.constant 0 : i32
      %dma_wait3A_32 = tpu.memref_slice %arg4[%add3A, %dma_wait3A, %dma_wait3A_31] : memref<32x79x128xi32, #tpu.memory_space<hbm>> -> memref<1x79x128xi32, #tpu.memory_space<hbm>>
      %dma_wait3A_33 = tpu.memref_squeeze %dma_wait3A_32 : memref<1x79x128xi32, #tpu.memory_space<hbm>> -> memref<79x128xi32, #tpu.memory_space<hbm>>
      %dma_wait3A_34 = arith.constant 0 : i32
      %dma_wait3A_35 = arith.constant 0 : i32
      %dma_wait3A_36 = tpu.memref_slice %arg4[%add3A, %dma_wait3A_34, %dma_wait3A_35] : memref<32x79x128xi32, #tpu.memory_space<hbm>> -> memref<1x79x128xi32, #tpu.memory_space<hbm>>
      %dma_wait3A_37 = tpu.memref_squeeze %dma_wait3A_36 : memref<1x79x128xi32, #tpu.memory_space<hbm>> -> memref<79x128xi32, #tpu.memory_space<hbm>>
      tpu.wait_dma2 semaphore(%run_scoped3A : memref<!tpu.dma_semaphore, #tpu.memory_space<semaphore_mem>>) src(%dma_wait3A_37 : memref<79x128xi32, #tpu.memory_space<hbm>>) dst(%arg7 : memref<79x128xi32, #tpu.memory_space<vmem>>)
      tpu.yield
    }) : () -> ()
    %barrier3A = arith.constant 0 : index
    tpu.barrier barrier_id(%barrier3A)
    %scan3A = arith.constant 0 : i32
    %scan3A_7 = arith.constant 0 : i32
    %scan3A_8 = arith.constant 79 : i32
    %scan3A_9 = arith.addi %scan3A_7, %scan3A_8 : i32
    %scan3A_10 = arith.constant 1 : i32
    %scan3A_11 = scf.for %scan3A_24 = %scan3A_7 to %scan3A_9 step %scan3A_10 iter_args(%scan3A_25 = %scan3A) -> (i32)  : i32 {
      %dma_start3A = arith.constant 0 : i32
      %dma_start3A_26 = tpu.memref_slice %arg6[%scan3A_24, %dma_start3A] : memref<79x128xi32, #tpu.memory_space<vmem>> -> memref<1x128xi32, #tpu.memory_space<vmem>>
      %dma_start3A_27 = tpu.memref_squeeze %dma_start3A_26 : memref<1x128xi32, #tpu.memory_space<vmem>> -> memref<128xi32, #tpu.memory_space<vmem>>
      %dma_start3A_28 = arith.constant 0 : i32
      %dma_start3A_29 = arith.constant 0 : i32
      %dma_start3A_30 = tpu.memref_slice %arg2[%dma_start3A_28, %dma_start3A_29] : memref<10000x128xf32, #tpu.memory_space<hbm>> -> memref<10000x128xf32, #tpu.memory_space<hbm>>
      tpu.enqueue_indirect_dma source(%dma_start3A_30 : memref<10000x128xf32, #tpu.memory_space<hbm>>) target(%arg8 : memref<128x128xf32, #tpu.memory_space<vmem>>) offsets(%dma_start3A_27 : memref<128xi32, #tpu.memory_space<vmem>>) semaphore(%arg10 : memref<!tpu.dma_semaphore, #tpu.memory_space<semaphore_mem>>)
      %dma_wait3A = arith.constant 0 : i32
      %dma_wait3A_31 = tpu.memref_slice %arg6[%scan3A_24, %dma_wait3A] : memref<79x128xi32, #tpu.memory_space<vmem>> -> memref<1x128xi32, #tpu.memory_space<vmem>>
      %dma_wait3A_32 = tpu.memref_squeeze %dma_wait3A_31 : memref<1x128xi32, #tpu.memory_space<vmem>> -> memref<128xi32, #tpu.memory_space<vmem>>
      %dma_wait3A_33 = arith.constant 0 : i32
      %dma_wait3A_34 = arith.constant 0 : i32
      %dma_wait3A_35 = tpu.memref_slice %arg2[%dma_wait3A_33, %dma_wait3A_34] : memref<10000x128xf32, #tpu.memory_space<hbm>> -> memref<10000x128xf32, #tpu.memory_space<hbm>>
      tpu.wait_indirect_dma semaphore(%arg10 : memref<!tpu.dma_semaphore, #tpu.memory_space<semaphore_mem>>) src(%dma_wait3A_35 : memref<10000x128xf32, #tpu.memory_space<hbm>>) dst(%arg8 : memref<128x128xf32, #tpu.memory_space<vmem>>)
      "tpu.region"() ({
        %run_scoped3A = tpu.sem_alloc : memref<!tpu.dma_semaphore, #tpu.memory_space<semaphore_mem>>
        %dma_start3A_37 = arith.constant 0 : i32
        %dma_start3A_38 = tpu.memref_slice %arg7[%scan3A_24, %dma_start3A_37] : memref<79x128xi32, #tpu.memory_space<vmem>> -> memref<1x128xi32, #tpu.memory_space<vmem>>
        %dma_start3A_39 = tpu.memref_squeeze %dma_start3A_38 : memref<1x128xi32, #tpu.memory_space<vmem>> -> memref<128xi32, #tpu.memory_space<vmem>>
        %dma_start3A_40 = arith.constant 0 : i32
        %dma_start3A_41 = arith.constant 0 : i32
        %dma_start3A_42 = tpu.memref_slice %arg9[%dma_start3A_40, %dma_start3A_41] : memref<10016x128xf32, #tpu.memory_space<vmem_shared>> -> memref<10016x128xf32, #tpu.memory_space<vmem_shared>>
        tpu.enqueue_indirect_dma source(%arg8 : memref<128x128xf32, #tpu.memory_space<vmem>>) target(%dma_start3A_42 : memref<10016x128xf32, #tpu.memory_space<vmem_shared>>) offsets(%dma_start3A_39 : memref<128xi32, #tpu.memory_space<vmem>>) semaphore(%run_scoped3A : memref<!tpu.dma_semaphore, #tpu.memory_space<semaphore_mem>>) {add = true}
        %dma_wait3A_43 = arith.constant 0 : i32
        %dma_wait3A_44 = tpu.memref_slice %arg7[%scan3A_24, %dma_wait3A_43] : memref<79x128xi32, #tpu.memory_space<vmem>> -> memref<1x128xi32, #tpu.memory_space<vmem>>
        %dma_wait3A_45 = tpu.memref_squeeze %dma_wait3A_44 : memref<1x128xi32, #tpu.memory_space<vmem>> -> memref<128xi32, #tpu.memory_space<vmem>>
        %dma_wait3A_46 = arith.constant 0 : i32
        %dma_wait3A_47 = arith.constant 0 : i32
        %dma_wait3A_48 = tpu.memref_slice %arg9[%dma_wait3A_46, %dma_wait3A_47] : memref<10016x128xf32, #tpu.memory_space<vmem_shared>> -> memref<10016x128xf32, #tpu.memory_space<vmem_shared>>
        tpu.wait_indirect_dma semaphore(%run_scoped3A : memref<!tpu.dma_semaphore, #tpu.memory_space<semaphore_mem>>) src(%arg8 : memref<128x128xf32, #tpu.memory_space<vmem>>) dst(%dma_wait3A_48 : memref<10016x128xf32, #tpu.memory_space<vmem_shared>>)
        tpu.yield
      }) : () -> ()
      %scan3A_36 = arith.constant 0 : i32
      scf.yield %scan3A_36 : i32
    }
    %scan3A_12 = arith.constant 79 : i32
    %barrier3A_13 = arith.constant 0 : index
    tpu.barrier barrier_id(%barrier3A_13)
    %lt3A_14 = arith.constant 15 : i32
    %lt3A_15 = arith.cmpi slt, %arg1, %lt3A_14 : i32
    %convert_element_type3A_16 = arith.extui %lt3A_15 : i1 to i32
    %cond3A_17 = arith.constant 0 : i32
    %cond3A_18 = arith.cmpi ne, %convert_element_type3A_16, %cond3A_17 : i32
    scf.if %cond3A_18 {
      %mul3A_24 = arith.constant 632 : i32
      %mul3A_25 = arith.muli %arg1, %mul3A_24 : i32
      %mul3A_26 = arith.constant 632 : i32
      %mul3A_27 = arith.muli %arg1, %mul3A_26 : i32
      "tpu.region"() ({
        %run_scoped3A = tpu.sem_alloc : memref<!tpu.dma_semaphore, #tpu.memory_space<semaphore_mem>>
        %dma_start3A = arith.constant 0 : i32
        %dma_start3A_28 = arith.constant 0 : i32
        %dma_start3A_29 = tpu.memref_slice %arg5[%arg0, %dma_start3A, %dma_start3A_28] : memref<2x10000x128xf32, #tpu.memory_space<hbm>> -> memref<1x10000x128xf32, #tpu.memory_space<hbm>>
        %dma_start3A_30 = tpu.memref_squeeze %dma_start3A_29 : memref<1x10000x128xf32, #tpu.memory_space<hbm>> -> memref<10000x128xf32, #tpu.memory_space<hbm>>
        %dma_start3A_31 = arith.constant 0 : i32
        %dma_start3A_32 = tpu.memref_slice %dma_start3A_30[%mul3A_27, %dma_start3A_31] : memref<10000x128xf32, #tpu.memory_space<hbm>> -> memref<632x128xf32, #tpu.memory_space<hbm>>
        %dma_start3A_33 = arith.constant 0 : i32
        %dma_start3A_34 = tpu.memref_slice %arg9[%mul3A_25, %dma_start3A_33] : memref<10016x128xf32, #tpu.memory_space<vmem_shared>> -> memref<632x128xf32, #tpu.memory_space<vmem_shared>>
        tpu.enqueue_dma source(%dma_start3A_34 : memref<632x128xf32, #tpu.memory_space<vmem_shared>>) target(%dma_start3A_32 : memref<632x128xf32, #tpu.memory_space<hbm>>) target_semaphore(%run_scoped3A : memref<!tpu.dma_semaphore, #tpu.memory_space<semaphore_mem>>)
        %dma_wait3A = arith.constant 0 : i32
        %dma_wait3A_35 = arith.constant 0 : i32
        %dma_wait3A_36 = tpu.memref_slice %arg5[%arg0, %dma_wait3A, %dma_wait3A_35] : memref<2x10000x128xf32, #tpu.memory_space<hbm>> -> memref<1x10000x128xf32, #tpu.memory_space<hbm>>
        %dma_wait3A_37 = tpu.memref_squeeze %dma_wait3A_36 : memref<1x10000x128xf32, #tpu.memory_space<hbm>> -> memref<10000x128xf32, #tpu.memory_space<hbm>>
        %dma_wait3A_38 = arith.constant 0 : i32
        %dma_wait3A_39 = tpu.memref_slice %dma_wait3A_37[%mul3A_27, %dma_wait3A_38] : memref<10000x128xf32, #tpu.memory_space<hbm>> -> memref<632x128xf32, #tpu.memory_space<hbm>>
        %dma_wait3A_40 = arith.constant 0 : i32
        %dma_wait3A_41 = tpu.memref_slice %arg9[%mul3A_25, %dma_wait3A_40] : memref<10016x128xf32, #tpu.memory_space<vmem_shared>> -> memref<632x128xf32, #tpu.memory_space<vmem_shared>>
        tpu.wait_dma2 semaphore(%run_scoped3A : memref<!tpu.dma_semaphore, #tpu.memory_space<semaphore_mem>>) src(%dma_wait3A_41 : memref<632x128xf32, #tpu.memory_space<vmem_shared>>) dst(%dma_wait3A_39 : memref<632x128xf32, #tpu.memory_space<hbm>>)
        tpu.yield
      }) : () -> ()
    } else {
    }
    %eq3A_19 = arith.constant 15 : i32
    %eq3A_20 = arith.cmpi eq, %arg1, %eq3A_19 : i32
    %convert_element_type3A_21 = arith.extui %eq3A_20 : i1 to i32
    %cond3A_22 = arith.constant 0 : i32
    %cond3A_23 = arith.cmpi ne, %convert_element_type3A_21, %cond3A_22 : i32
    scf.if %cond3A_23 {
      "tpu.region"() ({
        %run_scoped3A = tpu.sem_alloc : memref<!tpu.dma_semaphore, #tpu.memory_space<semaphore_mem>>
        %dma_start3A = arith.constant 0 : i32
        %dma_start3A_24 = arith.constant 0 : i32
        %dma_start3A_25 = tpu.memref_slice %arg5[%arg0, %dma_start3A, %dma_start3A_24] : memref<2x10000x128xf32, #tpu.memory_space<hbm>> -> memref<1x10000x128xf32, #tpu.memory_space<hbm>>
        %dma_start3A_26 = tpu.memref_squeeze %dma_start3A_25 : memref<1x10000x128xf32, #tpu.memory_space<hbm>> -> memref<10000x128xf32, #tpu.memory_space<hbm>>
        %dma_start3A_27 = arith.constant 9480 : i32
        %dma_start3A_28 = arith.constant 0 : i32
        %dma_start3A_29 = tpu.memref_slice %dma_start3A_26[%dma_start3A_27, %dma_start3A_28] : memref<10000x128xf32, #tpu.memory_space<hbm>> -> memref<520x128xf32, #tpu.memory_space<hbm>>
        %dma_start3A_30 = arith.constant 9480 : i32
        %dma_start3A_31 = arith.constant 0 : i32
        %dma_start3A_32 = tpu.memref_slice %arg9[%dma_start3A_30, %dma_start3A_31] : memref<10016x128xf32, #tpu.memory_space<vmem_shared>> -> memref<520x128xf32, #tpu.memory_space<vmem_shared>>
        tpu.enqueue_dma source(%dma_start3A_32 : memref<520x128xf32, #tpu.memory_space<vmem_shared>>) target(%dma_start3A_29 : memref<520x128xf32, #tpu.memory_space<hbm>>) target_semaphore(%run_scoped3A : memref<!tpu.dma_semaphore, #tpu.memory_space<semaphore_mem>>)
        %dma_wait3A = arith.constant 0 : i32
        %dma_wait3A_33 = arith.constant 0 : i32
        %dma_wait3A_34 = tpu.memref_slice %arg5[%arg0, %dma_wait3A, %dma_wait3A_33] : memref<2x10000x128xf32, #tpu.memory_space<hbm>> -> memref<1x10000x128xf32, #tpu.memory_space<hbm>>
        %dma_wait3A_35 = tpu.memref_squeeze %dma_wait3A_34 : memref<1x10000x128xf32, #tpu.memory_space<hbm>> -> memref<10000x128xf32, #tpu.memory_space<hbm>>
        %dma_wait3A_36 = arith.constant 9480 : i32
        %dma_wait3A_37 = arith.constant 0 : i32
        %dma_wait3A_38 = tpu.memref_slice %dma_wait3A_35[%dma_wait3A_36, %dma_wait3A_37] : memref<10000x128xf32, #tpu.memory_space<hbm>> -> memref<520x128xf32, #tpu.memory_space<hbm>>
        %dma_wait3A_39 = arith.constant 9480 : i32
        %dma_wait3A_40 = arith.constant 0 : i32
        %dma_wait3A_41 = tpu.memref_slice %arg9[%dma_wait3A_39, %dma_wait3A_40] : memref<10016x128xf32, #tpu.memory_space<vmem_shared>> -> memref<520x128xf32, #tpu.memory_space<vmem_shared>>
        tpu.wait_dma2 semaphore(%run_scoped3A : memref<!tpu.dma_semaphore, #tpu.memory_space<semaphore_mem>>) src(%dma_wait3A_41 : memref<520x128xf32, #tpu.memory_space<vmem_shared>>) dst(%dma_wait3A_38 : memref<520x128xf32, #tpu.memory_space<hbm>>)
        tpu.yield
      }) : () -> ()
    } else {
    }
    return
  }
}

#map = affine_map<(d0, d1) -> (0, 0)>
#map1 = affine_map<(d0, d1) -> (0, 0, 0)>
module attributes {stable_mosaic.version = 14 : i64} {
  func.func @_seg_body(%arg0: i32, %arg1: i32, %arg2: memref<10000x128xf32, #tpu.memory_space<hbm>>, %arg3: memref<32x79x128xi32, #tpu.memory_space<hbm>>, %arg4: memref<32x79x128xi32, #tpu.memory_space<hbm>>, %arg5: memref<2x10000x128xf32, #tpu.memory_space<hbm>>, %arg6: memref<79x128xi32, #tpu.memory_space<vmem>>, %arg7: memref<79x128xi32, #tpu.memory_space<vmem>>, %arg8: memref<128x128xf32, #tpu.memory_space<vmem>>, %arg9: memref<10016x128xf32, #tpu.memory_space<vmem_shared>>, %arg10: memref<!tpu.dma_semaphore, #tpu.memory_space<semaphore_mem>>) attributes {dimension_semantics = [#tpu.dimension_semantics<core_parallel>, #tpu.dimension_semantics<subcore_parallel>], iteration_bounds = array<i64: 2, 16>, scalar_prefetch = 0 : i64, scratch_operands = 5 : i64, tpu.core_type = #tpu.core_type<sc_vector_subcore>, window_params = [{transform_indices = #map}, {transform_indices = #map1}, {transform_indices = #map1}, {transform_indices = #map1}]} {
    %mul3A = arith.constant 16 : i32
    %mul3A_0 = arith.muli %arg0, %mul3A : i32
    %add3A = arith.addi %mul3A_0, %arg1 : i32
    %lt3A = arith.constant 15 : i32
    %lt3A_1 = arith.cmpi slt, %arg1, %lt3A : i32
    %convert_element_type3A = arith.extui %lt3A_1 : i1 to i32
    %cond3A = arith.constant 0 : i32
    %cond3A_2 = arith.cmpi ne, %convert_element_type3A, %cond3A : i32
    scf.if %cond3A_2 {
      %mul3A_24 = arith.constant 632 : i32
      %mul3A_25 = arith.muli %arg1, %mul3A_24 : i32
      %mul3A_26 = arith.constant 632 : i32
      %mul3A_27 = arith.muli %arg1, %mul3A_26 : i32
      "tpu.region"() ({
        %run_scoped3A = tpu.sem_alloc : memref<!tpu.dma_semaphore, #tpu.memory_space<semaphore_mem>>
        %dma_start3A = arith.constant 0 : i32
        %dma_start3A_28 = tpu.memref_slice %arg9[%mul3A_27, %dma_start3A] : memref<10016x128xf32, #tpu.memory_space<vmem_shared>> -> memref<632x128xf32, #tpu.memory_space<vmem_shared>>
        %dma_start3A_29 = arith.constant 0 : i32
        %dma_start3A_30 = tpu.memref_slice %arg2[%mul3A_25, %dma_start3A_29] : memref<10000x128xf32, #tpu.memory_space<hbm>> -> memref<632x128xf32, #tpu.memory_space<hbm>>
        tpu.enqueue_dma source(%dma_start3A_30 : memref<632x128xf32, #tpu.memory_space<hbm>>) target(%dma_start3A_28 : memref<632x128xf32, #tpu.memory_space<vmem_shared>>) target_semaphore(%run_scoped3A : memref<!tpu.dma_semaphore, #tpu.memory_space<semaphore_mem>>)
        %dma_wait3A = arith.constant 0 : i32
        %dma_wait3A_31 = tpu.memref_slice %arg9[%mul3A_27, %dma_wait3A] : memref<10016x128xf32, #tpu.memory_space<vmem_shared>> -> memref<632x128xf32, #tpu.memory_space<vmem_shared>>
        %dma_wait3A_32 = arith.constant 0 : i32
        %dma_wait3A_33 = tpu.memref_slice %arg2[%mul3A_25, %dma_wait3A_32] : memref<10000x128xf32, #tpu.memory_space<hbm>> -> memref<632x128xf32, #tpu.memory_space<hbm>>
        tpu.wait_dma2 semaphore(%run_scoped3A : memref<!tpu.dma_semaphore, #tpu.memory_space<semaphore_mem>>) src(%dma_wait3A_33 : memref<632x128xf32, #tpu.memory_space<hbm>>) dst(%dma_wait3A_31 : memref<632x128xf32, #tpu.memory_space<vmem_shared>>)
        tpu.yield
      }) : () -> ()
    } else {
    }
    %eq3A = arith.constant 15 : i32
    %eq3A_3 = arith.cmpi eq, %arg1, %eq3A : i32
    %convert_element_type3A_4 = arith.extui %eq3A_3 : i1 to i32
    %cond3A_5 = arith.constant 0 : i32
    %cond3A_6 = arith.cmpi ne, %convert_element_type3A_4, %cond3A_5 : i32
    scf.if %cond3A_6 {
      "tpu.region"() ({
        %run_scoped3A = tpu.sem_alloc : memref<!tpu.dma_semaphore, #tpu.memory_space<semaphore_mem>>
        %dma_start3A = arith.constant 9480 : i32
        %dma_start3A_24 = arith.constant 0 : i32
        %dma_start3A_25 = tpu.memref_slice %arg9[%dma_start3A, %dma_start3A_24] : memref<10016x128xf32, #tpu.memory_space<vmem_shared>> -> memref<520x128xf32, #tpu.memory_space<vmem_shared>>
        %dma_start3A_26 = arith.constant 9480 : i32
        %dma_start3A_27 = arith.constant 0 : i32
        %dma_start3A_28 = tpu.memref_slice %arg2[%dma_start3A_26, %dma_start3A_27] : memref<10000x128xf32, #tpu.memory_space<hbm>> -> memref<520x128xf32, #tpu.memory_space<hbm>>
        tpu.enqueue_dma source(%dma_start3A_28 : memref<520x128xf32, #tpu.memory_space<hbm>>) target(%dma_start3A_25 : memref<520x128xf32, #tpu.memory_space<vmem_shared>>) target_semaphore(%run_scoped3A : memref<!tpu.dma_semaphore, #tpu.memory_space<semaphore_mem>>)
        %dma_wait3A = arith.constant 9480 : i32
        %dma_wait3A_29 = arith.constant 0 : i32
        %dma_wait3A_30 = tpu.memref_slice %arg9[%dma_wait3A, %dma_wait3A_29] : memref<10016x128xf32, #tpu.memory_space<vmem_shared>> -> memref<520x128xf32, #tpu.memory_space<vmem_shared>>
        %dma_wait3A_31 = arith.constant 9480 : i32
        %dma_wait3A_32 = arith.constant 0 : i32
        %dma_wait3A_33 = tpu.memref_slice %arg2[%dma_wait3A_31, %dma_wait3A_32] : memref<10000x128xf32, #tpu.memory_space<hbm>> -> memref<520x128xf32, #tpu.memory_space<hbm>>
        tpu.wait_dma2 semaphore(%run_scoped3A : memref<!tpu.dma_semaphore, #tpu.memory_space<semaphore_mem>>) src(%dma_wait3A_33 : memref<520x128xf32, #tpu.memory_space<hbm>>) dst(%dma_wait3A_30 : memref<520x128xf32, #tpu.memory_space<vmem_shared>>)
        tpu.yield
      }) : () -> ()
    } else {
    }
    "tpu.region"() ({
      %run_scoped3A = tpu.sem_alloc : memref<!tpu.dma_semaphore, #tpu.memory_space<semaphore_mem>>
      %dma_start3A = arith.constant 0 : i32
      %dma_start3A_24 = arith.constant 0 : i32
      %dma_start3A_25 = tpu.memref_slice %arg3[%add3A, %dma_start3A, %dma_start3A_24] : memref<32x79x128xi32, #tpu.memory_space<hbm>> -> memref<1x79x128xi32, #tpu.memory_space<hbm>>
      %dma_start3A_26 = tpu.memref_squeeze %dma_start3A_25 : memref<1x79x128xi32, #tpu.memory_space<hbm>> -> memref<79x128xi32, #tpu.memory_space<hbm>>
      %dma_start3A_27 = arith.constant 0 : i32
      %dma_start3A_28 = arith.constant 0 : i32
      %dma_start3A_29 = tpu.memref_slice %arg3[%add3A, %dma_start3A_27, %dma_start3A_28] : memref<32x79x128xi32, #tpu.memory_space<hbm>> -> memref<1x79x128xi32, #tpu.memory_space<hbm>>
      %dma_start3A_30 = tpu.memref_squeeze %dma_start3A_29 : memref<1x79x128xi32, #tpu.memory_space<hbm>> -> memref<79x128xi32, #tpu.memory_space<hbm>>
      tpu.enqueue_dma source(%dma_start3A_30 : memref<79x128xi32, #tpu.memory_space<hbm>>) target(%arg6 : memref<79x128xi32, #tpu.memory_space<vmem>>) target_semaphore(%run_scoped3A : memref<!tpu.dma_semaphore, #tpu.memory_space<semaphore_mem>>)
      %dma_wait3A = arith.constant 0 : i32
      %dma_wait3A_31 = arith.constant 0 : i32
      %dma_wait3A_32 = tpu.memref_slice %arg3[%add3A, %dma_wait3A, %dma_wait3A_31] : memref<32x79x128xi32, #tpu.memory_space<hbm>> -> memref<1x79x128xi32, #tpu.memory_space<hbm>>
      %dma_wait3A_33 = tpu.memref_squeeze %dma_wait3A_32 : memref<1x79x128xi32, #tpu.memory_space<hbm>> -> memref<79x128xi32, #tpu.memory_space<hbm>>
      %dma_wait3A_34 = arith.constant 0 : i32
      %dma_wait3A_35 = arith.constant 0 : i32
      %dma_wait3A_36 = tpu.memref_slice %arg3[%add3A, %dma_wait3A_34, %dma_wait3A_35] : memref<32x79x128xi32, #tpu.memory_space<hbm>> -> memref<1x79x128xi32, #tpu.memory_space<hbm>>
      %dma_wait3A_37 = tpu.memref_squeeze %dma_wait3A_36 : memref<1x79x128xi32, #tpu.memory_space<hbm>> -> memref<79x128xi32, #tpu.memory_space<hbm>>
      tpu.wait_dma2 semaphore(%run_scoped3A : memref<!tpu.dma_semaphore, #tpu.memory_space<semaphore_mem>>) src(%dma_wait3A_37 : memref<79x128xi32, #tpu.memory_space<hbm>>) dst(%arg6 : memref<79x128xi32, #tpu.memory_space<vmem>>)
      tpu.yield
    }) : () -> ()
    "tpu.region"() ({
      %run_scoped3A = tpu.sem_alloc : memref<!tpu.dma_semaphore, #tpu.memory_space<semaphore_mem>>
      %dma_start3A = arith.constant 0 : i32
      %dma_start3A_24 = arith.constant 0 : i32
      %dma_start3A_25 = tpu.memref_slice %arg4[%add3A, %dma_start3A, %dma_start3A_24] : memref<32x79x128xi32, #tpu.memory_space<hbm>> -> memref<1x79x128xi32, #tpu.memory_space<hbm>>
      %dma_start3A_26 = tpu.memref_squeeze %dma_start3A_25 : memref<1x79x128xi32, #tpu.memory_space<hbm>> -> memref<79x128xi32, #tpu.memory_space<hbm>>
      %dma_start3A_27 = arith.constant 0 : i32
      %dma_start3A_28 = arith.constant 0 : i32
      %dma_start3A_29 = tpu.memref_slice %arg4[%add3A, %dma_start3A_27, %dma_start3A_28] : memref<32x79x128xi32, #tpu.memory_space<hbm>> -> memref<1x79x128xi32, #tpu.memory_space<hbm>>
      %dma_start3A_30 = tpu.memref_squeeze %dma_start3A_29 : memref<1x79x128xi32, #tpu.memory_space<hbm>> -> memref<79x128xi32, #tpu.memory_space<hbm>>
      tpu.enqueue_dma source(%dma_start3A_30 : memref<79x128xi32, #tpu.memory_space<hbm>>) target(%arg7 : memref<79x128xi32, #tpu.memory_space<vmem>>) target_semaphore(%run_scoped3A : memref<!tpu.dma_semaphore, #tpu.memory_space<semaphore_mem>>)
      %dma_wait3A = arith.constant 0 : i32
      %dma_wait3A_31 = arith.constant 0 : i32
      %dma_wait3A_32 = tpu.memref_slice %arg4[%add3A, %dma_wait3A, %dma_wait3A_31] : memref<32x79x128xi32, #tpu.memory_space<hbm>> -> memref<1x79x128xi32, #tpu.memory_space<hbm>>
      %dma_wait3A_33 = tpu.memref_squeeze %dma_wait3A_32 : memref<1x79x128xi32, #tpu.memory_space<hbm>> -> memref<79x128xi32, #tpu.memory_space<hbm>>
      %dma_wait3A_34 = arith.constant 0 : i32
      %dma_wait3A_35 = arith.constant 0 : i32
      %dma_wait3A_36 = tpu.memref_slice %arg4[%add3A, %dma_wait3A_34, %dma_wait3A_35] : memref<32x79x128xi32, #tpu.memory_space<hbm>> -> memref<1x79x128xi32, #tpu.memory_space<hbm>>
      %dma_wait3A_37 = tpu.memref_squeeze %dma_wait3A_36 : memref<1x79x128xi32, #tpu.memory_space<hbm>> -> memref<79x128xi32, #tpu.memory_space<hbm>>
      tpu.wait_dma2 semaphore(%run_scoped3A : memref<!tpu.dma_semaphore, #tpu.memory_space<semaphore_mem>>) src(%dma_wait3A_37 : memref<79x128xi32, #tpu.memory_space<hbm>>) dst(%arg7 : memref<79x128xi32, #tpu.memory_space<vmem>>)
      tpu.yield
    }) : () -> ()
    %barrier3A = arith.constant 0 : index
    tpu.barrier barrier_id(%barrier3A)
    %scan3A = arith.constant 0 : i32
    %scan3A_7 = arith.constant 0 : i32
    %scan3A_8 = arith.constant 79 : i32
    %scan3A_9 = arith.addi %scan3A_7, %scan3A_8 : i32
    %scan3A_10 = arith.constant 1 : i32
    %scan3A_11 = scf.for %scan3A_24 = %scan3A_7 to %scan3A_9 step %scan3A_10 iter_args(%scan3A_25 = %scan3A) -> (i32)  : i32 {
      %dma_start3A = arith.constant 0 : i32
      %dma_start3A_26 = tpu.memref_slice %arg6[%scan3A_24, %dma_start3A] : memref<79x128xi32, #tpu.memory_space<vmem>> -> memref<1x128xi32, #tpu.memory_space<vmem>>
      %dma_start3A_27 = tpu.memref_squeeze %dma_start3A_26 : memref<1x128xi32, #tpu.memory_space<vmem>> -> memref<128xi32, #tpu.memory_space<vmem>>
      %dma_start3A_28 = arith.constant 0 : i32
      %dma_start3A_29 = arith.constant 0 : i32
      %dma_start3A_30 = tpu.memref_slice %arg2[%dma_start3A_28, %dma_start3A_29] : memref<10000x128xf32, #tpu.memory_space<hbm>> -> memref<10000x128xf32, #tpu.memory_space<hbm>>
      tpu.enqueue_indirect_dma source(%dma_start3A_30 : memref<10000x128xf32, #tpu.memory_space<hbm>>) target(%arg8 : memref<128x128xf32, #tpu.memory_space<vmem>>) offsets(%dma_start3A_27 : memref<128xi32, #tpu.memory_space<vmem>>) semaphore(%arg10 : memref<!tpu.dma_semaphore, #tpu.memory_space<semaphore_mem>>)
      %dma_wait3A = arith.constant 0 : i32
      %dma_wait3A_31 = tpu.memref_slice %arg6[%scan3A_24, %dma_wait3A] : memref<79x128xi32, #tpu.memory_space<vmem>> -> memref<1x128xi32, #tpu.memory_space<vmem>>
      %dma_wait3A_32 = tpu.memref_squeeze %dma_wait3A_31 : memref<1x128xi32, #tpu.memory_space<vmem>> -> memref<128xi32, #tpu.memory_space<vmem>>
      %dma_wait3A_33 = arith.constant 0 : i32
      %dma_wait3A_34 = arith.constant 0 : i32
      %dma_wait3A_35 = tpu.memref_slice %arg2[%dma_wait3A_33, %dma_wait3A_34] : memref<10000x128xf32, #tpu.memory_space<hbm>> -> memref<10000x128xf32, #tpu.memory_space<hbm>>
      tpu.wait_indirect_dma semaphore(%arg10 : memref<!tpu.dma_semaphore, #tpu.memory_space<semaphore_mem>>) src(%dma_wait3A_35 : memref<10000x128xf32, #tpu.memory_space<hbm>>) dst(%arg8 : memref<128x128xf32, #tpu.memory_space<vmem>>)
      "tpu.region"() ({
        %run_scoped3A = tpu.sem_alloc : memref<!tpu.dma_semaphore, #tpu.memory_space<semaphore_mem>>
        %dma_start3A_37 = arith.constant 0 : i32
        %dma_start3A_38 = tpu.memref_slice %arg7[%scan3A_24, %dma_start3A_37] : memref<79x128xi32, #tpu.memory_space<vmem>> -> memref<1x128xi32, #tpu.memory_space<vmem>>
        %dma_start3A_39 = tpu.memref_squeeze %dma_start3A_38 : memref<1x128xi32, #tpu.memory_space<vmem>> -> memref<128xi32, #tpu.memory_space<vmem>>
        %dma_start3A_40 = arith.constant 0 : i32
        %dma_start3A_41 = arith.constant 0 : i32
        %dma_start3A_42 = tpu.memref_slice %arg9[%dma_start3A_40, %dma_start3A_41] : memref<10016x128xf32, #tpu.memory_space<vmem_shared>> -> memref<10016x128xf32, #tpu.memory_space<vmem_shared>>
        tpu.enqueue_indirect_dma source(%arg8 : memref<128x128xf32, #tpu.memory_space<vmem>>) target(%dma_start3A_42 : memref<10016x128xf32, #tpu.memory_space<vmem_shared>>) offsets(%dma_start3A_39 : memref<128xi32, #tpu.memory_space<vmem>>) semaphore(%run_scoped3A : memref<!tpu.dma_semaphore, #tpu.memory_space<semaphore_mem>>) {add = true}
        %dma_wait3A_43 = arith.constant 0 : i32
        %dma_wait3A_44 = tpu.memref_slice %arg7[%scan3A_24, %dma_wait3A_43] : memref<79x128xi32, #tpu.memory_space<vmem>> -> memref<1x128xi32, #tpu.memory_space<vmem>>
        %dma_wait3A_45 = tpu.memref_squeeze %dma_wait3A_44 : memref<1x128xi32, #tpu.memory_space<vmem>> -> memref<128xi32, #tpu.memory_space<vmem>>
        %dma_wait3A_46 = arith.constant 0 : i32
        %dma_wait3A_47 = arith.constant 0 : i32
        %dma_wait3A_48 = tpu.memref_slice %arg9[%dma_wait3A_46, %dma_wait3A_47] : memref<10016x128xf32, #tpu.memory_space<vmem_shared>> -> memref<10016x128xf32, #tpu.memory_space<vmem_shared>>
        tpu.wait_indirect_dma semaphore(%run_scoped3A : memref<!tpu.dma_semaphore, #tpu.memory_space<semaphore_mem>>) src(%arg8 : memref<128x128xf32, #tpu.memory_space<vmem>>) dst(%dma_wait3A_48 : memref<10016x128xf32, #tpu.memory_space<vmem_shared>>)
        tpu.yield
      }) : () -> ()
      %scan3A_36 = arith.constant 0 : i32
      scf.yield %scan3A_36 : i32
    }
    %scan3A_12 = arith.constant 79 : i32
    %barrier3A_13 = arith.constant 0 : index
    tpu.barrier barrier_id(%barrier3A_13)
    %lt3A_14 = arith.constant 15 : i32
    %lt3A_15 = arith.cmpi slt, %arg1, %lt3A_14 : i32
    %convert_element_type3A_16 = arith.extui %lt3A_15 : i1 to i32
    %cond3A_17 = arith.constant 0 : i32
    %cond3A_18 = arith.cmpi ne, %convert_element_type3A_16, %cond3A_17 : i32
    scf.if %cond3A_18 {
      %mul3A_24 = arith.constant 632 : i32
      %mul3A_25 = arith.muli %arg1, %mul3A_24 : i32
      %mul3A_26 = arith.constant 632 : i32
      %mul3A_27 = arith.muli %arg1, %mul3A_26 : i32
      "tpu.region"() ({
        %run_scoped3A = tpu.sem_alloc : memref<!tpu.dma_semaphore, #tpu.memory_space<semaphore_mem>>
        %dma_start3A = arith.constant 0 : i32
        %dma_start3A_28 = arith.constant 0 : i32
        %dma_start3A_29 = tpu.memref_slice %arg5[%arg0, %dma_start3A, %dma_start3A_28] : memref<2x10000x128xf32, #tpu.memory_space<hbm>> -> memref<1x10000x128xf32, #tpu.memory_space<hbm>>
        %dma_start3A_30 = tpu.memref_squeeze %dma_start3A_29 : memref<1x10000x128xf32, #tpu.memory_space<hbm>> -> memref<10000x128xf32, #tpu.memory_space<hbm>>
        %dma_start3A_31 = arith.constant 0 : i32
        %dma_start3A_32 = tpu.memref_slice %dma_start3A_30[%mul3A_27, %dma_start3A_31] : memref<10000x128xf32, #tpu.memory_space<hbm>> -> memref<632x128xf32, #tpu.memory_space<hbm>>
        %dma_start3A_33 = arith.constant 0 : i32
        %dma_start3A_34 = tpu.memref_slice %arg9[%mul3A_25, %dma_start3A_33] : memref<10016x128xf32, #tpu.memory_space<vmem_shared>> -> memref<632x128xf32, #tpu.memory_space<vmem_shared>>
        tpu.enqueue_dma source(%dma_start3A_34 : memref<632x128xf32, #tpu.memory_space<vmem_shared>>) target(%dma_start3A_32 : memref<632x128xf32, #tpu.memory_space<hbm>>) target_semaphore(%run_scoped3A : memref<!tpu.dma_semaphore, #tpu.memory_space<semaphore_mem>>)
        %dma_wait3A = arith.constant 0 : i32
        %dma_wait3A_35 = arith.constant 0 : i32
        %dma_wait3A_36 = tpu.memref_slice %arg5[%arg0, %dma_wait3A, %dma_wait3A_35] : memref<2x10000x128xf32, #tpu.memory_space<hbm>> -> memref<1x10000x128xf32, #tpu.memory_space<hbm>>
        %dma_wait3A_37 = tpu.memref_squeeze %dma_wait3A_36 : memref<1x10000x128xf32, #tpu.memory_space<hbm>> -> memref<10000x128xf32, #tpu.memory_space<hbm>>
        %dma_wait3A_38 = arith.constant 0 : i32
        %dma_wait3A_39 = tpu.memref_slice %dma_wait3A_37[%mul3A_27, %dma_wait3A_38] : memref<10000x128xf32, #tpu.memory_space<hbm>> -> memref<632x128xf32, #tpu.memory_space<hbm>>
        %dma_wait3A_40 = arith.constant 0 : i32
        %dma_wait3A_41 = tpu.memref_slice %arg9[%mul3A_25, %dma_wait3A_40] : memref<10016x128xf32, #tpu.memory_space<vmem_shared>> -> memref<632x128xf32, #tpu.memory_space<vmem_shared>>
        tpu.wait_dma2 semaphore(%run_scoped3A : memref<!tpu.dma_semaphore, #tpu.memory_space<semaphore_mem>>) src(%dma_wait3A_41 : memref<632x128xf32, #tpu.memory_space<vmem_shared>>) dst(%dma_wait3A_39 : memref<632x128xf32, #tpu.memory_space<hbm>>)
        tpu.yield
      }) : () -> ()
    } else {
    }
    %eq3A_19 = arith.constant 15 : i32
    %eq3A_20 = arith.cmpi eq, %arg1, %eq3A_19 : i32
    %convert_element_type3A_21 = arith.extui %eq3A_20 : i1 to i32
    %cond3A_22 = arith.constant 0 : i32
    %cond3A_23 = arith.cmpi ne, %convert_element_type3A_21, %cond3A_22 : i32
    scf.if %cond3A_23 {
      "tpu.region"() ({
        %run_scoped3A = tpu.sem_alloc : memref<!tpu.dma_semaphore, #tpu.memory_space<semaphore_mem>>
        %dma_start3A = arith.constant 0 : i32
        %dma_start3A_24 = arith.constant 0 : i32
        %dma_start3A_25 = tpu.memref_slice %arg5[%arg0, %dma_start3A, %dma_start3A_24] : memref<2x10000x128xf32, #tpu.memory_space<hbm>> -> memref<1x10000x128xf32, #tpu.memory_space<hbm>>
        %dma_start3A_26 = tpu.memref_squeeze %dma_start3A_25 : memref<1x10000x128xf32, #tpu.memory_space<hbm>> -> memref<10000x128xf32, #tpu.memory_space<hbm>>
        %dma_start3A_27 = arith.constant 9480 : i32
        %dma_start3A_28 = arith.constant 0 : i32
        %dma_start3A_29 = tpu.memref_slice %dma_start3A_26[%dma_start3A_27, %dma_start3A_28] : memref<10000x128xf32, #tpu.memory_space<hbm>> -> memref<520x128xf32, #tpu.memory_space<hbm>>
        %dma_start3A_30 = arith.constant 9480 : i32
        %dma_start3A_31 = arith.constant 0 : i32
        %dma_start3A_32 = tpu.memref_slice %arg9[%dma_start3A_30, %dma_start3A_31] : memref<10016x128xf32, #tpu.memory_space<vmem_shared>> -> memref<520x128xf32, #tpu.memory_space<vmem_shared>>
        tpu.enqueue_dma source(%dma_start3A_32 : memref<520x128xf32, #tpu.memory_space<vmem_shared>>) target(%dma_start3A_29 : memref<520x128xf32, #tpu.memory_space<hbm>>) target_semaphore(%run_scoped3A : memref<!tpu.dma_semaphore, #tpu.memory_space<semaphore_mem>>)
        %dma_wait3A = arith.constant 0 : i32
        %dma_wait3A_33 = arith.constant 0 : i32
        %dma_wait3A_34 = tpu.memref_slice %arg5[%arg0, %dma_wait3A, %dma_wait3A_33] : memref<2x10000x128xf32, #tpu.memory_space<hbm>> -> memref<1x10000x128xf32, #tpu.memory_space<hbm>>
        %dma_wait3A_35 = tpu.memref_squeeze %dma_wait3A_34 : memref<1x10000x128xf32, #tpu.memory_space<hbm>> -> memref<10000x128xf32, #tpu.memory_space<hbm>>
        %dma_wait3A_36 = arith.constant 9480 : i32
        %dma_wait3A_37 = arith.constant 0 : i32
        %dma_wait3A_38 = tpu.memref_slice %dma_wait3A_35[%dma_wait3A_36, %dma_wait3A_37] : memref<10000x128xf32, #tpu.memory_space<hbm>> -> memref<520x128xf32, #tpu.memory_space<hbm>>
        %dma_wait3A_39 = arith.constant 9480 : i32
        %dma_wait3A_40 = arith.constant 0 : i32
        %dma_wait3A_41 = tpu.memref_slice %arg9[%dma_wait3A_39, %dma_wait3A_40] : memref<10016x128xf32, #tpu.memory_space<vmem_shared>> -> memref<520x128xf32, #tpu.memory_space<vmem_shared>>
        tpu.wait_dma2 semaphore(%run_scoped3A : memref<!tpu.dma_semaphore, #tpu.memory_space<semaphore_mem>>) src(%dma_wait3A_41 : memref<520x128xf32, #tpu.memory_space<vmem_shared>>) dst(%dma_wait3A_38 : memref<520x128xf32, #tpu.memory_space<hbm>>)
        tpu.yield
      }) : () -> ()
    } else {
    }
    return
  }
}

#map = affine_map<(d0, d1) -> (0, 0)>
#map1 = affine_map<(d0, d1) -> (0, 0, 0)>
module attributes {stable_mosaic.version = 14 : i64} {
  func.func @_seg_body(%arg0: i32, %arg1: i32, %arg2: memref<10000x128xf32, #tpu.memory_space<hbm>>, %arg3: memref<32x79x128xi32, #tpu.memory_space<hbm>>, %arg4: memref<32x79x128xi32, #tpu.memory_space<hbm>>, %arg5: memref<2x10000x128xf32, #tpu.memory_space<hbm>>, %arg6: memref<79x128xi32, #tpu.memory_space<vmem>>, %arg7: memref<79x128xi32, #tpu.memory_space<vmem>>, %arg8: memref<128x128xf32, #tpu.memory_space<vmem>>, %arg9: memref<10016x128xf32, #tpu.memory_space<vmem_shared>>, %arg10: memref<!tpu.dma_semaphore, #tpu.memory_space<semaphore_mem>>) attributes {dimension_semantics = [#tpu.dimension_semantics<core_parallel>, #tpu.dimension_semantics<subcore_parallel>], iteration_bounds = array<i64: 2, 16>, scalar_prefetch = 0 : i64, scratch_operands = 5 : i64, tpu.core_type = #tpu.core_type<sc_vector_subcore>, window_params = [{transform_indices = #map}, {transform_indices = #map1}, {transform_indices = #map1}, {transform_indices = #map1}]} {
    %mul3A = arith.constant 16 : i32
    %mul3A_0 = arith.muli %arg0, %mul3A : i32
    %add3A = arith.addi %mul3A_0, %arg1 : i32
    %lt3A = arith.constant 15 : i32
    %lt3A_1 = arith.cmpi slt, %arg1, %lt3A : i32
    %convert_element_type3A = arith.extui %lt3A_1 : i1 to i32
    %cond3A = arith.constant 0 : i32
    %cond3A_2 = arith.cmpi ne, %convert_element_type3A, %cond3A : i32
    scf.if %cond3A_2 {
      %mul3A_24 = arith.constant 632 : i32
      %mul3A_25 = arith.muli %arg1, %mul3A_24 : i32
      %mul3A_26 = arith.constant 632 : i32
      %mul3A_27 = arith.muli %arg1, %mul3A_26 : i32
      "tpu.region"() ({
        %run_scoped3A = tpu.sem_alloc : memref<!tpu.dma_semaphore, #tpu.memory_space<semaphore_mem>>
        %dma_start3A = arith.constant 0 : i32
        %dma_start3A_28 = tpu.memref_slice %arg9[%mul3A_27, %dma_start3A] : memref<10016x128xf32, #tpu.memory_space<vmem_shared>> -> memref<632x128xf32, #tpu.memory_space<vmem_shared>>
        %dma_start3A_29 = arith.constant 0 : i32
        %dma_start3A_30 = tpu.memref_slice %arg2[%mul3A_25, %dma_start3A_29] : memref<10000x128xf32, #tpu.memory_space<hbm>> -> memref<632x128xf32, #tpu.memory_space<hbm>>
        tpu.enqueue_dma source(%dma_start3A_30 : memref<632x128xf32, #tpu.memory_space<hbm>>) target(%dma_start3A_28 : memref<632x128xf32, #tpu.memory_space<vmem_shared>>) target_semaphore(%run_scoped3A : memref<!tpu.dma_semaphore, #tpu.memory_space<semaphore_mem>>)
        %dma_wait3A = arith.constant 0 : i32
        %dma_wait3A_31 = tpu.memref_slice %arg9[%mul3A_27, %dma_wait3A] : memref<10016x128xf32, #tpu.memory_space<vmem_shared>> -> memref<632x128xf32, #tpu.memory_space<vmem_shared>>
        %dma_wait3A_32 = arith.constant 0 : i32
        %dma_wait3A_33 = tpu.memref_slice %arg2[%mul3A_25, %dma_wait3A_32] : memref<10000x128xf32, #tpu.memory_space<hbm>> -> memref<632x128xf32, #tpu.memory_space<hbm>>
        tpu.wait_dma2 semaphore(%run_scoped3A : memref<!tpu.dma_semaphore, #tpu.memory_space<semaphore_mem>>) src(%dma_wait3A_33 : memref<632x128xf32, #tpu.memory_space<hbm>>) dst(%dma_wait3A_31 : memref<632x128xf32, #tpu.memory_space<vmem_shared>>)
        tpu.yield
      }) : () -> ()
    } else {
    }
    %eq3A = arith.constant 15 : i32
    %eq3A_3 = arith.cmpi eq, %arg1, %eq3A : i32
    %convert_element_type3A_4 = arith.extui %eq3A_3 : i1 to i32
    %cond3A_5 = arith.constant 0 : i32
    %cond3A_6 = arith.cmpi ne, %convert_element_type3A_4, %cond3A_5 : i32
    scf.if %cond3A_6 {
      "tpu.region"() ({
        %run_scoped3A = tpu.sem_alloc : memref<!tpu.dma_semaphore, #tpu.memory_space<semaphore_mem>>
        %dma_start3A = arith.constant 9480 : i32
        %dma_start3A_24 = arith.constant 0 : i32
        %dma_start3A_25 = tpu.memref_slice %arg9[%dma_start3A, %dma_start3A_24] : memref<10016x128xf32, #tpu.memory_space<vmem_shared>> -> memref<520x128xf32, #tpu.memory_space<vmem_shared>>
        %dma_start3A_26 = arith.constant 9480 : i32
        %dma_start3A_27 = arith.constant 0 : i32
        %dma_start3A_28 = tpu.memref_slice %arg2[%dma_start3A_26, %dma_start3A_27] : memref<10000x128xf32, #tpu.memory_space<hbm>> -> memref<520x128xf32, #tpu.memory_space<hbm>>
        tpu.enqueue_dma source(%dma_start3A_28 : memref<520x128xf32, #tpu.memory_space<hbm>>) target(%dma_start3A_25 : memref<520x128xf32, #tpu.memory_space<vmem_shared>>) target_semaphore(%run_scoped3A : memref<!tpu.dma_semaphore, #tpu.memory_space<semaphore_mem>>)
        %dma_wait3A = arith.constant 9480 : i32
        %dma_wait3A_29 = arith.constant 0 : i32
        %dma_wait3A_30 = tpu.memref_slice %arg9[%dma_wait3A, %dma_wait3A_29] : memref<10016x128xf32, #tpu.memory_space<vmem_shared>> -> memref<520x128xf32, #tpu.memory_space<vmem_shared>>
        %dma_wait3A_31 = arith.constant 9480 : i32
        %dma_wait3A_32 = arith.constant 0 : i32
        %dma_wait3A_33 = tpu.memref_slice %arg2[%dma_wait3A_31, %dma_wait3A_32] : memref<10000x128xf32, #tpu.memory_space<hbm>> -> memref<520x128xf32, #tpu.memory_space<hbm>>
        tpu.wait_dma2 semaphore(%run_scoped3A : memref<!tpu.dma_semaphore, #tpu.memory_space<semaphore_mem>>) src(%dma_wait3A_33 : memref<520x128xf32, #tpu.memory_space<hbm>>) dst(%dma_wait3A_30 : memref<520x128xf32, #tpu.memory_space<vmem_shared>>)
        tpu.yield
      }) : () -> ()
    } else {
    }
    "tpu.region"() ({
      %run_scoped3A = tpu.sem_alloc : memref<!tpu.dma_semaphore, #tpu.memory_space<semaphore_mem>>
      %dma_start3A = arith.constant 0 : i32
      %dma_start3A_24 = arith.constant 0 : i32
      %dma_start3A_25 = tpu.memref_slice %arg3[%add3A, %dma_start3A, %dma_start3A_24] : memref<32x79x128xi32, #tpu.memory_space<hbm>> -> memref<1x79x128xi32, #tpu.memory_space<hbm>>
      %dma_start3A_26 = tpu.memref_squeeze %dma_start3A_25 : memref<1x79x128xi32, #tpu.memory_space<hbm>> -> memref<79x128xi32, #tpu.memory_space<hbm>>
      %dma_start3A_27 = arith.constant 0 : i32
      %dma_start3A_28 = arith.constant 0 : i32
      %dma_start3A_29 = tpu.memref_slice %arg3[%add3A, %dma_start3A_27, %dma_start3A_28] : memref<32x79x128xi32, #tpu.memory_space<hbm>> -> memref<1x79x128xi32, #tpu.memory_space<hbm>>
      %dma_start3A_30 = tpu.memref_squeeze %dma_start3A_29 : memref<1x79x128xi32, #tpu.memory_space<hbm>> -> memref<79x128xi32, #tpu.memory_space<hbm>>
      tpu.enqueue_dma source(%dma_start3A_30 : memref<79x128xi32, #tpu.memory_space<hbm>>) target(%arg6 : memref<79x128xi32, #tpu.memory_space<vmem>>) target_semaphore(%run_scoped3A : memref<!tpu.dma_semaphore, #tpu.memory_space<semaphore_mem>>)
      %dma_wait3A = arith.constant 0 : i32
      %dma_wait3A_31 = arith.constant 0 : i32
      %dma_wait3A_32 = tpu.memref_slice %arg3[%add3A, %dma_wait3A, %dma_wait3A_31] : memref<32x79x128xi32, #tpu.memory_space<hbm>> -> memref<1x79x128xi32, #tpu.memory_space<hbm>>
      %dma_wait3A_33 = tpu.memref_squeeze %dma_wait3A_32 : memref<1x79x128xi32, #tpu.memory_space<hbm>> -> memref<79x128xi32, #tpu.memory_space<hbm>>
      %dma_wait3A_34 = arith.constant 0 : i32
      %dma_wait3A_35 = arith.constant 0 : i32
      %dma_wait3A_36 = tpu.memref_slice %arg3[%add3A, %dma_wait3A_34, %dma_wait3A_35] : memref<32x79x128xi32, #tpu.memory_space<hbm>> -> memref<1x79x128xi32, #tpu.memory_space<hbm>>
      %dma_wait3A_37 = tpu.memref_squeeze %dma_wait3A_36 : memref<1x79x128xi32, #tpu.memory_space<hbm>> -> memref<79x128xi32, #tpu.memory_space<hbm>>
      tpu.wait_dma2 semaphore(%run_scoped3A : memref<!tpu.dma_semaphore, #tpu.memory_space<semaphore_mem>>) src(%dma_wait3A_37 : memref<79x128xi32, #tpu.memory_space<hbm>>) dst(%arg6 : memref<79x128xi32, #tpu.memory_space<vmem>>)
      tpu.yield
    }) : () -> ()
    "tpu.region"() ({
      %run_scoped3A = tpu.sem_alloc : memref<!tpu.dma_semaphore, #tpu.memory_space<semaphore_mem>>
      %dma_start3A = arith.constant 0 : i32
      %dma_start3A_24 = arith.constant 0 : i32
      %dma_start3A_25 = tpu.memref_slice %arg4[%add3A, %dma_start3A, %dma_start3A_24] : memref<32x79x128xi32, #tpu.memory_space<hbm>> -> memref<1x79x128xi32, #tpu.memory_space<hbm>>
      %dma_start3A_26 = tpu.memref_squeeze %dma_start3A_25 : memref<1x79x128xi32, #tpu.memory_space<hbm>> -> memref<79x128xi32, #tpu.memory_space<hbm>>
      %dma_start3A_27 = arith.constant 0 : i32
      %dma_start3A_28 = arith.constant 0 : i32
      %dma_start3A_29 = tpu.memref_slice %arg4[%add3A, %dma_start3A_27, %dma_start3A_28] : memref<32x79x128xi32, #tpu.memory_space<hbm>> -> memref<1x79x128xi32, #tpu.memory_space<hbm>>
      %dma_start3A_30 = tpu.memref_squeeze %dma_start3A_29 : memref<1x79x128xi32, #tpu.memory_space<hbm>> -> memref<79x128xi32, #tpu.memory_space<hbm>>
      tpu.enqueue_dma source(%dma_start3A_30 : memref<79x128xi32, #tpu.memory_space<hbm>>) target(%arg7 : memref<79x128xi32, #tpu.memory_space<vmem>>) target_semaphore(%run_scoped3A : memref<!tpu.dma_semaphore, #tpu.memory_space<semaphore_mem>>)
      %dma_wait3A = arith.constant 0 : i32
      %dma_wait3A_31 = arith.constant 0 : i32
      %dma_wait3A_32 = tpu.memref_slice %arg4[%add3A, %dma_wait3A, %dma_wait3A_31] : memref<32x79x128xi32, #tpu.memory_space<hbm>> -> memref<1x79x128xi32, #tpu.memory_space<hbm>>
      %dma_wait3A_33 = tpu.memref_squeeze %dma_wait3A_32 : memref<1x79x128xi32, #tpu.memory_space<hbm>> -> memref<79x128xi32, #tpu.memory_space<hbm>>
      %dma_wait3A_34 = arith.constant 0 : i32
      %dma_wait3A_35 = arith.constant 0 : i32
      %dma_wait3A_36 = tpu.memref_slice %arg4[%add3A, %dma_wait3A_34, %dma_wait3A_35] : memref<32x79x128xi32, #tpu.memory_space<hbm>> -> memref<1x79x128xi32, #tpu.memory_space<hbm>>
      %dma_wait3A_37 = tpu.memref_squeeze %dma_wait3A_36 : memref<1x79x128xi32, #tpu.memory_space<hbm>> -> memref<79x128xi32, #tpu.memory_space<hbm>>
      tpu.wait_dma2 semaphore(%run_scoped3A : memref<!tpu.dma_semaphore, #tpu.memory_space<semaphore_mem>>) src(%dma_wait3A_37 : memref<79x128xi32, #tpu.memory_space<hbm>>) dst(%arg7 : memref<79x128xi32, #tpu.memory_space<vmem>>)
      tpu.yield
    }) : () -> ()
    %barrier3A = arith.constant 0 : index
    tpu.barrier barrier_id(%barrier3A)
    %scan3A = arith.constant 0 : i32
    %scan3A_7 = arith.constant 0 : i32
    %scan3A_8 = arith.constant 79 : i32
    %scan3A_9 = arith.addi %scan3A_7, %scan3A_8 : i32
    %scan3A_10 = arith.constant 1 : i32
    %scan3A_11 = scf.for %scan3A_24 = %scan3A_7 to %scan3A_9 step %scan3A_10 iter_args(%scan3A_25 = %scan3A) -> (i32)  : i32 {
      %dma_start3A = arith.constant 0 : i32
      %dma_start3A_26 = tpu.memref_slice %arg6[%scan3A_24, %dma_start3A] : memref<79x128xi32, #tpu.memory_space<vmem>> -> memref<1x128xi32, #tpu.memory_space<vmem>>
      %dma_start3A_27 = tpu.memref_squeeze %dma_start3A_26 : memref<1x128xi32, #tpu.memory_space<vmem>> -> memref<128xi32, #tpu.memory_space<vmem>>
      %dma_start3A_28 = arith.constant 0 : i32
      %dma_start3A_29 = arith.constant 0 : i32
      %dma_start3A_30 = tpu.memref_slice %arg2[%dma_start3A_28, %dma_start3A_29] : memref<10000x128xf32, #tpu.memory_space<hbm>> -> memref<10000x128xf32, #tpu.memory_space<hbm>>
      tpu.enqueue_indirect_dma source(%dma_start3A_30 : memref<10000x128xf32, #tpu.memory_space<hbm>>) target(%arg8 : memref<128x128xf32, #tpu.memory_space<vmem>>) offsets(%dma_start3A_27 : memref<128xi32, #tpu.memory_space<vmem>>) semaphore(%arg10 : memref<!tpu.dma_semaphore, #tpu.memory_space<semaphore_mem>>)
      %dma_wait3A = arith.constant 0 : i32
      %dma_wait3A_31 = tpu.memref_slice %arg6[%scan3A_24, %dma_wait3A] : memref<79x128xi32, #tpu.memory_space<vmem>> -> memref<1x128xi32, #tpu.memory_space<vmem>>
      %dma_wait3A_32 = tpu.memref_squeeze %dma_wait3A_31 : memref<1x128xi32, #tpu.memory_space<vmem>> -> memref<128xi32, #tpu.memory_space<vmem>>
      %dma_wait3A_33 = arith.constant 0 : i32
      %dma_wait3A_34 = arith.constant 0 : i32
      %dma_wait3A_35 = tpu.memref_slice %arg2[%dma_wait3A_33, %dma_wait3A_34] : memref<10000x128xf32, #tpu.memory_space<hbm>> -> memref<10000x128xf32, #tpu.memory_space<hbm>>
      tpu.wait_indirect_dma semaphore(%arg10 : memref<!tpu.dma_semaphore, #tpu.memory_space<semaphore_mem>>) src(%dma_wait3A_35 : memref<10000x128xf32, #tpu.memory_space<hbm>>) dst(%arg8 : memref<128x128xf32, #tpu.memory_space<vmem>>)
      "tpu.region"() ({
        %run_scoped3A = tpu.sem_alloc : memref<!tpu.dma_semaphore, #tpu.memory_space<semaphore_mem>>
        %dma_start3A_37 = arith.constant 0 : i32
        %dma_start3A_38 = tpu.memref_slice %arg7[%scan3A_24, %dma_start3A_37] : memref<79x128xi32, #tpu.memory_space<vmem>> -> memref<1x128xi32, #tpu.memory_space<vmem>>
        %dma_start3A_39 = tpu.memref_squeeze %dma_start3A_38 : memref<1x128xi32, #tpu.memory_space<vmem>> -> memref<128xi32, #tpu.memory_space<vmem>>
        %dma_start3A_40 = arith.constant 0 : i32
        %dma_start3A_41 = arith.constant 0 : i32
        %dma_start3A_42 = tpu.memref_slice %arg9[%dma_start3A_40, %dma_start3A_41] : memref<10016x128xf32, #tpu.memory_space<vmem_shared>> -> memref<10016x128xf32, #tpu.memory_space<vmem_shared>>
        tpu.enqueue_indirect_dma source(%arg8 : memref<128x128xf32, #tpu.memory_space<vmem>>) target(%dma_start3A_42 : memref<10016x128xf32, #tpu.memory_space<vmem_shared>>) offsets(%dma_start3A_39 : memref<128xi32, #tpu.memory_space<vmem>>) semaphore(%run_scoped3A : memref<!tpu.dma_semaphore, #tpu.memory_space<semaphore_mem>>) {add = true}
        %dma_wait3A_43 = arith.constant 0 : i32
        %dma_wait3A_44 = tpu.memref_slice %arg7[%scan3A_24, %dma_wait3A_43] : memref<79x128xi32, #tpu.memory_space<vmem>> -> memref<1x128xi32, #tpu.memory_space<vmem>>
        %dma_wait3A_45 = tpu.memref_squeeze %dma_wait3A_44 : memref<1x128xi32, #tpu.memory_space<vmem>> -> memref<128xi32, #tpu.memory_space<vmem>>
        %dma_wait3A_46 = arith.constant 0 : i32
        %dma_wait3A_47 = arith.constant 0 : i32
        %dma_wait3A_48 = tpu.memref_slice %arg9[%dma_wait3A_46, %dma_wait3A_47] : memref<10016x128xf32, #tpu.memory_space<vmem_shared>> -> memref<10016x128xf32, #tpu.memory_space<vmem_shared>>
        tpu.wait_indirect_dma semaphore(%run_scoped3A : memref<!tpu.dma_semaphore, #tpu.memory_space<semaphore_mem>>) src(%arg8 : memref<128x128xf32, #tpu.memory_space<vmem>>) dst(%dma_wait3A_48 : memref<10016x128xf32, #tpu.memory_space<vmem_shared>>)
        tpu.yield
      }) : () -> ()
      %scan3A_36 = arith.constant 0 : i32
      scf.yield %scan3A_36 : i32
    }
    %scan3A_12 = arith.constant 79 : i32
    %barrier3A_13 = arith.constant 0 : index
    tpu.barrier barrier_id(%barrier3A_13)
    %lt3A_14 = arith.constant 15 : i32
    %lt3A_15 = arith.cmpi slt, %arg1, %lt3A_14 : i32
    %convert_element_type3A_16 = arith.extui %lt3A_15 : i1 to i32
    %cond3A_17 = arith.constant 0 : i32
    %cond3A_18 = arith.cmpi ne, %convert_element_type3A_16, %cond3A_17 : i32
    scf.if %cond3A_18 {
      %mul3A_24 = arith.constant 632 : i32
      %mul3A_25 = arith.muli %arg1, %mul3A_24 : i32
      %mul3A_26 = arith.constant 632 : i32
      %mul3A_27 = arith.muli %arg1, %mul3A_26 : i32
      "tpu.region"() ({
        %run_scoped3A = tpu.sem_alloc : memref<!tpu.dma_semaphore, #tpu.memory_space<semaphore_mem>>
        %dma_start3A = arith.constant 0 : i32
        %dma_start3A_28 = arith.constant 0 : i32
        %dma_start3A_29 = tpu.memref_slice %arg5[%arg0, %dma_start3A, %dma_start3A_28] : memref<2x10000x128xf32, #tpu.memory_space<hbm>> -> memref<1x10000x128xf32, #tpu.memory_space<hbm>>
        %dma_start3A_30 = tpu.memref_squeeze %dma_start3A_29 : memref<1x10000x128xf32, #tpu.memory_space<hbm>> -> memref<10000x128xf32, #tpu.memory_space<hbm>>
        %dma_start3A_31 = arith.constant 0 : i32
        %dma_start3A_32 = tpu.memref_slice %dma_start3A_30[%mul3A_27, %dma_start3A_31] : memref<10000x128xf32, #tpu.memory_space<hbm>> -> memref<632x128xf32, #tpu.memory_space<hbm>>
        %dma_start3A_33 = arith.constant 0 : i32
        %dma_start3A_34 = tpu.memref_slice %arg9[%mul3A_25, %dma_start3A_33] : memref<10016x128xf32, #tpu.memory_space<vmem_shared>> -> memref<632x128xf32, #tpu.memory_space<vmem_shared>>
        tpu.enqueue_dma source(%dma_start3A_34 : memref<632x128xf32, #tpu.memory_space<vmem_shared>>) target(%dma_start3A_32 : memref<632x128xf32, #tpu.memory_space<hbm>>) target_semaphore(%run_scoped3A : memref<!tpu.dma_semaphore, #tpu.memory_space<semaphore_mem>>)
        %dma_wait3A = arith.constant 0 : i32
        %dma_wait3A_35 = arith.constant 0 : i32
        %dma_wait3A_36 = tpu.memref_slice %arg5[%arg0, %dma_wait3A, %dma_wait3A_35] : memref<2x10000x128xf32, #tpu.memory_space<hbm>> -> memref<1x10000x128xf32, #tpu.memory_space<hbm>>
        %dma_wait3A_37 = tpu.memref_squeeze %dma_wait3A_36 : memref<1x10000x128xf32, #tpu.memory_space<hbm>> -> memref<10000x128xf32, #tpu.memory_space<hbm>>
        %dma_wait3A_38 = arith.constant 0 : i32
        %dma_wait3A_39 = tpu.memref_slice %dma_wait3A_37[%mul3A_27, %dma_wait3A_38] : memref<10000x128xf32, #tpu.memory_space<hbm>> -> memref<632x128xf32, #tpu.memory_space<hbm>>
        %dma_wait3A_40 = arith.constant 0 : i32
        %dma_wait3A_41 = tpu.memref_slice %arg9[%mul3A_25, %dma_wait3A_40] : memref<10016x128xf32, #tpu.memory_space<vmem_shared>> -> memref<632x128xf32, #tpu.memory_space<vmem_shared>>
        tpu.wait_dma2 semaphore(%run_scoped3A : memref<!tpu.dma_semaphore, #tpu.memory_space<semaphore_mem>>) src(%dma_wait3A_41 : memref<632x128xf32, #tpu.memory_space<vmem_shared>>) dst(%dma_wait3A_39 : memref<632x128xf32, #tpu.memory_space<hbm>>)
        tpu.yield
      }) : () -> ()
    } else {
    }
    %eq3A_19 = arith.constant 15 : i32
    %eq3A_20 = arith.cmpi eq, %arg1, %eq3A_19 : i32
    %convert_element_type3A_21 = arith.extui %eq3A_20 : i1 to i32
    %cond3A_22 = arith.constant 0 : i32
    %cond3A_23 = arith.cmpi ne, %convert_element_type3A_21, %cond3A_22 : i32
    scf.if %cond3A_23 {
      "tpu.region"() ({
        %run_scoped3A = tpu.sem_alloc : memref<!tpu.dma_semaphore, #tpu.memory_space<semaphore_mem>>
        %dma_start3A = arith.constant 0 : i32
        %dma_start3A_24 = arith.constant 0 : i32
        %dma_start3A_25 = tpu.memref_slice %arg5[%arg0, %dma_start3A, %dma_start3A_24] : memref<2x10000x128xf32, #tpu.memory_space<hbm>> -> memref<1x10000x128xf32, #tpu.memory_space<hbm>>
        %dma_start3A_26 = tpu.memref_squeeze %dma_start3A_25 : memref<1x10000x128xf32, #tpu.memory_space<hbm>> -> memref<10000x128xf32, #tpu.memory_space<hbm>>
        %dma_start3A_27 = arith.constant 9480 : i32
        %dma_start3A_28 = arith.constant 0 : i32
        %dma_start3A_29 = tpu.memref_slice %dma_start3A_26[%dma_start3A_27, %dma_start3A_28] : memref<10000x128xf32, #tpu.memory_space<hbm>> -> memref<520x128xf32, #tpu.memory_space<hbm>>
        %dma_start3A_30 = arith.constant 9480 : i32
        %dma_start3A_31 = arith.constant 0 : i32
        %dma_start3A_32 = tpu.memref_slice %arg9[%dma_start3A_30, %dma_start3A_31] : memref<10016x128xf32, #tpu.memory_space<vmem_shared>> -> memref<520x128xf32, #tpu.memory_space<vmem_shared>>
        tpu.enqueue_dma source(%dma_start3A_32 : memref<520x128xf32, #tpu.memory_space<vmem_shared>>) target(%dma_start3A_29 : memref<520x128xf32, #tpu.memory_space<hbm>>) target_semaphore(%run_scoped3A : memref<!tpu.dma_semaphore, #tpu.memory_space<semaphore_mem>>)
        %dma_wait3A = arith.constant 0 : i32
        %dma_wait3A_33 = arith.constant 0 : i32
        %dma_wait3A_34 = tpu.memref_slice %arg5[%arg0, %dma_wait3A, %dma_wait3A_33] : memref<2x10000x128xf32, #tpu.memory_space<hbm>> -> memref<1x10000x128xf32, #tpu.memory_space<hbm>>
        %dma_wait3A_35 = tpu.memref_squeeze %dma_wait3A_34 : memref<1x10000x128xf32, #tpu.memory_space<hbm>> -> memref<10000x128xf32, #tpu.memory_space<hbm>>
        %dma_wait3A_36 = arith.constant 9480 : i32
        %dma_wait3A_37 = arith.constant 0 : i32
        %dma_wait3A_38 = tpu.memref_slice %dma_wait3A_35[%dma_wait3A_36, %dma_wait3A_37] : memref<10000x128xf32, #tpu.memory_space<hbm>> -> memref<520x128xf32, #tpu.memory_space<hbm>>
        %dma_wait3A_39 = arith.constant 9480 : i32
        %dma_wait3A_40 = arith.constant 0 : i32
        %dma_wait3A_41 = tpu.memref_slice %arg9[%dma_wait3A_39, %dma_wait3A_40] : memref<10016x128xf32, #tpu.memory_space<vmem_shared>> -> memref<520x128xf32, #tpu.memory_space<vmem_shared>>
        tpu.wait_dma2 semaphore(%run_scoped3A : memref<!tpu.dma_semaphore, #tpu.memory_space<semaphore_mem>>) src(%dma_wait3A_41 : memref<520x128xf32, #tpu.memory_space<vmem_shared>>) dst(%dma_wait3A_38 : memref<520x128xf32, #tpu.memory_space<hbm>>)
        tpu.yield
      }) : () -> ()
    } else {
    }
    return
  }
}

module attributes {stable_mosaic.version = 14 : i64} {
  func.func @_k_dis_body(%arg0: i32, %arg1: memref<2x2000x128xf32, #tpu.memory_space<vmem>>, %arg2: memref<2000x1xf32, #tpu.memory_space<vmem>>) attributes {dimension_semantics = [#tpu.dimension_semantics<arbitrary>], iteration_bounds = array<i64: 5>, scalar_prefetch = 0 : i64, scratch_operands = 0 : i64, tpu.core_type = #tpu.core_type<tc>, window_params = [{transform_indices = @transform_0, window_bounds = array<i64: 2, 2000, 128>}, {transform_indices = @transform_1, window_bounds = array<i64: 2000, 1>}]} {
    %get3A = arith.constant 0 : index
    %get3A_0 = arith.constant 0 : index
    %get3A_1 = arith.constant 0 : index
    %get3A_2 = vector.load %arg1[%get3A, %get3A_0, %get3A_1] : memref<2x2000x128xf32, #tpu.memory_space<vmem>>, vector<1x2000x1xf32>
    %get3A_3 = vector.shape_cast %get3A_2 : vector<1x2000x1xf32> to vector<2000x1xf32>
    %add3A = arith.constant 1.000000e+00 : f32
    %add3A_4 = vector.broadcast %add3A : f32 to vector<2000x1xf32>
    %add3A_5 = arith.addf %add3A_4, %get3A_3 : vector<2000x1xf32>
    %get3A_6 = arith.constant 1 : index
    %get3A_7 = arith.constant 0 : index
    %get3A_8 = arith.constant 0 : index
    %get3A_9 = vector.load %arg1[%get3A_6, %get3A_7, %get3A_8] : memref<2x2000x128xf32, #tpu.memory_space<vmem>>, vector<1x2000x1xf32>
    %get3A_10 = vector.shape_cast %get3A_9 : vector<1x2000x1xf32> to vector<2000x1xf32>
    %add3A_11 = arith.addf %add3A_5, %get3A_10 : vector<2000x1xf32>
    %rsqrt3A = math.rsqrt %add3A_11 : vector<2000x1xf32>
    %swap3A = arith.constant 0 : index
    %swap3A_12 = arith.constant 0 : index
    %swap3A_13 = vector.load %arg2[%swap3A, %swap3A_12] : memref<2000x1xf32, #tpu.memory_space<vmem>>, vector<2000x1xf32>
    tpu.vector_store %arg2[%swap3A, %swap3A_12], %rsqrt3A {strides = array<i32>} : memref<2000x1xf32, #tpu.memory_space<vmem>>, vector<2000x1xf32>,
    return
  }
  func.func @transform_0(%arg0: i32) -> (i32, i32, i32) {
    %c0_i32 = arith.constant 0 : i32
    %c0_i32_0 = arith.constant 0 : i32
    %c0_i32_1 = arith.constant 0 : i32
    return %c0_i32, %arg0, %c0_i32_0 : i32, i32, i32
  }
  func.func @transform_1(%arg0: i32) -> (i32, i32) {
    %c0_i32 = arith.constant 0 : i32
    %c0_i32_0 = arith.constant 0 : i32
    return %arg0, %c0_i32 : i32, i32
  }
}

module attributes {stable_mosaic.version = 14 : i64} {
  func.func @_k_in_body(%arg0: i32, %arg1: memref<2000x128xf32, #tpu.memory_space<vmem>>, %arg2: memref<128x64xf32, #tpu.memory_space<vmem>>, %arg3: memref<2000x1xf32, #tpu.memory_space<vmem>>, %arg4: memref<2000x128xf32, #tpu.memory_space<vmem>>) attributes {dimension_semantics = [#tpu.dimension_semantics<arbitrary>], iteration_bounds = array<i64: 5>, scalar_prefetch = 0 : i64, scratch_operands = 0 : i64, tpu.core_type = #tpu.core_type<tc>, window_params = [{transform_indices = @transform_0, window_bounds = array<i64: 2000, 128>}, {pipeline_mode = #tpu.pipeline_mode<synchronous>, transform_indices = @transform_1, window_bounds = array<i64: 128, 64>}, {transform_indices = @transform_2, window_bounds = array<i64: 2000, 1>}, {transform_indices = @transform_3, window_bounds = array<i64: 2000, 128>}]} {
    %get3A = arith.constant 0 : index
    %get3A_0 = arith.constant 0 : index
    %get3A_1 = vector.load %arg3[%get3A, %get3A_0] : memref<2000x1xf32, #tpu.memory_space<vmem>>, vector<2000x1xf32>
    %get3A_2 = arith.constant 0 : index
    %get3A_3 = arith.constant 0 : index
    %get3A_4 = vector.load %arg1[%get3A_2, %get3A_3] : memref<2000x128xf32, #tpu.memory_space<vmem>>, vector<2000x128xf32>
    %get3A_5 = arith.constant 0 : index
    %get3A_6 = arith.constant 0 : index
    %get3A_7 = vector.load %arg2[%get3A_5, %get3A_6] : memref<128x64xf32, #tpu.memory_space<vmem>>, vector<128x64xf32>
    %dot_general3A = arith.constant dense<0.000000e+00> : vector<2000x64xf32>
    %dot_general3A_8 = tpu.matmul %get3A_4, %get3A_7, %dot_general3A {dimension_numbers = #tpu.dot_dimension_numbers<[1], [0], [0], [1], [0, 0, 1, 1], [], []>, transpose_lhs_hint = false} : vector<2000x128xf32>, vector<128x64xf32>, vector<2000x64xf32> -> vector<2000x64xf32>
    %mul3A = vector.broadcast %get3A_1 : vector<2000x1xf32> to vector<2000x64xf32>
    %mul3A_9 = arith.mulf %mul3A, %dot_general3A_8 : vector<2000x64xf32>
    %broadcast_in_dim3A = arith.constant 0.000000e+00 : f32
    %broadcast_in_dim3A_10 = vector.broadcast %broadcast_in_dim3A : f32 to vector<2000x64xf32>
    %concatenate3A = tpu.concatenate %mul3A_9, %broadcast_in_dim3A_10 in 1 : vector<2000x64xf32>, vector<2000x64xf32> -> vector<2000x128xf32>
    %swap3A = arith.constant 0 : index
    %swap3A_11 = arith.constant 0 : index
    %swap3A_12 = vector.load %arg4[%swap3A, %swap3A_11] : memref<2000x128xf32, #tpu.memory_space<vmem>>, vector<2000x128xf32>
    tpu.vector_store %arg4[%swap3A, %swap3A_11], %concatenate3A {strides = array<i32>} : memref<2000x128xf32, #tpu.memory_space<vmem>>, vector<2000x128xf32>,
    return
  }
  func.func @transform_0(%arg0: i32) -> (i32, i32) {
    %c0_i32 = arith.constant 0 : i32
    %c0_i32_0 = arith.constant 0 : i32
    return %arg0, %c0_i32 : i32, i32
  }
  func.func @transform_1(%arg0: i32) -> (i32, i32) {
    %c0_i32 = arith.constant 0 : i32
    %c0_i32_0 = arith.constant 0 : i32
    %c0_i32_1 = arith.constant 0 : i32
    return %c0_i32, %c0_i32_0 : i32, i32
  }
  func.func @transform_2(%arg0: i32) -> (i32, i32) {
    %c0_i32 = arith.constant 0 : i32
    %c0_i32_0 = arith.constant 0 : i32
    return %arg0, %c0_i32 : i32, i32
  }
  func.func @transform_3(%arg0: i32) -> (i32, i32) {
    %c0_i32 = arith.constant 0 : i32
    %c0_i32_0 = arith.constant 0 : i32
    return %arg0, %c0_i32 : i32, i32
  }
}

module attributes {stable_mosaic.version = 14 : i64} {
  func.func @_k_mid_body(%arg0: i32, %arg1: memref<2x2000x128xf32, #tpu.memory_space<vmem>>, %arg2: memref<2000x128xf32, #tpu.memory_space<vmem>>, %arg3: memref<64x32xf32, #tpu.memory_space<vmem>>, %arg4: memref<2000x1xf32, #tpu.memory_space<vmem>>, %arg5: memref<2000x128xf32, #tpu.memory_space<vmem>>) attributes {dimension_semantics = [#tpu.dimension_semantics<arbitrary>], iteration_bounds = array<i64: 5>, scalar_prefetch = 0 : i64, scratch_operands = 0 : i64, tpu.core_type = #tpu.core_type<tc>, window_params = [{transform_indices = @transform_0, window_bounds = array<i64: 2, 2000, 128>}, {transform_indices = @transform_1, window_bounds = array<i64: 2000, 128>}, {pipeline_mode = #tpu.pipeline_mode<synchronous>, transform_indices = @transform_2, window_bounds = array<i64: 64, 32>}, {transform_indices = @transform_3, window_bounds = array<i64: 2000, 1>}, {transform_indices = @transform_4, window_bounds = array<i64: 2000, 128>}]} {
    %get3A = arith.constant 0 : index
    %get3A_0 = arith.constant 0 : index
    %get3A_1 = vector.load %arg4[%get3A, %get3A_0] : memref<2000x1xf32, #tpu.memory_space<vmem>>, vector<2000x1xf32>
    %get3A_2 = arith.constant 0 : index
    %get3A_3 = arith.constant 0 : index
    %get3A_4 = arith.constant 0 : index
    %get3A_5 = vector.load %arg1[%get3A_2, %get3A_3, %get3A_4] : memref<2x2000x128xf32, #tpu.memory_space<vmem>>, vector<1x2000x64xf32>
    %get3A_6 = vector.shape_cast %get3A_5 : vector<1x2000x64xf32> to vector<2000x64xf32>
    %get3A_7 = arith.constant 1 : index
    %get3A_8 = arith.constant 0 : index
    %get3A_9 = arith.constant 0 : index
    %get3A_10 = vector.load %arg1[%get3A_7, %get3A_8, %get3A_9] : memref<2x2000x128xf32, #tpu.memory_space<vmem>>, vector<1x2000x64xf32>
    %get3A_11 = vector.shape_cast %get3A_10 : vector<1x2000x64xf32> to vector<2000x64xf32>
    %add3A = arith.addf %get3A_6, %get3A_11 : vector<2000x64xf32>
    %get3A_12 = arith.constant 0 : index
    %get3A_13 = arith.constant 0 : index
    %get3A_14 = vector.load %arg2[%get3A_12, %get3A_13] : memref<2000x128xf32, #tpu.memory_space<vmem>>, vector<2000x64xf32>
    %sub3A = arith.subf %add3A, %get3A_14 : vector<2000x64xf32>
    %mul3A = vector.broadcast %get3A_1 : vector<2000x1xf32> to vector<2000x64xf32>
    %mul3A_15 = arith.mulf %mul3A, %sub3A : vector<2000x64xf32>
    %max3A = arith.constant 0.000000e+00 : f32
    %max3A_16 = vector.broadcast %max3A : f32 to vector<2000x64xf32>
    %max3A_17 = arith.maximumf %mul3A_15, %max3A_16 : vector<2000x64xf32>
    %get3A_18 = arith.constant 0 : index
    %get3A_19 = arith.constant 0 : index
    %get3A_20 = vector.load %arg3[%get3A_18, %get3A_19] : memref<64x32xf32, #tpu.memory_space<vmem>>, vector<64x32xf32>
    %dot_general3A = arith.constant dense<0.000000e+00> : vector<2000x32xf32>
    %dot_general3A_21 = tpu.matmul %max3A_17, %get3A_20, %dot_general3A {dimension_numbers = #tpu.dot_dimension_numbers<[1], [0], [0], [1], [0, 0, 1, 1], [], []>, transpose_lhs_hint = false} : vector<2000x64xf32>, vector<64x32xf32>, vector<2000x32xf32> -> vector<2000x32xf32>
    %mul3A_22 = vector.broadcast %get3A_1 : vector<2000x1xf32> to vector<2000x32xf32>
    %mul3A_23 = arith.mulf %mul3A_22, %dot_general3A_21 : vector<2000x32xf32>
    %broadcast_in_dim3A = arith.constant 0.000000e+00 : f32
    %broadcast_in_dim3A_24 = vector.broadcast %broadcast_in_dim3A : f32 to vector<2000x96xf32>
    %concatenate3A = tpu.concatenate %mul3A_23, %broadcast_in_dim3A_24 in 1 : vector<2000x32xf32>, vector<2000x96xf32> -> vector<2000x128xf32>
    %swap3A = arith.constant 0 : index
    %swap3A_25 = arith.constant 0 : index
    %swap3A_26 = vector.load %arg5[%swap3A, %swap3A_25] : memref<2000x128xf32, #tpu.memory_space<vmem>>, vector<2000x128xf32>
    tpu.vector_store %arg5[%swap3A, %swap3A_25], %concatenate3A {strides = array<i32>} : memref<2000x128xf32, #tpu.memory_space<vmem>>, vector<2000x128xf32>,
    return
  }
  func.func @transform_0(%arg0: i32) -> (i32, i32, i32) {
    %c0_i32 = arith.constant 0 : i32
    %c0_i32_0 = arith.constant 0 : i32
    %c0_i32_1 = arith.constant 0 : i32
    return %c0_i32, %arg0, %c0_i32_0 : i32, i32, i32
  }
  func.func @transform_1(%arg0: i32) -> (i32, i32) {
    %c0_i32 = arith.constant 0 : i32
    %c0_i32_0 = arith.constant 0 : i32
    return %arg0, %c0_i32 : i32, i32
  }
  func.func @transform_2(%arg0: i32) -> (i32, i32) {
    %c0_i32 = arith.constant 0 : i32
    %c0_i32_0 = arith.constant 0 : i32
    %c0_i32_1 = arith.constant 0 : i32
    return %c0_i32, %c0_i32_0 : i32, i32
  }
  func.func @transform_3(%arg0: i32) -> (i32, i32) {
    %c0_i32 = arith.constant 0 : i32
    %c0_i32_0 = arith.constant 0 : i32
    return %arg0, %c0_i32 : i32, i32
  }
  func.func @transform_4(%arg0: i32) -> (i32, i32) {
    %c0_i32 = arith.constant 0 : i32
    %c0_i32_0 = arith.constant 0 : i32
    return %arg0, %c0_i32 : i32, i32
  }
}

module attributes {stable_mosaic.version = 14 : i64} {
  func.func @_k_mid_body(%arg0: i32, %arg1: memref<2x2000x128xf32, #tpu.memory_space<vmem>>, %arg2: memref<2000x128xf32, #tpu.memory_space<vmem>>, %arg3: memref<32x32xf32, #tpu.memory_space<vmem>>, %arg4: memref<2000x1xf32, #tpu.memory_space<vmem>>, %arg5: memref<2000x128xf32, #tpu.memory_space<vmem>>) attributes {dimension_semantics = [#tpu.dimension_semantics<arbitrary>], iteration_bounds = array<i64: 5>, scalar_prefetch = 0 : i64, scratch_operands = 0 : i64, tpu.core_type = #tpu.core_type<tc>, window_params = [{transform_indices = @transform_0, window_bounds = array<i64: 2, 2000, 128>}, {transform_indices = @transform_1, window_bounds = array<i64: 2000, 128>}, {pipeline_mode = #tpu.pipeline_mode<synchronous>, transform_indices = @transform_2, window_bounds = array<i64: 32, 32>}, {transform_indices = @transform_3, window_bounds = array<i64: 2000, 1>}, {transform_indices = @transform_4, window_bounds = array<i64: 2000, 128>}]} {
    %get3A = arith.constant 0 : index
    %get3A_0 = arith.constant 0 : index
    %get3A_1 = vector.load %arg4[%get3A, %get3A_0] : memref<2000x1xf32, #tpu.memory_space<vmem>>, vector<2000x1xf32>
    %get3A_2 = arith.constant 0 : index
    %get3A_3 = arith.constant 0 : index
    %get3A_4 = arith.constant 0 : index
    %get3A_5 = vector.load %arg1[%get3A_2, %get3A_3, %get3A_4] : memref<2x2000x128xf32, #tpu.memory_space<vmem>>, vector<1x2000x32xf32>
    %get3A_6 = vector.shape_cast %get3A_5 : vector<1x2000x32xf32> to vector<2000x32xf32>
    %get3A_7 = arith.constant 1 : index
    %get3A_8 = arith.constant 0 : index
    %get3A_9 = arith.constant 0 : index
    %get3A_10 = vector.load %arg1[%get3A_7, %get3A_8, %get3A_9] : memref<2x2000x128xf32, #tpu.memory_space<vmem>>, vector<1x2000x32xf32>
    %get3A_11 = vector.shape_cast %get3A_10 : vector<1x2000x32xf32> to vector<2000x32xf32>
    %add3A = arith.addf %get3A_6, %get3A_11 : vector<2000x32xf32>
    %get3A_12 = arith.constant 0 : index
    %get3A_13 = arith.constant 0 : index
    %get3A_14 = vector.load %arg2[%get3A_12, %get3A_13] : memref<2000x128xf32, #tpu.memory_space<vmem>>, vector<2000x32xf32>
    %sub3A = arith.subf %add3A, %get3A_14 : vector<2000x32xf32>
    %mul3A = vector.broadcast %get3A_1 : vector<2000x1xf32> to vector<2000x32xf32>
    %mul3A_15 = arith.mulf %mul3A, %sub3A : vector<2000x32xf32>
    %max3A = arith.constant 0.000000e+00 : f32
    %max3A_16 = vector.broadcast %max3A : f32 to vector<2000x32xf32>
    %max3A_17 = arith.maximumf %mul3A_15, %max3A_16 : vector<2000x32xf32>
    %get3A_18 = arith.constant 0 : index
    %get3A_19 = arith.constant 0 : index
    %get3A_20 = vector.load %arg3[%get3A_18, %get3A_19] : memref<32x32xf32, #tpu.memory_space<vmem>>, vector<32x32xf32>
    %dot_general3A = arith.constant dense<0.000000e+00> : vector<2000x32xf32>
    %dot_general3A_21 = tpu.matmul %max3A_17, %get3A_20, %dot_general3A {dimension_numbers = #tpu.dot_dimension_numbers<[1], [0], [0], [1], [0, 0, 1, 1], [], []>, transpose_lhs_hint = false} : vector<2000x32xf32>, vector<32x32xf32>, vector<2000x32xf32> -> vector<2000x32xf32>
    %mul3A_22 = vector.broadcast %get3A_1 : vector<2000x1xf32> to vector<2000x32xf32>
    %mul3A_23 = arith.mulf %mul3A_22, %dot_general3A_21 : vector<2000x32xf32>
    %broadcast_in_dim3A = arith.constant 0.000000e+00 : f32
    %broadcast_in_dim3A_24 = vector.broadcast %broadcast_in_dim3A : f32 to vector<2000x96xf32>
    %concatenate3A = tpu.concatenate %mul3A_23, %broadcast_in_dim3A_24 in 1 : vector<2000x32xf32>, vector<2000x96xf32> -> vector<2000x128xf32>
    %swap3A = arith.constant 0 : index
    %swap3A_25 = arith.constant 0 : index
    %swap3A_26 = vector.load %arg5[%swap3A, %swap3A_25] : memref<2000x128xf32, #tpu.memory_space<vmem>>, vector<2000x128xf32>
    tpu.vector_store %arg5[%swap3A, %swap3A_25], %concatenate3A {strides = array<i32>} : memref<2000x128xf32, #tpu.memory_space<vmem>>, vector<2000x128xf32>,
    return
  }
  func.func @transform_0(%arg0: i32) -> (i32, i32, i32) {
    %c0_i32 = arith.constant 0 : i32
    %c0_i32_0 = arith.constant 0 : i32
    %c0_i32_1 = arith.constant 0 : i32
    return %c0_i32, %arg0, %c0_i32_0 : i32, i32, i32
  }
  func.func @transform_1(%arg0: i32) -> (i32, i32) {
    %c0_i32 = arith.constant 0 : i32
    %c0_i32_0 = arith.constant 0 : i32
    return %arg0, %c0_i32 : i32, i32
  }
  func.func @transform_2(%arg0: i32) -> (i32, i32) {
    %c0_i32 = arith.constant 0 : i32
    %c0_i32_0 = arith.constant 0 : i32
    %c0_i32_1 = arith.constant 0 : i32
    return %c0_i32, %c0_i32_0 : i32, i32
  }
  func.func @transform_3(%arg0: i32) -> (i32, i32) {
    %c0_i32 = arith.constant 0 : i32
    %c0_i32_0 = arith.constant 0 : i32
    return %arg0, %c0_i32 : i32, i32
  }
  func.func @transform_4(%arg0: i32) -> (i32, i32) {
    %c0_i32 = arith.constant 0 : i32
    %c0_i32_0 = arith.constant 0 : i32
    return %arg0, %c0_i32 : i32, i32
  }
}

module attributes {stable_mosaic.version = 14 : i64} {
  func.func @_k_mid_body(%arg0: i32, %arg1: memref<2x2000x128xf32, #tpu.memory_space<vmem>>, %arg2: memref<2000x128xf32, #tpu.memory_space<vmem>>, %arg3: memref<32x64xf32, #tpu.memory_space<vmem>>, %arg4: memref<2000x1xf32, #tpu.memory_space<vmem>>, %arg5: memref<2000x128xf32, #tpu.memory_space<vmem>>) attributes {dimension_semantics = [#tpu.dimension_semantics<arbitrary>], iteration_bounds = array<i64: 5>, scalar_prefetch = 0 : i64, scratch_operands = 0 : i64, tpu.core_type = #tpu.core_type<tc>, window_params = [{transform_indices = @transform_0, window_bounds = array<i64: 2, 2000, 128>}, {transform_indices = @transform_1, window_bounds = array<i64: 2000, 128>}, {pipeline_mode = #tpu.pipeline_mode<synchronous>, transform_indices = @transform_2, window_bounds = array<i64: 32, 64>}, {transform_indices = @transform_3, window_bounds = array<i64: 2000, 1>}, {transform_indices = @transform_4, window_bounds = array<i64: 2000, 128>}]} {
    %get3A = arith.constant 0 : index
    %get3A_0 = arith.constant 0 : index
    %get3A_1 = vector.load %arg4[%get3A, %get3A_0] : memref<2000x1xf32, #tpu.memory_space<vmem>>, vector<2000x1xf32>
    %get3A_2 = arith.constant 0 : index
    %get3A_3 = arith.constant 0 : index
    %get3A_4 = arith.constant 0 : index
    %get3A_5 = vector.load %arg1[%get3A_2, %get3A_3, %get3A_4] : memref<2x2000x128xf32, #tpu.memory_space<vmem>>, vector<1x2000x32xf32>
    %get3A_6 = vector.shape_cast %get3A_5 : vector<1x2000x32xf32> to vector<2000x32xf32>
    %get3A_7 = arith.constant 1 : index
    %get3A_8 = arith.constant 0 : index
    %get3A_9 = arith.constant 0 : index
    %get3A_10 = vector.load %arg1[%get3A_7, %get3A_8, %get3A_9] : memref<2x2000x128xf32, #tpu.memory_space<vmem>>, vector<1x2000x32xf32>
    %get3A_11 = vector.shape_cast %get3A_10 : vector<1x2000x32xf32> to vector<2000x32xf32>
    %add3A = arith.addf %get3A_6, %get3A_11 : vector<2000x32xf32>
    %get3A_12 = arith.constant 0 : index
    %get3A_13 = arith.constant 0 : index
    %get3A_14 = vector.load %arg2[%get3A_12, %get3A_13] : memref<2000x128xf32, #tpu.memory_space<vmem>>, vector<2000x32xf32>
    %sub3A = arith.subf %add3A, %get3A_14 : vector<2000x32xf32>
    %mul3A = vector.broadcast %get3A_1 : vector<2000x1xf32> to vector<2000x32xf32>
    %mul3A_15 = arith.mulf %mul3A, %sub3A : vector<2000x32xf32>
    %max3A = arith.constant 0.000000e+00 : f32
    %max3A_16 = vector.broadcast %max3A : f32 to vector<2000x32xf32>
    %max3A_17 = arith.maximumf %mul3A_15, %max3A_16 : vector<2000x32xf32>
    %get3A_18 = arith.constant 0 : index
    %get3A_19 = arith.constant 0 : index
    %get3A_20 = vector.load %arg3[%get3A_18, %get3A_19] : memref<32x64xf32, #tpu.memory_space<vmem>>, vector<32x64xf32>
    %dot_general3A = arith.constant dense<0.000000e+00> : vector<2000x64xf32>
    %dot_general3A_21 = tpu.matmul %max3A_17, %get3A_20, %dot_general3A {dimension_numbers = #tpu.dot_dimension_numbers<[1], [0], [0], [1], [0, 0, 1, 1], [], []>, transpose_lhs_hint = false} : vector<2000x32xf32>, vector<32x64xf32>, vector<2000x64xf32> -> vector<2000x64xf32>
    %mul3A_22 = vector.broadcast %get3A_1 : vector<2000x1xf32> to vector<2000x64xf32>
    %mul3A_23 = arith.mulf %mul3A_22, %dot_general3A_21 : vector<2000x64xf32>
    %broadcast_in_dim3A = arith.constant 0.000000e+00 : f32
    %broadcast_in_dim3A_24 = vector.broadcast %broadcast_in_dim3A : f32 to vector<2000x64xf32>
    %concatenate3A = tpu.concatenate %mul3A_23, %broadcast_in_dim3A_24 in 1 : vector<2000x64xf32>, vector<2000x64xf32> -> vector<2000x128xf32>
    %swap3A = arith.constant 0 : index
    %swap3A_25 = arith.constant 0 : index
    %swap3A_26 = vector.load %arg5[%swap3A, %swap3A_25] : memref<2000x128xf32, #tpu.memory_space<vmem>>, vector<2000x128xf32>
    tpu.vector_store %arg5[%swap3A, %swap3A_25], %concatenate3A {strides = array<i32>} : memref<2000x128xf32, #tpu.memory_space<vmem>>, vector<2000x128xf32>,
    return
  }
  func.func @transform_0(%arg0: i32) -> (i32, i32, i32) {
    %c0_i32 = arith.constant 0 : i32
    %c0_i32_0 = arith.constant 0 : i32
    %c0_i32_1 = arith.constant 0 : i32
    return %c0_i32, %arg0, %c0_i32_0 : i32, i32, i32
  }
  func.func @transform_1(%arg0: i32) -> (i32, i32) {
    %c0_i32 = arith.constant 0 : i32
    %c0_i32_0 = arith.constant 0 : i32
    return %arg0, %c0_i32 : i32, i32
  }
  func.func @transform_2(%arg0: i32) -> (i32, i32) {
    %c0_i32 = arith.constant 0 : i32
    %c0_i32_0 = arith.constant 0 : i32
    %c0_i32_1 = arith.constant 0 : i32
    return %c0_i32, %c0_i32_0 : i32, i32
  }
  func.func @transform_3(%arg0: i32) -> (i32, i32) {
    %c0_i32 = arith.constant 0 : i32
    %c0_i32_0 = arith.constant 0 : i32
    return %arg0, %c0_i32 : i32, i32
  }
  func.func @transform_4(%arg0: i32) -> (i32, i32) {
    %c0_i32 = arith.constant 0 : i32
    %c0_i32_0 = arith.constant 0 : i32
    return %arg0, %c0_i32 : i32, i32
  }
}

module attributes {stable_mosaic.version = 14 : i64} {
  func.func @_k_z_body(%arg0: i32, %arg1: memref<2x2000x128xf32, #tpu.memory_space<vmem>>, %arg2: memref<2000x128xf32, #tpu.memory_space<vmem>>, %arg3: memref<2000x32xf32, #tpu.memory_space<vmem>>, %arg4: memref<2000x1xf32, #tpu.memory_space<vmem>>, %arg5: memref<2000x32xf32, #tpu.memory_space<vmem>>) attributes {dimension_semantics = [#tpu.dimension_semantics<arbitrary>], iteration_bounds = array<i64: 5>, scalar_prefetch = 0 : i64, scratch_operands = 0 : i64, tpu.core_type = #tpu.core_type<tc>, window_params = [{transform_indices = @transform_0, window_bounds = array<i64: 2, 2000, 128>}, {transform_indices = @transform_1, window_bounds = array<i64: 2000, 128>}, {transform_indices = @transform_2, window_bounds = array<i64: 2000, 32>}, {transform_indices = @transform_3, window_bounds = array<i64: 2000, 1>}, {transform_indices = @transform_4, window_bounds = array<i64: 2000, 32>}]} {
    %get3A = arith.constant 0 : index
    %get3A_0 = arith.constant 0 : index
    %get3A_1 = vector.load %arg4[%get3A, %get3A_0] : memref<2000x1xf32, #tpu.memory_space<vmem>>, vector<2000x1xf32>
    %get3A_2 = arith.constant 0 : index
    %get3A_3 = arith.constant 0 : index
    %get3A_4 = arith.constant 0 : index
    %get3A_5 = vector.load %arg1[%get3A_2, %get3A_3, %get3A_4] : memref<2x2000x128xf32, #tpu.memory_space<vmem>>, vector<1x2000x64xf32>
    %get3A_6 = vector.shape_cast %get3A_5 : vector<1x2000x64xf32> to vector<2000x64xf32>
    %get3A_7 = arith.constant 1 : index
    %get3A_8 = arith.constant 0 : index
    %get3A_9 = arith.constant 0 : index
    %get3A_10 = vector.load %arg1[%get3A_7, %get3A_8, %get3A_9] : memref<2x2000x128xf32, #tpu.memory_space<vmem>>, vector<1x2000x64xf32>
    %get3A_11 = vector.shape_cast %get3A_10 : vector<1x2000x64xf32> to vector<2000x64xf32>
    %add3A = arith.addf %get3A_6, %get3A_11 : vector<2000x64xf32>
    %get3A_12 = arith.constant 0 : index
    %get3A_13 = arith.constant 0 : index
    %get3A_14 = vector.load %arg2[%get3A_12, %get3A_13] : memref<2000x128xf32, #tpu.memory_space<vmem>>, vector<2000x64xf32>
    %sub3A = arith.subf %add3A, %get3A_14 : vector<2000x64xf32>
    %mul3A = vector.broadcast %get3A_1 : vector<2000x1xf32> to vector<2000x64xf32>
    %mul3A_15 = arith.mulf %mul3A, %sub3A : vector<2000x64xf32>
    %slice3A = vector.extract_strided_slice %mul3A_15 {offsets = [0, 0], sizes = [2000, 32], strides = [1, 1]} : vector<2000x64xf32> to vector<2000x32xf32>
    %get3A_16 = arith.constant 0 : index
    %get3A_17 = arith.constant 0 : index
    %get3A_18 = vector.load %arg3[%get3A_16, %get3A_17] : memref<2000x32xf32, #tpu.memory_space<vmem>>, vector<2000x32xf32>
    %slice3A_19 = vector.extract_strided_slice %mul3A_15 {offsets = [0, 32], sizes = [2000, 32], strides = [1, 1]} : vector<2000x64xf32> to vector<2000x32xf32>
    %exp3A = math.exp %slice3A_19 : vector<2000x32xf32>
    %mul3A_20 = arith.mulf %get3A_18, %exp3A : vector<2000x32xf32>
    %add3A_21 = arith.addf %slice3A, %mul3A_20 : vector<2000x32xf32>
    %swap3A = arith.constant 0 : index
    %swap3A_22 = arith.constant 0 : index
    %swap3A_23 = vector.load %arg5[%swap3A, %swap3A_22] : memref<2000x32xf32, #tpu.memory_space<vmem>>, vector<2000x32xf32>
    tpu.vector_store %arg5[%swap3A, %swap3A_22], %add3A_21 {strides = array<i32>} : memref<2000x32xf32, #tpu.memory_space<vmem>>, vector<2000x32xf32>,
    return
  }
  func.func @transform_0(%arg0: i32) -> (i32, i32, i32) {
    %c0_i32 = arith.constant 0 : i32
    %c0_i32_0 = arith.constant 0 : i32
    %c0_i32_1 = arith.constant 0 : i32
    return %c0_i32, %arg0, %c0_i32_0 : i32, i32, i32
  }
  func.func @transform_1(%arg0: i32) -> (i32, i32) {
    %c0_i32 = arith.constant 0 : i32
    %c0_i32_0 = arith.constant 0 : i32
    return %arg0, %c0_i32 : i32, i32
  }
  func.func @transform_2(%arg0: i32) -> (i32, i32) {
    %c0_i32 = arith.constant 0 : i32
    %c0_i32_0 = arith.constant 0 : i32
    return %arg0, %c0_i32 : i32, i32
  }
  func.func @transform_3(%arg0: i32) -> (i32, i32) {
    %c0_i32 = arith.constant 0 : i32
    %c0_i32_0 = arith.constant 0 : i32
    return %arg0, %c0_i32 : i32, i32
  }
  func.func @transform_4(%arg0: i32) -> (i32, i32) {
    %c0_i32 = arith.constant 0 : i32
    %c0_i32_0 = arith.constant 0 : i32
    return %arg0, %c0_i32 : i32, i32
  }
}

module attributes {stable_mosaic.version = 14 : i64} {
  func.func @_k_zz_body(%arg0: i32, %arg1: memref<400x32xf32, #tpu.memory_space<vmem>>, %arg2: memref<10000x32xf32, #tpu.memory_space<vmem>>, %arg3: memref<400x10000xf32, #tpu.memory_space<vmem>>) attributes {dimension_semantics = [#tpu.dimension_semantics<parallel>], iteration_bounds = array<i64: 25>, scalar_prefetch = 0 : i64, scratch_operands = 0 : i64, tpu.core_type = #tpu.core_type<tc>, window_params = [{transform_indices = @transform_0, window_bounds = array<i64: 400, 32>}, {pipeline_mode = #tpu.pipeline_mode<synchronous>, transform_indices = @transform_1, window_bounds = array<i64: 10000, 32>}, {transform_indices = @transform_2, window_bounds = array<i64: 400, 10000>}]} {
    %get3A = arith.constant 0 : index
    %get3A_0 = arith.constant 0 : index
    %get3A_1 = vector.load %arg1[%get3A, %get3A_0] : memref<400x32xf32, #tpu.memory_space<vmem>>, vector<400x32xf32>
    %get3A_2 = arith.constant 0 : index
    %get3A_3 = arith.constant 0 : index
    %get3A_4 = vector.load %arg2[%get3A_2, %get3A_3] : memref<10000x32xf32, #tpu.memory_space<vmem>>, vector<10000x32xf32>
    %dot_general3A = arith.constant dense<0.000000e+00> : vector<400x10000xf32>
    %dot_general3A_5 = tpu.matmul %get3A_1, %get3A_4, %dot_general3A {dimension_numbers = #tpu.dot_dimension_numbers<[1], [1], [0], [0], [0, 0, 1, 0], [], []>, transpose_lhs_hint = false} : vector<400x32xf32>, vector<10000x32xf32>, vector<400x10000xf32> -> vector<400x10000xf32>
    %swap3A = arith.constant 0 : index
    %swap3A_6 = arith.constant 0 : index
    %swap3A_7 = vector.load %arg3[%swap3A, %swap3A_6] : memref<400x10000xf32, #tpu.memory_space<vmem>>, vector<400x10000xf32>
    tpu.vector_store %arg3[%swap3A, %swap3A_6], %dot_general3A_5 {strides = array<i32>} : memref<400x10000xf32, #tpu.memory_space<vmem>>, vector<400x10000xf32>,
    return
  }
  func.func @transform_0(%arg0: i32) -> (i32, i32) {
    %c0_i32 = arith.constant 0 : i32
    %c0_i32_0 = arith.constant 0 : i32
    return %arg0, %c0_i32 : i32, i32
  }
  func.func @transform_1(%arg0: i32) -> (i32, i32) {
    %c0_i32 = arith.constant 0 : i32
    %c0_i32_0 = arith.constant 0 : i32
    %c0_i32_1 = arith.constant 0 : i32
    return %c0_i32, %c0_i32_0 : i32, i32
  }
  func.func @transform_2(%arg0: i32) -> (i32, i32) {
    %c0_i32 = arith.constant 0 : i32
    %c0_i32_0 = arith.constant 0 : i32
    return %arg0, %c0_i32 : i32, i32
  }
}

</mosaic_0001>

<sc_bundles>
// kernel: kernel.14.cloned.1.call-start
scs
__scs_entry_jumppad:
0x0: {  	(pc) =	sbr.rel $0x88, $3  }
0x1: {  	(tag) =	ssettag $0x0;
	lr =	simm.s32 $0x1  }
0x2: {  	[smem:$0x3F99] =	sst lr;
	_ =	strace $0xD0000000  }
0x3: {  	_ = 	snop  }
0x4: {  	_ = 	snop  }
0x5: {  	_ = 	snop  }
0x6: {  	_ = 	snop  }
0x7: {  	_ = 	snop  }
__scs_overlays_trampoline_lowered:
0x8: {  	[smem:$0x3FA8] =	sst s0  }
0x9: {  	[smem:$0x3FA9] =	sst s1  }
0xa: {  	[smem:$0x3FAA] =	sst s2  }
0xb: {  	[smem:$0x3FAB] =	sst s3  }
0xc: {  	[smem:$0x3FAC] =	sst s4  }
0xd: {  	[smem:$0x3FAD] =	sst s5  }
0xe: {  	[smem:$0x3FAE] =	sst s6  }
0xf: {  	[smem:$0x3FAF] =	sst s7  }
0x10: {  	[smem:$0x3FB0] =	sst s8  }
0x11: {  	[smem:$0x3FB1] =	sst s9;
	s0 =	simm.s32 @!p0 $0x0  }
0x12: {  	s1 =	sld [smem:$0x3F97];
	s0 =	simm.s32 @p0 $0x1  }
0x13: {  	[smem:$0x3FB2] =	sst s0;
	s0 =	simm.s32 @!p1 $0x0  }
0x14: {  	s2 =	sld [smem:$0x3F96];
	s0 =	simm.s32 @p1 $0x1  }
0x15: {  	[smem:$0x3FB3] =	sst s0;
	s0 =	simm.s32 @!p2 $0x0  }
0x16: {  	s3 =	sld [smem:$0x3FDB];
	s0 =	simm.s32 @p2 $0x1  }
0x17: {  	s4 =	simm.s32 $0x1BF5;
	[smem:$0x3FB5] =	sst s0  }
0x18: {  	s0 =	sld [smem:$0x3F98];
	_ =	swait.ge [sflag:s4], $0x0  }
0x19: {  	s7 =	sld [smem:$0x3F99]  }
0x1a: {  	s8 =	sadd.s32 $0xFFFFE003, lr  }
0x1b: {  	s9 =	sadd.s32 $0xFFFFFEF7, lr;
	s5 =	simm.s32 $0xFFFFFFFF;
	p2 =	slt.u32 s8, $0xFFFFF086  }
0x1c: {  	p1 =	slt.u32 s9, $0xF7A;
	s5 =	simm.s32 @!p2 $0x0  }
0x1d: {  	s5 =	simm.s32 @p1 $0x1;
	p0 =	seq.s32 s7, s2  }
0x1e: {  	s7 =	smul.u32 @!p0 $0xF7A, s2;
	p2 =	seq.s32 @!p0 s5, $0x0  }
0x1f: {  	s9 =	smul.u32 $0xF7A, s1;
	s8 =	simm.s32 @!p0 $0x1BF5;
	p2 =	por !p2, p0  }
0x20: {  	[sflag:s8] =	ssyncset.s32 @!p0 $0xFFFFF086;
	s6 =	sadd.s32 @!p0 s3, s7;
	s7 =	simm.s32 @!p0 $0x108  }
0x21: {  	s3 =	sadd.s32 s3, s9;
	s6 =	sadd.s32 @!p0 $0x88, s6;
	s7 =	simm.s32 @p2 $0x1082  }
0x22: {  	[simem:s7], [sflag:s8] =	dma.local @!p0 [hbm:s6], $0xF7A  }
0x23: {  	s9 =	sor.u32 $0xD0000000, s2;
	s6 =	simm.s32 $0x108;
	_ =	swait.ge @!p0 [sflag:s8], $0x0  }
0x24: {  	s3 =	sadd.s32 $0x88, s3;
	s6 =	simm.s32 @!p1 $0x1082;
	[sflag:s4] =	ssyncset.s32 $0xFFFFF086  }
0x25: {  	[simem:s6], [sflag:s4] =	dma.local [hbm:s3], $0xF7A  }
0x26: {  	[smem:$0x3F99] =	sst s1;
	(tag) =	ssettag s2;
	_ =	strace s9  }
0x27: {  	s1 =	sld [smem:$0x3FA9]  }
0x28: {  	s2 =	sld [smem:$0x3FAA]  }
0x29: {  	s4 =	sld [smem:$0x3FAC]  }
0x2a: {  	p0 =	seq.s32 s5, $0x0;
	s5 =	sld [smem:$0x3FAD]  }
0x2b: {  	s6 =	sld [smem:$0x3FAE]  }
0x2c: {  	s7 =	sld [smem:$0x3FAF]  }
0x2d: {  	s3 =	simm.s32 $0x108;
	s8 =	sld [smem:$0x3FB0]  }
0x2e: {  	s3 =	simm.s32 @!p0 $0x1082;
	s9 =	sld [smem:$0x3FB1]  }
0x2f: {  	lr =	sadd.s32 s0, s3;
	s0 =	sld [smem:$0x3FA8]  }
0x30: {  	s3 =	sld [smem:$0x3FAB]  }
0x31: {  	[smem:$0x3FB4] =	sst s10  }
0x32: {  	s10 =	sld [smem:$0x3FB2];
	_ =	sdelay $0x3  }
0x33: {  	p0 =	seq.s32 s10, $0x1;
	s10 =	sld [smem:$0x3FB4];
	_ =	sdelay $0x3  }
0x34: {  	[smem:$0x3FB4] =	sst s10  }
0x35: {  	s10 =	sld [smem:$0x3FB3];
	_ =	sdelay $0x3  }
0x36: {  	p1 =	seq.s32 s10, $0x1;
	s10 =	sld [smem:$0x3FB4];
	_ =	sdelay $0x3  }
0x37: {  	[smem:$0x3FB4] =	sst s10  }
0x38: {  	s10 =	sld [smem:$0x3FB5]  }
0x39: {  	_ = 	snop;
	(pc) =	sbr.ind lr, $3  }
0x3a: {  	_ = 	snop  }
0x3b: {  	_ = 	snop  }
0x3c: {  	p2 =	seq.s32 s10, $0x1;
	s10 =	sld [smem:$0x3FB4]  }
0x3d: {  	_ =	shalt  }
0x3e: {  	_ =	shalt  }
0x3f: {  	_ =	shalt  }
0x40: {  	_ =	shalt  }
0x41: {  	_ =	shalt  }
0x42: {  	_ =	shalt  }
0x43: {  	_ =	shalt  }
0x44: {  	_ =	shalt  }
0x45: {  	_ =	shalt  }
0x46: {  	_ =	shalt  }
0x47: {  	_ =	shalt  }
0x48: {  	_ =	shalt  }
0x49: {  	_ =	shalt  }
0x4a: {  	_ =	shalt  }
0x4b: {  	_ =	shalt  }
0x4c: {  	_ =	shalt  }
0x4d: {  	_ =	shalt  }
0x4e: {  	_ =	shalt  }
0x4f: {  	_ =	shalt  }
0x50: {  	_ =	shalt  }
0x51: {  	_ =	shalt  }
0x52: {  	_ =	shalt  }
0x53: {  	_ =	shalt  }
0x54: {  	_ =	shalt  }
0x55: {  	_ =	shalt  }
0x56: {  	_ =	shalt  }
0x57: {  	_ =	shalt  }
0x58: {  	_ =	shalt  }
0x59: {  	_ =	shalt  }
0x5a: {  	_ =	shalt  }
0x5b: {  	_ =	shalt  }
0x5c: {  	_ =	shalt  }
0x5d: {  	_ =	shalt  }
0x5e: {  	_ =	shalt  }
0x5f: {  	_ =	shalt  }
0x60: {  	_ =	shalt  }
0x61: {  	_ =	shalt  }
0x62: {  	_ =	shalt  }
0x63: {  	_ =	shalt  }
0x64: {  	_ =	shalt  }
0x65: {  	_ =	shalt  }
0x66: {  	_ =	shalt  }
0x67: {  	_ =	shalt  }
0x68: {  	_ =	shalt  }
0x69: {  	_ =	shalt  }
0x6a: {  	_ =	shalt  }
0x6b: {  	_ =	shalt  }
0x6c: {  	_ =	shalt  }
0x6d: {  	_ =	shalt  }
0x6e: {  	_ =	shalt  }
0x6f: {  	_ =	shalt  }
0x70: {  	_ =	shalt  }
0x71: {  	_ =	shalt  }
0x72: {  	_ =	shalt  }
0x73: {  	_ =	shalt  }
0x74: {  	_ =	shalt  }
0x75: {  	_ =	shalt  }
0x76: {  	_ =	shalt  }
0x77: {  	_ =	shalt  }
0x78: {  	_ =	shalt  }
0x79: {  	_ =	shalt  }
0x7a: {  	_ =	shalt  }
0x7b: {  	_ =	shalt  }
0x7c: {  	_ =	shalt  }
0x7d: {  	_ =	shalt  }
0x7e: {  	_ =	shalt  }
0x7f: {  	_ =	shalt  }
0x80: {  	_ =	shalt  }
0x81: {  	_ =	shalt  }
0x82: {  	_ =	shalt  }
0x83: {  	_ =	shalt  }
0x84: {  	_ =	shalt  }
0x85: {  	_ =	shalt  }
0x86: {  	_ =	shalt  }
0x87: {  	_ =	shalt  }
.Lfunc_end0:
.L_simem_size_0:
called_computation_lowered:
.L_overlay_start_0:
0x88: {  	s2 =	sld [smem:$0x3FD9]  }
0x89: {  	s3 =	sld [smem:$0x3FFE];
	_ =	sdelay $0x1  }
0x8a: {  	s1 =	srdreg.scid  }
0x8b: {  	s0 =	sand.u32 $0x1, s1  }
0x8c: {  	s17 =	sshll.u32 s0, $0xA;
	s2 =	sadd.s32 s3, s2  }
0x8d: {  	s2 =	sadd.s32 s2, s17  }
0x8e: {  	[smem:$0x3FC0] =	sst s2  }
0x8f: {  	_ = 	snop  }
0x90: {  	s2 =	sld [smem:$0x3FD0];
	(tm) =	ssettm $0x1  }
0x91: {  	s18 =	sld [smem:$0x3FFB];
	_ =	sdelay $0x3  }
0x92: {  	_ =	strace s18  }
0x93: {  	s3 =	sld [smem:$0x3FFC];
	_ =	sdelay $0x3  }
0x94: {  	_ =	strace s3  }
0x95: {  	s3 =	sld [smem:$0x3FFD];
	_ =	sdelay $0x3  }
0x96: {  	_ =	strace s3  }
0x97: {  	_ =	strace $0x8FFFFFFF  }
0x98: {  	s19 =	sld [smem:$0x3FDB];
	_ =	sdelay $0x1  }
0x99: {  	s4 =	simm.s32 $_scs_section_size  }
0x9a: {  	s5 =	simm.s32 $_size__tile_overlayer_lowered;
	s6 =	simm.s32 $_tile_overlayer_lowered  }
0x9b: {  	s22 =	simm.s32 $0x1BFF;
	s21 =	sshll.u32 s6, $0x1;
	s3 =	sadd.s32 s4, s19  }
0x9c: {  	s7 =	simm.s32 $0x0;
	s20 =	sshll.u32 s5, $0x1;
	s5 =	sadd.s32 s21, s3  }
0x9d: {  	[timem:s7], [sflag:s22] =	dma.local [hbm:s5], s20  }
0x9e: {  	_ =	swait.ge [sflag:s22], s20  }
0x9f: {  	s4 =	ssub.s32 $0x0, s20;
	[sflag:s22] =	ssyncset.done $0x0  }
0xa0: {  	[sflag:s22] =	ssyncadd.s32 s4;
	_ =	sdelay $0x1  }
0xa1: {  	s23 =	simm.s32 $0x1B8B  }
0xa2: {  	_ =	swait.ge [sflag:s23], $0x1  }
0xa3: {  	[sflag:s23] =	ssyncset.done $0x0  }
0xa4: {  	s25 =	simm.s32 $0x1B8E;
	s24 =	sld [smem:$0x3FFE];
	[sflag:s23] =	ssyncadd.s32 $0xFFFFFFFF  }
0xa5: {  	s26 =	simm.s32 $execute0_lowered;
	[smem:$0x3FD2] =	sst s25  }
0xa6: {  	s5 =	sshll.u32 s26, $0x1;
	_ =	strace $0x80000046;
	[dreg:$0x1] =	wrdreg $0xFFFFFFFF  }
0xa7: {  	s28 =	simm.s32 $_size_execute0_lowered;
	s3 =	sadd.s32 s3, s5;
	[dreg:$0x0] =	wrdreg $0x0  }
0xa8: {  	s5 =	sshll.u32 s28, $0x1;
	[dreg:$0x2] =	wrdreg s3  }
0xa9: {  	[dreg:$0x3] =	wrdreg s5  }
0xaa: {  	[dreg:$0x4] =	wrdreg $0xC0  }
0xab: {  	_ =	task [dreg:s7], $0x5FFFF  }
0xac: {  	[dreg:$0x1] =	wrdreg $0xFFFFFFFF  }
0xad: {  	[dreg:$0x0] =	wrdreg $0x60  }
0xae: {  	[dreg:$0x2] =	wrdreg s24  }
0xaf: {  	[dreg:$0x3] =	wrdreg s2  }
0xb0: {  	[dreg:$0x4] =	wrdreg $0x68000  }
0xb1: {  	[dreg:$0x5] =	wrdreg $0x9  }
0xb2: {  	_ =	task.clear_ibuf [dreg:s7], $0x6FFFF;
	_ =	strace $0x90000046  }
0xb3: {  	s29 =	simm.s32 $0x9;
	_ =	strace $0x80000048  }
0xb4: {  	_ =	swait.ge [sflag:s29], $0x1  }
0xb5: {  	[sflag:s29] =	ssyncadd.s32 $0xFFFFFFFF  }
0xb6: {  	_ =	strace $0x90000048  }
0xb7: {  	_ =	sfence  }
0xb8: {  	s30 =	sld [smem:$0x0];
	_ =	sdelay $0x2  }
0xb9: {  	s31 =	sshll.u32 s1, $0xD;
	s1 =	sshrl.u32 s1, $0x2  }
0xba: {  	s3 =	sand.u32 $0x4000, s31;
	s1 =	sadd.s32 s1, s30  }
0xbb: {  	s0 =	sor.u32 s3, s0;
	s1 =	sshll.u32 s1, $0x11  }
0xbc: {  	s0 =	sor.u32 s1, s0  }
0xbd: {  	s0 =	sadd.s32 $0x8F2B, s0  }
0xbe: {  	[sflag:s0] =	ssyncadd.remote.s32 $0x1  }
0xbf: {  	_ =	sfence.sel $0xFFFF  }
0xc0: {  	[dreg:$0x0] =	wrdreg $0xFFFFFFFF;
	(pc) =	sbr.abs _section_cstart, $3  }
0xc1: {  	[dreg:$0x1] =	wrdreg $0xFFFFFFFF  }
0xc2: {  	_ =	task.clear_ibuf [dreg:s7], $0x2FFFF;
	_ =	strace $0x9FFFFFFF  }
0xc3: {  	(tm) =	ssettm $0x7FFFFFFF  }
tec
execute0_lowered:
.L_overlay_start_1:
0x0: {  	(tag) =	ssettag $0x1  }
0x1: {  	s0 =	srdreg.scid;
	s7 =	rddreg [dreg:$0x0]  }
0x2: {  	s8 =	rddreg [dreg:$0x1];
	s6 =	sand.u32 $0x1, s0;
	s0 =	stileid.u32  }
0x3: {  	s2 =	rddreg [dreg:$0x2];
	s3 =	simm.s32 $0x0;
	s16 =	smul.u32 $0x2780, s0  }
0x4: {  	s14 =	simm.s32 $0x80;
	[smem:$0x7FF] =	sst s3;
	s5 =	smul.u32 $0x4F000, s0  }
0x5: {  	s1 =	sshll.u32 s6, $0x4;
	s10 =	ssub.s32 $0x2, s6;
	s13 =	smul.u32 $0x27100, s6  }
0x6: {  	s6 =	sadd.s32 $0x32A80, s7;
	p0 =	seq.s32 s0, $0xF;
	s1 =	sor.u32 s0, s1  }
0x7: {  	s12 =	sshrl.u32 s10, $0x1;
	s4 =	smul.u32 $0x500, s1;
	s1 =	rddreg [dreg:$0x3]  }
0x8: {  	_ =	strace $0x80000047;
	s11 =	sadd.s32 s16, s7;
	s5 =	sshrl.u32 s5, $0x2  }
0x9: {  	s10 =	ssub.s32 s10, s12;
	s17 =	sadd.s32 s8, s13;
	s13 =	simm.s32 $0x2800  }
0xa: {  	s12 =	sadd.s32 s5, s2;
	s5 =	sadd.s32 $0xDA00, s11;
	s11 =	sadd.s32 $0x128400, s2  }
0xb: {  	s8 =	smax.u32 s10, $0x1;
	s10 =	sshll.u32 @!p0 s0, $0x6;
	s15 =	sadd.s32 @p0 $0x25080, s17  }
0xc: {  	s16 =	sadd.s32 @!p0 s16, s17;
	s17 =	simm.s32 $0x0;
	s9 =	sadd.s32 s4, s7  }
0xd: {  	s4 =	sadd.s32 $0xD200, s7;
	s10 =	sor.u32 @!p0 $0x1C01, s10;
	s7 =	sadd.s32 $0x3200, s9  }
0xe: {  	s9 =	sshrl.u32 @p0 s11, $0x3;
	s11 =	sshrl.u32 @!p0 s12, $0x3;
	s12 =	simm.s32 $0x1  }
.LBB2_1:
0xf: {  	s18 =	simm.s32 @p0 $0x1FC1  }
0x10: {  	[spmem:s9], [sflag:s18] =	dma.local @p0 [hbm:s6], $0x2180  }
0x11: {  	s18 =	simm.s32 @p0 $0x1  }
0x12: {  	_ =	swait.ge @p0 [sflag:s18], $0x2180  }
0x13: {  	[sflag:s18] =	ssyncset.done @p0 $0x0  }
0x14: {  	[sflag:s18] =	ssyncadd.s32 @p0 $0xFFFFDE80;
	s18 =	simm.s32 @!p0 $0x1  }
0x15: {  	[spmem:s11], [sflag:s10] =	dma.local @!p0 [hbm:s5], $0x2780  }
0x16: {  	_ =	swait.ge @!p0 [sflag:s18], $0x2780  }
0x17: {  	[sflag:s18] =	ssyncset.done @!p0 $0x0  }
0x18: {  	[sflag:s18] =	ssyncadd.s32 @!p0 $0xFFFFD880  }
0x19: {  	[tilespmem:s3], [sflag:$0x1] =	stream.linear.gather [hbm4b:s7+s3], $0x2780, $0x38;
	[tilespmem:$0x1A100] =	vst v63  }
0x1a: {  	_ =	swait.ge [sflag:s12], $0x2780  }
0x1b: {  	[sflag:s12] =	ssyncset.done $0x0  }
0x1c: {  	[sflag:s12] =	ssyncadd.s32 $0xFFFFD880  }
0x1d: {  	[tilespmem:s13], [sflag:$0x1] =	stream.linear.gather [hbm4b:s4+s3], $0x4000, $0x38;
	[tilespmem:$0x1A100] =	vst v63  }
0x1e: {  	_ =	swait.ge [sflag:s12], $0x4000  }
0x1f: {  	[sflag:s12] =	ssyncset.done $0x0  }
0x20: {  	[sflag:s12] =	ssyncadd.s32 $0xFFFFC000  }
0x21: {  	s31 =	simm.s32 $0x0;
	[bflag:$0x0] =	sbarrier.arrive $0xFFFF  }
0x22: {  	[spmem:s2] =	stream.indirect.scatter.add.f32 [tilespmem:s13], [sflag:$0x1], $0x80, s31, s14, $0xb8;
	[tilespmem:$0x1A100] =	vst v63  }
0x23: {  	_ =	swait.ge [sflag:s12], $0x4000  }
0x24: {  	s18 =	simm.s32 $0x200;
	[sflag:s12] =	ssyncset.done $0x0  }
.LBB2_2:
0x25: {  	s19 =	sshra.s32 s18, $0x2;
	[sflag:s12] =	ssyncadd.s32 $0xFFFFC000;
	p1 =	sne.s32 s18, $0x9C00  }
0x26: {  	[spmem:s2] =	stream.indirect.scatter.add.f32 [tilespmem:s13], [sflag:$0x1], $0x80, s19, s14, $0xb8;
	[tilespmem:$0x1A100] =	vst v63  }
.Ltmp0:
0x27: {  	_ = 	snop;
	(pc) =	sbr.rel @p1 .LBB2_2-.Ltmp0, $4  }
0x28: {  	_ = 	snop  }
0x29: {  	s18 =	sadd.s32 $0x200, s18  }
0x2a: {  	_ =	swait.ge [sflag:s12], $0x4000  }
0x2b: {  	[sflag:s12] =	ssyncset.done $0x0  }
0x2c: {  	[sflag:s12] =	ssyncadd.s32 $0xFFFFC000  }
0x2d: {  	s18 =	simm.s32 @p0 $0x1FC1;
	[bflag:$0x0] =	sbarrier.arrive $0xFFFF  }
0x2e: {  	[hbm:s15], [sflag:s18] =	dma.local @p0 [spmem:s9], $0x2080  }
0x2f: {  	s18 =	simm.s32 @p0 $0x1  }
0x30: {  	s17 =	sadd.s32 $0x1, s17;
	_ =	swait.ge @p0 [sflag:s18], $0x2080  }
0x31: {  	p1 =	sne.s32 s17, s8;
	[sflag:s18] =	ssyncset.done @p0 $0x0  }
.Ltmp1:
0x32: {  	[sflag:s18] =	ssyncadd.s32 @p0 $0xFFFFDF80;
	s18 =	simm.s32 @!p0 $0x1;
	(pc) =	sbr.rel @p1 .LBB2_1-.Ltmp1, $4  }
0x33: {  	[hbm:s16], [sflag:s10] =	dma.local @!p0 [spmem:s11], $0x2780  }
0x34: {  	_ =	swait.ge @!p0 [sflag:s18], $0x2780  }
0x35: {  	[sflag:s18] =	ssyncset.done @!p0 $0x0  }
0x36: {  	[sflag:s18] =	ssyncadd.s32 @!p0 $0xFFFFD880  }
0x37: {  	_ =	sfence.sel $0x180000  }
0x38: {  	[bflag:$0x0] =	sbarrier.arrive $0xFFFF  }
0x39: {  	p0 =	sne.s32 s0, $0x0;
	_ =	strace $0x90000047  }
0x3a: {  	s0 =	sadd.s32 @!p0 $0x100000, s1;
	[bflag:$0x2] =	sbarrier.arrive $0xFFFF  }
0x3b: {  	[sflag:s0] =	ssyncadd.tile.s32 @!p0 $0x1;
	_ =	shalt  }
.Lfunc_end2:
_tile_overlayer_lowered:
.L_overlay_start_2:
0x3c: {  	(tag) =	ssettag $0x2  }
0x3d: {  	s0 =	rddreg [dreg:$0x0];
	s2 =	stileid.u32  }
0x3e: {  	s1 =	rddreg [dreg:$0x1];
	p0 =	sne.s32 s2, $0x0  }
0x3f: {  	s3 =	rddreg [dreg:$0x2];
	[bflag:$0x3] =	sbarrier.arrive $0xFFFF;
	s2 =	simm.s32 @!p0 $0x1C01  }
0x40: {  	[timem:s3], [sflag:s2] =	dma.local @!p0 [hbm:s0], s1  }
0x41: {  	s0 =	simm.s32 @!p0 $0x1  }
0x42: {  	_ =	swait.ge @!p0 [sflag:s0], s1  }
0x43: {  	s1 =	ssub.s32 @!p0 $0x0, s1;
	[sflag:s0] =	ssyncset.done @!p0 $0x0  }
0x44: {  	[sflag:s0] =	ssyncadd.s32 @!p0 s1  }
0x45: {  	[bflag:$0x3] =	sbarrier.arrive $0xFFFF  }
0x46: {  	_ =	shalt  }

// kernel: kernel.17.cloned.1.call-start
scs
__scs_entry_jumppad:
0x0: {  	(pc) =	sbr.rel $0x88, $3  }
0x1: {  	(tag) =	ssettag $0x0;
	lr =	simm.s32 $0x1  }
0x2: {  	[smem:$0x3F99] =	sst lr;
	_ =	strace $0xD0000000  }
0x3: {  	_ = 	snop  }
0x4: {  	_ = 	snop  }
0x5: {  	_ = 	snop  }
0x6: {  	_ = 	snop  }
0x7: {  	_ = 	snop  }
__scs_overlays_trampoline_lowered:
0x8: {  	[smem:$0x3FA8] =	sst s0  }
0x9: {  	[smem:$0x3FA9] =	sst s1  }
0xa: {  	[smem:$0x3FAA] =	sst s2  }
0xb: {  	[smem:$0x3FAB] =	sst s3  }
0xc: {  	[smem:$0x3FAC] =	sst s4  }
0xd: {  	[smem:$0x3FAD] =	sst s5  }
0xe: {  	[smem:$0x3FAE] =	sst s6  }
0xf: {  	[smem:$0x3FAF] =	sst s7  }
0x10: {  	[smem:$0x3FB0] =	sst s8  }
0x11: {  	[smem:$0x3FB1] =	sst s9;
	s0 =	simm.s32 @!p0 $0x0  }
0x12: {  	s1 =	sld [smem:$0x3F97];
	s0 =	simm.s32 @p0 $0x1  }
0x13: {  	[smem:$0x3FB2] =	sst s0;
	s0 =	simm.s32 @!p1 $0x0  }
0x14: {  	s2 =	sld [smem:$0x3F96];
	s0 =	simm.s32 @p1 $0x1  }
0x15: {  	[smem:$0x3FB3] =	sst s0;
	s0 =	simm.s32 @!p2 $0x0  }
0x16: {  	s3 =	sld [smem:$0x3FDB];
	s0 =	simm.s32 @p2 $0x1  }
0x17: {  	s4 =	simm.s32 $0x1BF5;
	[smem:$0x3FB5] =	sst s0  }
0x18: {  	s0 =	sld [smem:$0x3F98];
	_ =	swait.ge [sflag:s4], $0x0  }
0x19: {  	s7 =	sld [smem:$0x3F99]  }
0x1a: {  	s8 =	sadd.s32 $0xFFFFE003, lr  }
0x1b: {  	s9 =	sadd.s32 $0xFFFFFEF7, lr;
	s5 =	simm.s32 $0xFFFFFFFF;
	p2 =	slt.u32 s8, $0xFFFFF086  }
0x1c: {  	p1 =	slt.u32 s9, $0xF7A;
	s5 =	simm.s32 @!p2 $0x0  }
0x1d: {  	s5 =	simm.s32 @p1 $0x1;
	p0 =	seq.s32 s7, s2  }
0x1e: {  	s7 =	smul.u32 @!p0 $0xF7A, s2;
	p2 =	seq.s32 @!p0 s5, $0x0  }
0x1f: {  	s9 =	smul.u32 $0xF7A, s1;
	s8 =	simm.s32 @!p0 $0x1BF5;
	p2 =	por !p2, p0  }
0x20: {  	[sflag:s8] =	ssyncset.s32 @!p0 $0xFFFFF086;
	s6 =	sadd.s32 @!p0 s3, s7;
	s7 =	simm.s32 @!p0 $0x108  }
0x21: {  	s3 =	sadd.s32 s3, s9;
	s6 =	sadd.s32 @!p0 $0x88, s6;
	s7 =	simm.s32 @p2 $0x1082  }
0x22: {  	[simem:s7], [sflag:s8] =	dma.local @!p0 [hbm:s6], $0xF7A  }
0x23: {  	s9 =	sor.u32 $0xD0000000, s2;
	s6 =	simm.s32 $0x108;
	_ =	swait.ge @!p0 [sflag:s8], $0x0  }
0x24: {  	s3 =	sadd.s32 $0x88, s3;
	s6 =	simm.s32 @!p1 $0x1082;
	[sflag:s4] =	ssyncset.s32 $0xFFFFF086  }
0x25: {  	[simem:s6], [sflag:s4] =	dma.local [hbm:s3], $0xF7A  }
0x26: {  	[smem:$0x3F99] =	sst s1;
	(tag) =	ssettag s2;
	_ =	strace s9  }
0x27: {  	s1 =	sld [smem:$0x3FA9]  }
0x28: {  	s2 =	sld [smem:$0x3FAA]  }
0x29: {  	s4 =	sld [smem:$0x3FAC]  }
0x2a: {  	p0 =	seq.s32 s5, $0x0;
	s5 =	sld [smem:$0x3FAD]  }
0x2b: {  	s6 =	sld [smem:$0x3FAE]  }
0x2c: {  	s7 =	sld [smem:$0x3FAF]  }
0x2d: {  	s3 =	simm.s32 $0x108;
	s8 =	sld [smem:$0x3FB0]  }
0x2e: {  	s3 =	simm.s32 @!p0 $0x1082;
	s9 =	sld [smem:$0x3FB1]  }
0x2f: {  	lr =	sadd.s32 s0, s3;
	s0 =	sld [smem:$0x3FA8]  }
0x30: {  	s3 =	sld [smem:$0x3FAB]  }
0x31: {  	[smem:$0x3FB4] =	sst s10  }
0x32: {  	s10 =	sld [smem:$0x3FB2];
	_ =	sdelay $0x3  }
0x33: {  	p0 =	seq.s32 s10, $0x1;
	s10 =	sld [smem:$0x3FB4];
	_ =	sdelay $0x3  }
0x34: {  	[smem:$0x3FB4] =	sst s10  }
0x35: {  	s10 =	sld [smem:$0x3FB3];
	_ =	sdelay $0x3  }
0x36: {  	p1 =	seq.s32 s10, $0x1;
	s10 =	sld [smem:$0x3FB4];
	_ =	sdelay $0x3  }
0x37: {  	[smem:$0x3FB4] =	sst s10  }
0x38: {  	s10 =	sld [smem:$0x3FB5]  }
0x39: {  	_ = 	snop;
	(pc) =	sbr.ind lr, $3  }
0x3a: {  	_ = 	snop  }
0x3b: {  	_ = 	snop  }
0x3c: {  	p2 =	seq.s32 s10, $0x1;
	s10 =	sld [smem:$0x3FB4]  }
0x3d: {  	_ =	shalt  }
0x3e: {  	_ =	shalt  }
0x3f: {  	_ =	shalt  }
0x40: {  	_ =	shalt  }
0x41: {  	_ =	shalt  }
0x42: {  	_ =	shalt  }
0x43: {  	_ =	shalt  }
0x44: {  	_ =	shalt  }
0x45: {  	_ =	shalt  }
0x46: {  	_ =	shalt  }
0x47: {  	_ =	shalt  }
0x48: {  	_ =	shalt  }
0x49: {  	_ =	shalt  }
0x4a: {  	_ =	shalt  }
0x4b: {  	_ =	shalt  }
0x4c: {  	_ =	shalt  }
0x4d: {  	_ =	shalt  }
0x4e: {  	_ =	shalt  }
0x4f: {  	_ =	shalt  }
0x50: {  	_ =	shalt  }
0x51: {  	_ =	shalt  }
0x52: {  	_ =	shalt  }
0x53: {  	_ =	shalt  }
0x54: {  	_ =	shalt  }
0x55: {  	_ =	shalt  }
0x56: {  	_ =	shalt  }
0x57: {  	_ =	shalt  }
0x58: {  	_ =	shalt  }
0x59: {  	_ =	shalt  }
0x5a: {  	_ =	shalt  }
0x5b: {  	_ =	shalt  }
0x5c: {  	_ =	shalt  }
0x5d: {  	_ =	shalt  }
0x5e: {  	_ =	shalt  }
0x5f: {  	_ =	shalt  }
0x60: {  	_ =	shalt  }
0x61: {  	_ =	shalt  }
0x62: {  	_ =	shalt  }
0x63: {  	_ =	shalt  }
0x64: {  	_ =	shalt  }
0x65: {  	_ =	shalt  }
0x66: {  	_ =	shalt  }
0x67: {  	_ =	shalt  }
0x68: {  	_ =	shalt  }
0x69: {  	_ =	shalt  }
0x6a: {  	_ =	shalt  }
0x6b: {  	_ =	shalt  }
0x6c: {  	_ =	shalt  }
0x6d: {  	_ =	shalt  }
0x6e: {  	_ =	shalt  }
0x6f: {  	_ =	shalt  }
0x70: {  	_ =	shalt  }
0x71: {  	_ =	shalt  }
0x72: {  	_ =	shalt  }
0x73: {  	_ =	shalt  }
0x74: {  	_ =	shalt  }
0x75: {  	_ =	shalt  }
0x76: {  	_ =	shalt  }
0x77: {  	_ =	shalt  }
0x78: {  	_ =	shalt  }
0x79: {  	_ =	shalt  }
0x7a: {  	_ =	shalt  }
0x7b: {  	_ =	shalt  }
0x7c: {  	_ =	shalt  }
0x7d: {  	_ =	shalt  }
0x7e: {  	_ =	shalt  }
0x7f: {  	_ =	shalt  }
0x80: {  	_ =	shalt  }
0x81: {  	_ =	shalt  }
0x82: {  	_ =	shalt  }
0x83: {  	_ =	shalt  }
0x84: {  	_ =	shalt  }
0x85: {  	_ =	shalt  }
0x86: {  	_ =	shalt  }
0x87: {  	_ =	shalt  }
.Lfunc_end0:
.L_simem_size_0:
called_computation.1_lowered:
.L_overlay_start_0:
0x88: {  	s2 =	sld [smem:$0x3FD9]  }
0x89: {  	s3 =	sld [smem:$0x3FFE];
	_ =	sdelay $0x1  }
0x8a: {  	s1 =	srdreg.scid  }
0x8b: {  	s0 =	sand.u32 $0x1, s1  }
0x8c: {  	s17 =	sshll.u32 s0, $0xA;
	s2 =	sadd.s32 s3, s2  }
0x8d: {  	s2 =	sadd.s32 s2, s17  }
0x8e: {  	[smem:$0x3FC0] =	sst s2  }
0x8f: {  	_ = 	snop  }
0x90: {  	s2 =	sld [smem:$0x3FD0];
	(tm) =	ssettm $0x1  }
0x91: {  	s18 =	sld [smem:$0x3FFB];
	_ =	sdelay $0x3  }
0x92: {  	_ =	strace s18  }
0x93: {  	s3 =	sld [smem:$0x3FFC];
	_ =	sdelay $0x3  }
0x94: {  	_ =	strace s3  }
0x95: {  	s3 =	sld [smem:$0x3FFD];
	_ =	sdelay $0x3  }
0x96: {  	_ =	strace s3  }
0x97: {  	_ =	strace $0x8FFFFFFF  }
0x98: {  	s19 =	sld [smem:$0x3FDB];
	_ =	sdelay $0x1  }
0x99: {  	s4 =	simm.s32 $_scs_section_size  }
0x9a: {  	s5 =	simm.s32 $_size__tile_overlayer_lowered;
	s6 =	simm.s32 $_tile_overlayer_lowered  }
0x9b: {  	s22 =	simm.s32 $0x1BFF;
	s21 =	sshll.u32 s6, $0x1;
	s3 =	sadd.s32 s4, s19  }
0x9c: {  	s7 =	simm.s32 $0x0;
	s20 =	sshll.u32 s5, $0x1;
	s5 =	sadd.s32 s21, s3  }
0x9d: {  	[timem:s7], [sflag:s22] =	dma.local [hbm:s5], s20  }
0x9e: {  	_ =	swait.ge [sflag:s22], s20  }
0x9f: {  	s4 =	ssub.s32 $0x0, s20;
	[sflag:s22] =	ssyncset.done $0x0  }
0xa0: {  	[sflag:s22] =	ssyncadd.s32 s4;
	_ =	sdelay $0x1  }
0xa1: {  	s23 =	simm.s32 $0x1B8B  }
0xa2: {  	_ =	swait.ge [sflag:s23], $0x1  }
0xa3: {  	[sflag:s23] =	ssyncset.done $0x0  }
0xa4: {  	s25 =	simm.s32 $0x1B8E;
	s24 =	sld [smem:$0x3FFE];
	[sflag:s23] =	ssyncadd.s32 $0xFFFFFFFF  }
0xa5: {  	s26 =	simm.s32 $execute0_lowered;
	[smem:$0x3FD2] =	sst s25  }
0xa6: {  	s5 =	sshll.u32 s26, $0x1;
	_ =	strace $0x80000049;
	[dreg:$0x1] =	wrdreg $0xFFFFFFFF  }
0xa7: {  	s28 =	simm.s32 $_size_execute0_lowered;
	s3 =	sadd.s32 s3, s5;
	[dreg:$0x0] =	wrdreg $0x0  }
0xa8: {  	s5 =	sshll.u32 s28, $0x1;
	[dreg:$0x2] =	wrdreg s3  }
0xa9: {  	[dreg:$0x3] =	wrdreg s5  }
0xaa: {  	[dreg:$0x4] =	wrdreg $0xC0  }
0xab: {  	_ =	task [dreg:s7], $0x5FFFF  }
0xac: {  	[dreg:$0x1] =	wrdreg $0xFFFFFFFF  }
0xad: {  	[dreg:$0x0] =	wrdreg $0x60  }
0xae: {  	[dreg:$0x2] =	wrdreg s24  }
0xaf: {  	[dreg:$0x3] =	wrdreg s2  }
0xb0: {  	[dreg:$0x4] =	wrdreg $0x90000  }
0xb1: {  	[dreg:$0x5] =	wrdreg $0x9  }
0xb2: {  	_ =	task.clear_ibuf [dreg:s7], $0x6FFFF;
	_ =	strace $0x90000049  }
0xb3: {  	s29 =	simm.s32 $0x9;
	_ =	strace $0x8000004B  }
0xb4: {  	_ =	swait.ge [sflag:s29], $0x1  }
0xb5: {  	[sflag:s29] =	ssyncadd.s32 $0xFFFFFFFF  }
0xb6: {  	_ =	strace $0x9000004B  }
0xb7: {  	_ =	sfence  }
0xb8: {  	s30 =	sld [smem:$0x0];
	_ =	sdelay $0x2  }
0xb9: {  	s31 =	sshll.u32 s1, $0xD;
	s1 =	sshrl.u32 s1, $0x2  }
0xba: {  	s3 =	sand.u32 $0x4000, s31;
	s1 =	sadd.s32 s1, s30  }
0xbb: {  	s0 =	sor.u32 s3, s0;
	s1 =	sshll.u32 s1, $0x11  }
0xbc: {  	s0 =	sor.u32 s1, s0  }
0xbd: {  	s0 =	sadd.s32 $0x8F2B, s0  }
0xbe: {  	[sflag:s0] =	ssyncadd.remote.s32 $0x1  }
0xbf: {  	_ =	sfence.sel $0xFFFF  }
0xc0: {  	[dreg:$0x0] =	wrdreg $0xFFFFFFFF;
	(pc) =	sbr.abs _section_cstart, $3  }
0xc1: {  	[dreg:$0x1] =	wrdreg $0xFFFFFFFF  }
0xc2: {  	_ =	task.clear_ibuf [dreg:s7], $0x2FFFF;
	_ =	strace $0x9FFFFFFF  }
0xc3: {  	(tm) =	ssettm $0x7FFFFFFF  }
tec
execute0_lowered:
.L_overlay_start_1:
0x0: {  	(tag) =	ssettag $0x1  }
0x1: {  	s6 =	rddreg [dreg:$0x0]  }
0x2: {  	s9 =	rddreg [dreg:$0x1]  }
0x3: {  	s1 =	rddreg [dreg:$0x2];
	s2 =	srdreg.scid  }
0x4: {  	s0 =	rddreg [dreg:$0x3];
	s3 =	simm.s32 $0x0;
	s15 =	simm.s32 $0x80  }
0x5: {  	s16 =	simm.s32 $0x5000;
	s7 =	sand.u32 $0x1, s2;
	s2 =	stileid.u32  }
0x6: {  	s17 =	simm.s32 $0x1;
	[smem:$0x7FF] =	sst s3;
	s8 =	smul.u32 $0x4F000, s2  }
0x7: {  	s4 =	sshll.u32 s7, $0x4;
	_ =	strace $0x8000004A;
	s19 =	smul.u32 $0x2780, s2  }
0x8: {  	s10 =	ssub.s32 $0x2, s7;
	s14 =	smul.u32 $0x27100, s7;
	p0 =	seq.s32 s2, $0xF  }
0x9: {  	s5 =	sor.u32 s2, s4;
	s4 =	sadd.s32 $0xD200, s6;
	s11 =	sshrl.u32 s10, $0x1  }
0xa: {  	s5 =	smul.u32 $0x500, s5;
	s8 =	sshrl.u32 s8, $0x2;
	s10 =	ssub.s32 s10, s11  }
0xb: {  	s11 =	sadd.s32 $0x128400, s1;
	s20 =	sadd.s32 s9, s14;
	s14 =	simm.s32 $0x2800  }
0xc: {  	s13 =	sadd.s32 s8, s1;
	s9 =	smax.u32 s10, $0x1;
	s10 =	sshrl.u32 @p0 s11, $0x3  }
0xd: {  	s18 =	sadd.s32 @p0 $0x25080, s20;
	s12 =	sadd.s32 s5, s6;
	s5 =	sadd.s32 s4, s19  }
0xe: {  	s6 =	sadd.s32 $0x32280, s6;
	s19 =	sadd.s32 @!p0 s19, s20;
	s20 =	simm.s32 $0x0  }
0xf: {  	s7 =	sadd.s32 $0x34C00, s12;
	s8 =	sadd.s32 $0x3200, s12;
	s12 =	sshll.u32 @!p0 s2, $0x6  }
0x10: {  	s11 =	sor.u32 @!p0 $0x1C02, s12;
	s12 =	sshrl.u32 @!p0 s13, $0x3;
	s13 =	simm.s32 $0x2  }
.LBB2_1:
0x11: {  	s21 =	simm.s32 @p0 $0x1FC2  }
0x12: {  	[spmem:s10], [sflag:s21] =	dma.local @p0 [hbm:s6], $0x2080  }
0x13: {  	s21 =	simm.s32 @p0 $0x2  }
0x14: {  	_ =	swait.ge @p0 [sflag:s21], $0x2080  }
0x15: {  	[sflag:s21] =	ssyncset.done @p0 $0x0  }
0x16: {  	[sflag:s21] =	ssyncadd.s32 @p0 $0xFFFFDF80;
	s21 =	simm.s32 @!p0 $0x2  }
0x17: {  	[spmem:s12], [sflag:s11] =	dma.local @!p0 [hbm:s5], $0x2780  }
0x18: {  	_ =	swait.ge @!p0 [sflag:s21], $0x2780  }
0x19: {  	[sflag:s21] =	ssyncset.done @!p0 $0x0  }
0x1a: {  	[sflag:s21] =	ssyncadd.s32 @!p0 $0xFFFFD880  }
0x1b: {  	[tilespmem:s3], [sflag:$0x2] =	stream.linear.gather [hbm4b:s7+s3], $0x2780, $0x38;
	[tilespmem:$0x1C900] =	vst v63  }
0x1c: {  	_ =	swait.ge [sflag:s13], $0x2780  }
0x1d: {  	[sflag:s13] =	ssyncset.done $0x0  }
0x1e: {  	[sflag:s13] =	ssyncadd.s32 $0xFFFFD880  }
0x1f: {  	[tilespmem:s14], [sflag:$0x2] =	stream.linear.gather [hbm4b:s8+s3], $0x2780, $0x38;
	[tilespmem:$0x1C900] =	vst v63  }
0x20: {  	_ =	swait.ge [sflag:s13], $0x2780  }
0x21: {  	[sflag:s13] =	ssyncset.done $0x0  }
0x22: {  	[sflag:s13] =	ssyncadd.s32 $0xFFFFD880  }
0x23: {  	s30 =	simm.s32 $0x0;
	[bflag:$0x0] =	sbarrier.arrive $0xFFFF  }
0x24: {  	[tilespmem:s16], [sflag:$0x1] =	stream.indirect.gather [hbm4b:s4+s15], $0x80, s30, s15, $0xb8;
	[tilespmem:$0x1C900] =	vst v63  }
0x25: {  	_ =	swait.ge [sflag:s17], $0x4000  }
0x26: {  	[sflag:s17] =	ssyncset.done $0x0  }
0x27: {  	s31 =	simm.s32 $0x2800;
	[sflag:s17] =	ssyncadd.s32 $0xFFFFC000  }
0x28: {  	[spmem:s1] =	stream.indirect.scatter.add.f32 [tilespmem:s16], [sflag:$0x2], $0x80, s31, s15, $0xb8;
	[tilespmem:$0x1C900] =	vst v63  }
0x29: {  	_ =	swait.ge [sflag:s13], $0x4000  }
0x2a: {  	s22 =	simm.s32 $0x400;
	s21 =	simm.s32 $0x200;
	[sflag:s13] =	ssyncset.done $0x0  }
.LBB2_2:
0x2b: {  	s23 =	sshra.s32 s21, $0x2  }
0x2c: {  	[sflag:s13] =	ssyncadd.s32 $0xFFFFC000;
	s21 =	smov.u32 s22;
	s24 =	sadd.s32 $0x200, s22  }
0x2d: {  	[tilespmem:s16], [sflag:$0x1] =	stream.indirect.gather [hbm4b:s4+s15], $0x80, s23, s15, $0xb8;
	[tilespmem:$0x1C900] =	vst v63  }
0x2e: {  	p1 =	sne.s32 s22, $0x9C00;
	_ =	swait.ge [sflag:s17], $0x4000  }
.Ltmp0:
0x2f: {  	[sflag:s17] =	ssyncset.done $0x0;
	(pc) =	sbr.rel @p1 .LBB2_2-.Ltmp0, $4  }
0x30: {  	s22 =	sadd.s32 $0x2800, s23;
	[sflag:s17] =	ssyncadd.s32 $0xFFFFC000  }
0x31: {  	[spmem:s1] =	stream.indirect.scatter.add.f32 [tilespmem:s16], [sflag:$0x2], $0x80, s22, s15, $0xb8;
	[tilespmem:$0x1C900] =	vst v63  }
0x32: {  	_ =	swait.ge [sflag:s13], $0x4000  }
0x33: {  	s22 =	smov.u32 s24;
	[sflag:s13] =	ssyncset.done $0x0  }
0x34: {  	s21 =	sshra.s32 s21, $0x2;
	[sflag:s13] =	ssyncadd.s32 $0xFFFFC000  }
0x35: {  	[tilespmem:s16], [sflag:$0x1] =	stream.indirect.gather [hbm4b:s4+s15], $0x80, s21, s15, $0xb8;
	[tilespmem:$0x1C900] =	vst v63  }
0x36: {  	_ =	swait.ge [sflag:s17], $0x4000  }
0x37: {  	[sflag:s17] =	ssyncset.done $0x0  }
0x38: {  	s21 =	sadd.s32 $0x2800, s21;
	[sflag:s17] =	ssyncadd.s32 $0xFFFFC000  }
0x39: {  	[spmem:s1] =	stream.indirect.scatter.add.f32 [tilespmem:s16], [sflag:$0x2], $0x80, s21, s15, $0xb8;
	[tilespmem:$0x1C900] =	vst v63  }
0x3a: {  	_ =	swait.ge [sflag:s13], $0x4000  }
0x3b: {  	[sflag:s13] =	ssyncset.done $0x0  }
0x3c: {  	[sflag:s13] =	ssyncadd.s32 $0xFFFFC000  }
0x3d: {  	s21 =	simm.s32 @p0 $0x1FC2;
	[bflag:$0x0] =	sbarrier.arrive $0xFFFF  }
0x3e: {  	[hbm:s18], [sflag:s21] =	dma.local @p0 [spmem:s10], $0x2080  }
0x3f: {  	s21 =	simm.s32 @p0 $0x2  }
0x40: {  	s20 =	sadd.s32 $0x1, s20;
	_ =	swait.ge @p0 [sflag:s21], $0x2080  }
0x41: {  	p1 =	sne.s32 s20, s9;
	[sflag:s21] =	ssyncset.done @p0 $0x0  }
.Ltmp1:
0x42: {  	[sflag:s21] =	ssyncadd.s32 @p0 $0xFFFFDF80;
	s21 =	simm.s32 @!p0 $0x2;
	(pc) =	sbr.rel @p1 .LBB2_1-.Ltmp1, $4  }
0x43: {  	[hbm:s19], [sflag:s11] =	dma.local @!p0 [spmem:s12], $0x2780  }
0x44: {  	_ =	swait.ge @!p0 [sflag:s21], $0x2780  }
0x45: {  	[sflag:s21] =	ssyncset.done @!p0 $0x0  }
0x46: {  	[sflag:s21] =	ssyncadd.s32 @!p0 $0xFFFFD880  }
0x47: {  	_ =	sfence.sel $0x180000  }
0x48: {  	[bflag:$0x0] =	sbarrier.arrive $0xFFFF  }
0x49: {  	p0 =	sne.s32 s2, $0x0;
	_ =	strace $0x9000004A  }
0x4a: {  	s0 =	sadd.s32 @!p0 $0x100000, s0;
	[bflag:$0x2] =	sbarrier.arrive $0xFFFF  }
0x4b: {  	[sflag:s0] =	ssyncadd.tile.s32 @!p0 $0x1;
	_ =	shalt  }
.Lfunc_end2:
_tile_overlayer_lowered:
.L_overlay_start_2:
0x4c: {  	(tag) =	ssettag $0x2  }
0x4d: {  	s0 =	rddreg [dreg:$0x0];
	s2 =	stileid.u32  }
0x4e: {  	s1 =	rddreg [dreg:$0x1];
	p0 =	sne.s32 s2, $0x0  }
0x4f: {  	s3 =	rddreg [dreg:$0x2];
	[bflag:$0x3] =	sbarrier.arrive $0xFFFF;
	s2 =	simm.s32 @!p0 $0x1C02  }
0x50: {  	[timem:s3], [sflag:s2] =	dma.local @!p0 [hbm:s0], s1  }
0x51: {  	s0 =	simm.s32 @!p0 $0x2  }
0x52: {  	_ =	swait.ge @!p0 [sflag:s0], s1  }
0x53: {  	s1 =	ssub.s32 @!p0 $0x0, s1;
	[sflag:s0] =	ssyncset.done @!p0 $0x0  }
0x54: {  	[sflag:s0] =	ssyncadd.s32 @!p0 s1  }
0x55: {  	[bflag:$0x3] =	sbarrier.arrive $0xFFFF  }
0x56: {  	_ =	shalt  }

// kernel: kernel.20.cloned.1.call-start
scs
__scs_entry_jumppad:
0x0: {  	(pc) =	sbr.rel $0x88, $3  }
0x1: {  	(tag) =	ssettag $0x0;
	lr =	simm.s32 $0x1  }
0x2: {  	[smem:$0x3F99] =	sst lr;
	_ =	strace $0xD0000000  }
0x3: {  	_ = 	snop  }
0x4: {  	_ = 	snop  }
0x5: {  	_ = 	snop  }
0x6: {  	_ = 	snop  }
0x7: {  	_ = 	snop  }
__scs_overlays_trampoline_lowered:
0x8: {  	[smem:$0x3FA8] =	sst s0  }
0x9: {  	[smem:$0x3FA9] =	sst s1  }
0xa: {  	[smem:$0x3FAA] =	sst s2  }
0xb: {  	[smem:$0x3FAB] =	sst s3  }
0xc: {  	[smem:$0x3FAC] =	sst s4  }
0xd: {  	[smem:$0x3FAD] =	sst s5  }
0xe: {  	[smem:$0x3FAE] =	sst s6  }
0xf: {  	[smem:$0x3FAF] =	sst s7  }
0x10: {  	[smem:$0x3FB0] =	sst s8  }
0x11: {  	[smem:$0x3FB1] =	sst s9;
	s0 =	simm.s32 @!p0 $0x0  }
0x12: {  	s1 =	sld [smem:$0x3F97];
	s0 =	simm.s32 @p0 $0x1  }
0x13: {  	[smem:$0x3FB2] =	sst s0;
	s0 =	simm.s32 @!p1 $0x0  }
0x14: {  	s2 =	sld [smem:$0x3F96];
	s0 =	simm.s32 @p1 $0x1  }
0x15: {  	[smem:$0x3FB3] =	sst s0;
	s0 =	simm.s32 @!p2 $0x0  }
0x16: {  	s3 =	sld [smem:$0x3FDB];
	s0 =	simm.s32 @p2 $0x1  }
0x17: {  	s4 =	simm.s32 $0x1BF5;
	[smem:$0x3FB5] =	sst s0  }
0x18: {  	s0 =	sld [smem:$0x3F98];
	_ =	swait.ge [sflag:s4], $0x0  }
0x19: {  	s7 =	sld [smem:$0x3F99]  }
0x1a: {  	s8 =	sadd.s32 $0xFFFFE003, lr  }
0x1b: {  	s9 =	sadd.s32 $0xFFFFFEF7, lr;
	s5 =	simm.s32 $0xFFFFFFFF;
	p2 =	slt.u32 s8, $0xFFFFF086  }
0x1c: {  	p1 =	slt.u32 s9, $0xF7A;
	s5 =	simm.s32 @!p2 $0x0  }
0x1d: {  	s5 =	simm.s32 @p1 $0x1;
	p0 =	seq.s32 s7, s2  }
0x1e: {  	s7 =	smul.u32 @!p0 $0xF7A, s2;
	p2 =	seq.s32 @!p0 s5, $0x0  }
0x1f: {  	s9 =	smul.u32 $0xF7A, s1;
	s8 =	simm.s32 @!p0 $0x1BF5;
	p2 =	por !p2, p0  }
0x20: {  	[sflag:s8] =	ssyncset.s32 @!p0 $0xFFFFF086;
	s6 =	sadd.s32 @!p0 s3, s7;
	s7 =	simm.s32 @!p0 $0x108  }
0x21: {  	s3 =	sadd.s32 s3, s9;
	s6 =	sadd.s32 @!p0 $0x88, s6;
	s7 =	simm.s32 @p2 $0x1082  }
0x22: {  	[simem:s7], [sflag:s8] =	dma.local @!p0 [hbm:s6], $0xF7A  }
0x23: {  	s9 =	sor.u32 $0xD0000000, s2;
	s6 =	simm.s32 $0x108;
	_ =	swait.ge @!p0 [sflag:s8], $0x0  }
0x24: {  	s3 =	sadd.s32 $0x88, s3;
	s6 =	simm.s32 @!p1 $0x1082;
	[sflag:s4] =	ssyncset.s32 $0xFFFFF086  }
0x25: {  	[simem:s6], [sflag:s4] =	dma.local [hbm:s3], $0xF7A  }
0x26: {  	[smem:$0x3F99] =	sst s1;
	(tag) =	ssettag s2;
	_ =	strace s9  }
0x27: {  	s1 =	sld [smem:$0x3FA9]  }
0x28: {  	s2 =	sld [smem:$0x3FAA]  }
0x29: {  	s4 =	sld [smem:$0x3FAC]  }
0x2a: {  	p0 =	seq.s32 s5, $0x0;
	s5 =	sld [smem:$0x3FAD]  }
0x2b: {  	s6 =	sld [smem:$0x3FAE]  }
0x2c: {  	s7 =	sld [smem:$0x3FAF]  }
0x2d: {  	s3 =	simm.s32 $0x108;
	s8 =	sld [smem:$0x3FB0]  }
0x2e: {  	s3 =	simm.s32 @!p0 $0x1082;
	s9 =	sld [smem:$0x3FB1]  }
0x2f: {  	lr =	sadd.s32 s0, s3;
	s0 =	sld [smem:$0x3FA8]  }
0x30: {  	s3 =	sld [smem:$0x3FAB]  }
0x31: {  	[smem:$0x3FB4] =	sst s10  }
0x32: {  	s10 =	sld [smem:$0x3FB2];
	_ =	sdelay $0x3  }
0x33: {  	p0 =	seq.s32 s10, $0x1;
	s10 =	sld [smem:$0x3FB4];
	_ =	sdelay $0x3  }
0x34: {  	[smem:$0x3FB4] =	sst s10  }
0x35: {  	s10 =	sld [smem:$0x3FB3];
	_ =	sdelay $0x3  }
0x36: {  	p1 =	seq.s32 s10, $0x1;
	s10 =	sld [smem:$0x3FB4];
	_ =	sdelay $0x3  }
0x37: {  	[smem:$0x3FB4] =	sst s10  }
0x38: {  	s10 =	sld [smem:$0x3FB5]  }
0x39: {  	_ = 	snop;
	(pc) =	sbr.ind lr, $3  }
0x3a: {  	_ = 	snop  }
0x3b: {  	_ = 	snop  }
0x3c: {  	p2 =	seq.s32 s10, $0x1;
	s10 =	sld [smem:$0x3FB4]  }
0x3d: {  	_ =	shalt  }
0x3e: {  	_ =	shalt  }
0x3f: {  	_ =	shalt  }
0x40: {  	_ =	shalt  }
0x41: {  	_ =	shalt  }
0x42: {  	_ =	shalt  }
0x43: {  	_ =	shalt  }
0x44: {  	_ =	shalt  }
0x45: {  	_ =	shalt  }
0x46: {  	_ =	shalt  }
0x47: {  	_ =	shalt  }
0x48: {  	_ =	shalt  }
0x49: {  	_ =	shalt  }
0x4a: {  	_ =	shalt  }
0x4b: {  	_ =	shalt  }
0x4c: {  	_ =	shalt  }
0x4d: {  	_ =	shalt  }
0x4e: {  	_ =	shalt  }
0x4f: {  	_ =	shalt  }
0x50: {  	_ =	shalt  }
0x51: {  	_ =	shalt  }
0x52: {  	_ =	shalt  }
0x53: {  	_ =	shalt  }
0x54: {  	_ =	shalt  }
0x55: {  	_ =	shalt  }
0x56: {  	_ =	shalt  }
0x57: {  	_ =	shalt  }
0x58: {  	_ =	shalt  }
0x59: {  	_ =	shalt  }
0x5a: {  	_ =	shalt  }
0x5b: {  	_ =	shalt  }
0x5c: {  	_ =	shalt  }
0x5d: {  	_ =	shalt  }
0x5e: {  	_ =	shalt  }
0x5f: {  	_ =	shalt  }
0x60: {  	_ =	shalt  }
0x61: {  	_ =	shalt  }
0x62: {  	_ =	shalt  }
0x63: {  	_ =	shalt  }
0x64: {  	_ =	shalt  }
0x65: {  	_ =	shalt  }
0x66: {  	_ =	shalt  }
0x67: {  	_ =	shalt  }
0x68: {  	_ =	shalt  }
0x69: {  	_ =	shalt  }
0x6a: {  	_ =	shalt  }
0x6b: {  	_ =	shalt  }
0x6c: {  	_ =	shalt  }
0x6d: {  	_ =	shalt  }
0x6e: {  	_ =	shalt  }
0x6f: {  	_ =	shalt  }
0x70: {  	_ =	shalt  }
0x71: {  	_ =	shalt  }
0x72: {  	_ =	shalt  }
0x73: {  	_ =	shalt  }
0x74: {  	_ =	shalt  }
0x75: {  	_ =	shalt  }
0x76: {  	_ =	shalt  }
0x77: {  	_ =	shalt  }
0x78: {  	_ =	shalt  }
0x79: {  	_ =	shalt  }
0x7a: {  	_ =	shalt  }
0x7b: {  	_ =	shalt  }
0x7c: {  	_ =	shalt  }
0x7d: {  	_ =	shalt  }
0x7e: {  	_ =	shalt  }
0x7f: {  	_ =	shalt  }
0x80: {  	_ =	shalt  }
0x81: {  	_ =	shalt  }
0x82: {  	_ =	shalt  }
0x83: {  	_ =	shalt  }
0x84: {  	_ =	shalt  }
0x85: {  	_ =	shalt  }
0x86: {  	_ =	shalt  }
0x87: {  	_ =	shalt  }
.Lfunc_end0:
.L_simem_size_0:
called_computation.2_lowered:
.L_overlay_start_0:
0x88: {  	s2 =	sld [smem:$0x3FD9]  }
0x89: {  	s3 =	sld [smem:$0x3FFE];
	_ =	sdelay $0x1  }
0x8a: {  	s1 =	srdreg.scid  }
0x8b: {  	s0 =	sand.u32 $0x1, s1  }
0x8c: {  	s17 =	sshll.u32 s0, $0xA;
	s2 =	sadd.s32 s3, s2  }
0x8d: {  	s2 =	sadd.s32 s2, s17  }
0x8e: {  	[smem:$0x3FC0] =	sst s2  }
0x8f: {  	_ = 	snop  }
0x90: {  	s2 =	sld [smem:$0x3FD0];
	(tm) =	ssettm $0x1  }
0x91: {  	s18 =	sld [smem:$0x3FFB];
	_ =	sdelay $0x3  }
0x92: {  	_ =	strace s18  }
0x93: {  	s3 =	sld [smem:$0x3FFC];
	_ =	sdelay $0x3  }
0x94: {  	_ =	strace s3  }
0x95: {  	s3 =	sld [smem:$0x3FFD];
	_ =	sdelay $0x3  }
0x96: {  	_ =	strace s3  }
0x97: {  	_ =	strace $0x8FFFFFFF  }
0x98: {  	s19 =	sld [smem:$0x3FDB];
	_ =	sdelay $0x1  }
0x99: {  	s4 =	simm.s32 $_scs_section_size  }
0x9a: {  	s5 =	simm.s32 $_size__tile_overlayer_lowered;
	s6 =	simm.s32 $_tile_overlayer_lowered  }
0x9b: {  	s22 =	simm.s32 $0x1BFF;
	s21 =	sshll.u32 s6, $0x1;
	s3 =	sadd.s32 s4, s19  }
0x9c: {  	s7 =	simm.s32 $0x0;
	s20 =	sshll.u32 s5, $0x1;
	s5 =	sadd.s32 s21, s3  }
0x9d: {  	[timem:s7], [sflag:s22] =	dma.local [hbm:s5], s20  }
0x9e: {  	_ =	swait.ge [sflag:s22], s20  }
0x9f: {  	s4 =	ssub.s32 $0x0, s20;
	[sflag:s22] =	ssyncset.done $0x0  }
0xa0: {  	[sflag:s22] =	ssyncadd.s32 s4;
	_ =	sdelay $0x1  }
0xa1: {  	s23 =	simm.s32 $0x1B8B  }
0xa2: {  	_ =	swait.ge [sflag:s23], $0x1  }
0xa3: {  	[sflag:s23] =	ssyncset.done $0x0  }
0xa4: {  	s25 =	simm.s32 $0x1B8E;
	s24 =	sld [smem:$0x3FFE];
	[sflag:s23] =	ssyncadd.s32 $0xFFFFFFFF  }
0xa5: {  	s26 =	simm.s32 $execute0_lowered;
	[smem:$0x3FD2] =	sst s25  }
0xa6: {  	s5 =	sshll.u32 s26, $0x1;
	_ =	strace $0x8000004C;
	[dreg:$0x1] =	wrdreg $0xFFFFFFFF  }
0xa7: {  	s28 =	simm.s32 $_size_execute0_lowered;
	s3 =	sadd.s32 s3, s5;
	[dreg:$0x0] =	wrdreg $0x0  }
0xa8: {  	s5 =	sshll.u32 s28, $0x1;
	[dreg:$0x2] =	wrdreg s3  }
0xa9: {  	[dreg:$0x3] =	wrdreg s5  }
0xaa: {  	[dreg:$0x4] =	wrdreg $0xC0  }
0xab: {  	_ =	task [dreg:s7], $0x5FFFF  }
0xac: {  	[dreg:$0x1] =	wrdreg $0xFFFFFFFF  }
0xad: {  	[dreg:$0x0] =	wrdreg $0x60  }
0xae: {  	[dreg:$0x2] =	wrdreg s24  }
0xaf: {  	[dreg:$0x3] =	wrdreg s2  }
0xb0: {  	[dreg:$0x4] =	wrdreg $0x90000  }
0xb1: {  	[dreg:$0x5] =	wrdreg $0x9  }
0xb2: {  	_ =	task.clear_ibuf [dreg:s7], $0x6FFFF;
	_ =	strace $0x9000004C  }
0xb3: {  	s29 =	simm.s32 $0x9;
	_ =	strace $0x8000004E  }
0xb4: {  	_ =	swait.ge [sflag:s29], $0x1  }
0xb5: {  	[sflag:s29] =	ssyncadd.s32 $0xFFFFFFFF  }
0xb6: {  	_ =	strace $0x9000004E  }
0xb7: {  	_ =	sfence  }
0xb8: {  	s30 =	sld [smem:$0x0];
	_ =	sdelay $0x2  }
0xb9: {  	s31 =	sshll.u32 s1, $0xD;
	s1 =	sshrl.u32 s1, $0x2  }
0xba: {  	s3 =	sand.u32 $0x4000, s31;
	s1 =	sadd.s32 s1, s30  }
0xbb: {  	s0 =	sor.u32 s3, s0;
	s1 =	sshll.u32 s1, $0x11  }
0xbc: {  	s0 =	sor.u32 s1, s0  }
0xbd: {  	s0 =	sadd.s32 $0x8F2B, s0  }
0xbe: {  	[sflag:s0] =	ssyncadd.remote.s32 $0x1  }
0xbf: {  	_ =	sfence.sel $0xFFFF  }
0xc0: {  	[dreg:$0x0] =	wrdreg $0xFFFFFFFF;
	(pc) =	sbr.abs _section_cstart, $3  }
0xc1: {  	[dreg:$0x1] =	wrdreg $0xFFFFFFFF  }
0xc2: {  	_ =	task.clear_ibuf [dreg:s7], $0x2FFFF;
	_ =	strace $0x9FFFFFFF  }
0xc3: {  	(tm) =	ssettm $0x7FFFFFFF  }
tec
execute0_lowered:
.L_overlay_start_1:
0x0: {  	(tag) =	ssettag $0x1  }
0x1: {  	s6 =	rddreg [dreg:$0x0]  }
0x2: {  	s9 =	rddreg [dreg:$0x1]  }
0x3: {  	s1 =	rddreg [dreg:$0x2];
	s2 =	srdreg.scid  }
0x4: {  	s0 =	rddreg [dreg:$0x3];
	s3 =	simm.s32 $0x0;
	s15 =	simm.s32 $0x80  }
0x5: {  	s16 =	simm.s32 $0x5000;
	s7 =	sand.u32 $0x1, s2;
	s2 =	stileid.u32  }
0x6: {  	s17 =	simm.s32 $0x1;
	[smem:$0x7FF] =	sst s3;
	s8 =	smul.u32 $0x4F000, s2  }
0x7: {  	s4 =	sshll.u32 s7, $0x4;
	_ =	strace $0x8000004D;
	s19 =	smul.u32 $0x2780, s2  }
0x8: {  	s10 =	ssub.s32 $0x2, s7;
	s14 =	smul.u32 $0x27100, s7;
	p0 =	seq.s32 s2, $0xF  }
0x9: {  	s5 =	sor.u32 s2, s4;
	s4 =	sadd.s32 $0xD200, s6;
	s11 =	sshrl.u32 s10, $0x1  }
0xa: {  	s5 =	smul.u32 $0x500, s5;
	s8 =	sshrl.u32 s8, $0x2;
	s10 =	ssub.s32 s10, s11  }
0xb: {  	s11 =	sadd.s32 $0x128400, s1;
	s20 =	sadd.s32 s9, s14;
	s14 =	simm.s32 $0x2800  }
0xc: {  	s13 =	sadd.s32 s8, s1;
	s9 =	smax.u32 s10, $0x1;
	s10 =	sshrl.u32 @p0 s11, $0x3  }
0xd: {  	s18 =	sadd.s32 @p0 $0x25080, s20;
	s12 =	sadd.s32 s5, s6;
	s5 =	sadd.s32 s4, s19  }
0xe: {  	s6 =	sadd.s32 $0x32280, s6;
	s19 =	sadd.s32 @!p0 s19, s20;
	s20 =	simm.s32 $0x0  }
0xf: {  	s7 =	sadd.s32 $0x34C00, s12;
	s8 =	sadd.s32 $0x3200, s12;
	s12 =	sshll.u32 @!p0 s2, $0x6  }
0x10: {  	s11 =	sor.u32 @!p0 $0x1C02, s12;
	s12 =	sshrl.u32 @!p0 s13, $0x3;
	s13 =	simm.s32 $0x2  }
.LBB2_1:
0x11: {  	s21 =	simm.s32 @p0 $0x1FC2  }
0x12: {  	[spmem:s10], [sflag:s21] =	dma.local @p0 [hbm:s6], $0x2080  }
0x13: {  	s21 =	simm.s32 @p0 $0x2  }
0x14: {  	_ =	swait.ge @p0 [sflag:s21], $0x2080  }
0x15: {  	[sflag:s21] =	ssyncset.done @p0 $0x0  }
0x16: {  	[sflag:s21] =	ssyncadd.s32 @p0 $0xFFFFDF80;
	s21 =	simm.s32 @!p0 $0x2  }
0x17: {  	[spmem:s12], [sflag:s11] =	dma.local @!p0 [hbm:s5], $0x2780  }
0x18: {  	_ =	swait.ge @!p0 [sflag:s21], $0x2780  }
0x19: {  	[sflag:s21] =	ssyncset.done @!p0 $0x0  }
0x1a: {  	[sflag:s21] =	ssyncadd.s32 @!p0 $0xFFFFD880  }
0x1b: {  	[tilespmem:s3], [sflag:$0x2] =	stream.linear.gather [hbm4b:s7+s3], $0x2780, $0x38;
	[tilespmem:$0x1C900] =	vst v63  }
0x1c: {  	_ =	swait.ge [sflag:s13], $0x2780  }
0x1d: {  	[sflag:s13] =	ssyncset.done $0x0  }
0x1e: {  	[sflag:s13] =	ssyncadd.s32 $0xFFFFD880  }
0x1f: {  	[tilespmem:s14], [sflag:$0x2] =	stream.linear.gather [hbm4b:s8+s3], $0x2780, $0x38;
	[tilespmem:$0x1C900] =	vst v63  }
0x20: {  	_ =	swait.ge [sflag:s13], $0x2780  }
0x21: {  	[sflag:s13] =	ssyncset.done $0x0  }
0x22: {  	[sflag:s13] =	ssyncadd.s32 $0xFFFFD880  }
0x23: {  	s30 =	simm.s32 $0x0;
	[bflag:$0x0] =	sbarrier.arrive $0xFFFF  }
0x24: {  	[tilespmem:s16], [sflag:$0x1] =	stream.indirect.gather [hbm4b:s4+s15], $0x80, s30, s15, $0xb8;
	[tilespmem:$0x1C900] =	vst v63  }
0x25: {  	_ =	swait.ge [sflag:s17], $0x4000  }
0x26: {  	[sflag:s17] =	ssyncset.done $0x0  }
0x27: {  	s31 =	simm.s32 $0x2800;
	[sflag:s17] =	ssyncadd.s32 $0xFFFFC000  }
0x28: {  	[spmem:s1] =	stream.indirect.scatter.add.f32 [tilespmem:s16], [sflag:$0x2], $0x80, s31, s15, $0xb8;
	[tilespmem:$0x1C900] =	vst v63  }
0x29: {  	_ =	swait.ge [sflag:s13], $0x4000  }
0x2a: {  	s22 =	simm.s32 $0x400;
	s21 =	simm.s32 $0x200;
	[sflag:s13] =	ssyncset.done $0x0  }
.LBB2_2:
0x2b: {  	s23 =	sshra.s32 s21, $0x2  }
0x2c: {  	[sflag:s13] =	ssyncadd.s32 $0xFFFFC000;
	s21 =	smov.u32 s22;
	s24 =	sadd.s32 $0x200, s22  }
0x2d: {  	[tilespmem:s16], [sflag:$0x1] =	stream.indirect.gather [hbm4b:s4+s15], $0x80, s23, s15, $0xb8;
	[tilespmem:$0x1C900] =	vst v63  }
0x2e: {  	p1 =	sne.s32 s22, $0x9C00;
	_ =	swait.ge [sflag:s17], $0x4000  }
.Ltmp0:
0x2f: {  	[sflag:s17] =	ssyncset.done $0x0;
	(pc) =	sbr.rel @p1 .LBB2_2-.Ltmp0, $4  }
0x30: {  	s22 =	sadd.s32 $0x2800, s23;
	[sflag:s17] =	ssyncadd.s32 $0xFFFFC000  }
0x31: {  	[spmem:s1] =	stream.indirect.scatter.add.f32 [tilespmem:s16], [sflag:$0x2], $0x80, s22, s15, $0xb8;
	[tilespmem:$0x1C900] =	vst v63  }
0x32: {  	_ =	swait.ge [sflag:s13], $0x4000  }
0x33: {  	s22 =	smov.u32 s24;
	[sflag:s13] =	ssyncset.done $0x0  }
0x34: {  	s21 =	sshra.s32 s21, $0x2;
	[sflag:s13] =	ssyncadd.s32 $0xFFFFC000  }
0x35: {  	[tilespmem:s16], [sflag:$0x1] =	stream.indirect.gather [hbm4b:s4+s15], $0x80, s21, s15, $0xb8;
	[tilespmem:$0x1C900] =	vst v63  }
0x36: {  	_ =	swait.ge [sflag:s17], $0x4000  }
0x37: {  	[sflag:s17] =	ssyncset.done $0x0  }
0x38: {  	s21 =	sadd.s32 $0x2800, s21;
	[sflag:s17] =	ssyncadd.s32 $0xFFFFC000  }
0x39: {  	[spmem:s1] =	stream.indirect.scatter.add.f32 [tilespmem:s16], [sflag:$0x2], $0x80, s21, s15, $0xb8;
	[tilespmem:$0x1C900] =	vst v63  }
0x3a: {  	_ =	swait.ge [sflag:s13], $0x4000  }
0x3b: {  	[sflag:s13] =	ssyncset.done $0x0  }
0x3c: {  	[sflag:s13] =	ssyncadd.s32 $0xFFFFC000  }
0x3d: {  	s21 =	simm.s32 @p0 $0x1FC2;
	[bflag:$0x0] =	sbarrier.arrive $0xFFFF  }
0x3e: {  	[hbm:s18], [sflag:s21] =	dma.local @p0 [spmem:s10], $0x2080  }
0x3f: {  	s21 =	simm.s32 @p0 $0x2  }
0x40: {  	s20 =	sadd.s32 $0x1, s20;
	_ =	swait.ge @p0 [sflag:s21], $0x2080  }
0x41: {  	p1 =	sne.s32 s20, s9;
	[sflag:s21] =	ssyncset.done @p0 $0x0  }
.Ltmp1:
0x42: {  	[sflag:s21] =	ssyncadd.s32 @p0 $0xFFFFDF80;
	s21 =	simm.s32 @!p0 $0x2;
	(pc) =	sbr.rel @p1 .LBB2_1-.Ltmp1, $4  }
0x43: {  	[hbm:s19], [sflag:s11] =	dma.local @!p0 [spmem:s12], $0x2780  }
0x44: {  	_ =	swait.ge @!p0 [sflag:s21], $0x2780  }
0x45: {  	[sflag:s21] =	ssyncset.done @!p0 $0x0  }
0x46: {  	[sflag:s21] =	ssyncadd.s32 @!p0 $0xFFFFD880  }
0x47: {  	_ =	sfence.sel $0x180000  }
0x48: {  	[bflag:$0x0] =	sbarrier.arrive $0xFFFF  }
0x49: {  	p0 =	sne.s32 s2, $0x0;
	_ =	strace $0x9000004D  }
0x4a: {  	s0 =	sadd.s32 @!p0 $0x100000, s0;
	[bflag:$0x2] =	sbarrier.arrive $0xFFFF  }
0x4b: {  	[sflag:s0] =	ssyncadd.tile.s32 @!p0 $0x1;
	_ =	shalt  }
.Lfunc_end2:
_tile_overlayer_lowered:
.L_overlay_start_2:
0x4c: {  	(tag) =	ssettag $0x2  }
0x4d: {  	s0 =	rddreg [dreg:$0x0];
	s2 =	stileid.u32  }
0x4e: {  	s1 =	rddreg [dreg:$0x1];
	p0 =	sne.s32 s2, $0x0  }
0x4f: {  	s3 =	rddreg [dreg:$0x2];
	[bflag:$0x3] =	sbarrier.arrive $0xFFFF;
	s2 =	simm.s32 @!p0 $0x1C02  }
0x50: {  	[timem:s3], [sflag:s2] =	dma.local @!p0 [hbm:s0], s1  }
0x51: {  	s0 =	simm.s32 @!p0 $0x2  }
0x52: {  	_ =	swait.ge @!p0 [sflag:s0], s1  }
0x53: {  	s1 =	ssub.s32 @!p0 $0x0, s1;
	[sflag:s0] =	ssyncset.done @!p0 $0x0  }
0x54: {  	[sflag:s0] =	ssyncadd.s32 @!p0 s1  }
0x55: {  	[bflag:$0x3] =	sbarrier.arrive $0xFFFF  }
0x56: {  	_ =	shalt  }

// kernel: kernel.23.cloned.1.call-start
scs
__scs_entry_jumppad:
0x0: {  	(pc) =	sbr.rel $0x88, $3  }
0x1: {  	(tag) =	ssettag $0x0;
	lr =	simm.s32 $0x1  }
0x2: {  	[smem:$0x3F99] =	sst lr;
	_ =	strace $0xD0000000  }
0x3: {  	_ = 	snop  }
0x4: {  	_ = 	snop  }
0x5: {  	_ = 	snop  }
0x6: {  	_ = 	snop  }
0x7: {  	_ = 	snop  }
__scs_overlays_trampoline_lowered:
0x8: {  	[smem:$0x3FA8] =	sst s0  }
0x9: {  	[smem:$0x3FA9] =	sst s1  }
0xa: {  	[smem:$0x3FAA] =	sst s2  }
0xb: {  	[smem:$0x3FAB] =	sst s3  }
0xc: {  	[smem:$0x3FAC] =	sst s4  }
0xd: {  	[smem:$0x3FAD] =	sst s5  }
0xe: {  	[smem:$0x3FAE] =	sst s6  }
0xf: {  	[smem:$0x3FAF] =	sst s7  }
0x10: {  	[smem:$0x3FB0] =	sst s8  }
0x11: {  	[smem:$0x3FB1] =	sst s9;
	s0 =	simm.s32 @!p0 $0x0  }
0x12: {  	s1 =	sld [smem:$0x3F97];
	s0 =	simm.s32 @p0 $0x1  }
0x13: {  	[smem:$0x3FB2] =	sst s0;
	s0 =	simm.s32 @!p1 $0x0  }
0x14: {  	s2 =	sld [smem:$0x3F96];
	s0 =	simm.s32 @p1 $0x1  }
0x15: {  	[smem:$0x3FB3] =	sst s0;
	s0 =	simm.s32 @!p2 $0x0  }
0x16: {  	s3 =	sld [smem:$0x3FDB];
	s0 =	simm.s32 @p2 $0x1  }
0x17: {  	s4 =	simm.s32 $0x1BF5;
	[smem:$0x3FB5] =	sst s0  }
0x18: {  	s0 =	sld [smem:$0x3F98];
	_ =	swait.ge [sflag:s4], $0x0  }
0x19: {  	s7 =	sld [smem:$0x3F99]  }
0x1a: {  	s8 =	sadd.s32 $0xFFFFE003, lr  }
0x1b: {  	s9 =	sadd.s32 $0xFFFFFEF7, lr;
	s5 =	simm.s32 $0xFFFFFFFF;
	p2 =	slt.u32 s8, $0xFFFFF086  }
0x1c: {  	p1 =	slt.u32 s9, $0xF7A;
	s5 =	simm.s32 @!p2 $0x0  }
0x1d: {  	s5 =	simm.s32 @p1 $0x1;
	p0 =	seq.s32 s7, s2  }
0x1e: {  	s7 =	smul.u32 @!p0 $0xF7A, s2;
	p2 =	seq.s32 @!p0 s5, $0x0  }
0x1f: {  	s9 =	smul.u32 $0xF7A, s1;
	s8 =	simm.s32 @!p0 $0x1BF5;
	p2 =	por !p2, p0  }
0x20: {  	[sflag:s8] =	ssyncset.s32 @!p0 $0xFFFFF086;
	s6 =	sadd.s32 @!p0 s3, s7;
	s7 =	simm.s32 @!p0 $0x108  }
0x21: {  	s3 =	sadd.s32 s3, s9;
	s6 =	sadd.s32 @!p0 $0x88, s6;
	s7 =	simm.s32 @p2 $0x1082  }
0x22: {  	[simem:s7], [sflag:s8] =	dma.local @!p0 [hbm:s6], $0xF7A  }
0x23: {  	s9 =	sor.u32 $0xD0000000, s2;
	s6 =	simm.s32 $0x108;
	_ =	swait.ge @!p0 [sflag:s8], $0x0  }
0x24: {  	s3 =	sadd.s32 $0x88, s3;
	s6 =	simm.s32 @!p1 $0x1082;
	[sflag:s4] =	ssyncset.s32 $0xFFFFF086  }
0x25: {  	[simem:s6], [sflag:s4] =	dma.local [hbm:s3], $0xF7A  }
0x26: {  	[smem:$0x3F99] =	sst s1;
	(tag) =	ssettag s2;
	_ =	strace s9  }
0x27: {  	s1 =	sld [smem:$0x3FA9]  }
0x28: {  	s2 =	sld [smem:$0x3FAA]  }
0x29: {  	s4 =	sld [smem:$0x3FAC]  }
0x2a: {  	p0 =	seq.s32 s5, $0x0;
	s5 =	sld [smem:$0x3FAD]  }
0x2b: {  	s6 =	sld [smem:$0x3FAE]  }
0x2c: {  	s7 =	sld [smem:$0x3FAF]  }
0x2d: {  	s3 =	simm.s32 $0x108;
	s8 =	sld [smem:$0x3FB0]  }
0x2e: {  	s3 =	simm.s32 @!p0 $0x1082;
	s9 =	sld [smem:$0x3FB1]  }
0x2f: {  	lr =	sadd.s32 s0, s3;
	s0 =	sld [smem:$0x3FA8]  }
0x30: {  	s3 =	sld [smem:$0x3FAB]  }
0x31: {  	[smem:$0x3FB4] =	sst s10  }
0x32: {  	s10 =	sld [smem:$0x3FB2];
	_ =	sdelay $0x3  }
0x33: {  	p0 =	seq.s32 s10, $0x1;
	s10 =	sld [smem:$0x3FB4];
	_ =	sdelay $0x3  }
0x34: {  	[smem:$0x3FB4] =	sst s10  }
0x35: {  	s10 =	sld [smem:$0x3FB3];
	_ =	sdelay $0x3  }
0x36: {  	p1 =	seq.s32 s10, $0x1;
	s10 =	sld [smem:$0x3FB4];
	_ =	sdelay $0x3  }
0x37: {  	[smem:$0x3FB4] =	sst s10  }
0x38: {  	s10 =	sld [smem:$0x3FB5]  }
0x39: {  	_ = 	snop;
	(pc) =	sbr.ind lr, $3  }
0x3a: {  	_ = 	snop  }
0x3b: {  	_ = 	snop  }
0x3c: {  	p2 =	seq.s32 s10, $0x1;
	s10 =	sld [smem:$0x3FB4]  }
0x3d: {  	_ =	shalt  }
0x3e: {  	_ =	shalt  }
0x3f: {  	_ =	shalt  }
0x40: {  	_ =	shalt  }
0x41: {  	_ =	shalt  }
0x42: {  	_ =	shalt  }
0x43: {  	_ =	shalt  }
0x44: {  	_ =	shalt  }
0x45: {  	_ =	shalt  }
0x46: {  	_ =	shalt  }
0x47: {  	_ =	shalt  }
0x48: {  	_ =	shalt  }
0x49: {  	_ =	shalt  }
0x4a: {  	_ =	shalt  }
0x4b: {  	_ =	shalt  }
0x4c: {  	_ =	shalt  }
0x4d: {  	_ =	shalt  }
0x4e: {  	_ =	shalt  }
0x4f: {  	_ =	shalt  }
0x50: {  	_ =	shalt  }
0x51: {  	_ =	shalt  }
0x52: {  	_ =	shalt  }
0x53: {  	_ =	shalt  }
0x54: {  	_ =	shalt  }
0x55: {  	_ =	shalt  }
0x56: {  	_ =	shalt  }
0x57: {  	_ =	shalt  }
0x58: {  	_ =	shalt  }
0x59: {  	_ =	shalt  }
0x5a: {  	_ =	shalt  }
0x5b: {  	_ =	shalt  }
0x5c: {  	_ =	shalt  }
0x5d: {  	_ =	shalt  }
0x5e: {  	_ =	shalt  }
0x5f: {  	_ =	shalt  }
0x60: {  	_ =	shalt  }
0x61: {  	_ =	shalt  }
0x62: {  	_ =	shalt  }
0x63: {  	_ =	shalt  }
0x64: {  	_ =	shalt  }
0x65: {  	_ =	shalt  }
0x66: {  	_ =	shalt  }
0x67: {  	_ =	shalt  }
0x68: {  	_ =	shalt  }
0x69: {  	_ =	shalt  }
0x6a: {  	_ =	shalt  }
0x6b: {  	_ =	shalt  }
0x6c: {  	_ =	shalt  }
0x6d: {  	_ =	shalt  }
0x6e: {  	_ =	shalt  }
0x6f: {  	_ =	shalt  }
0x70: {  	_ =	shalt  }
0x71: {  	_ =	shalt  }
0x72: {  	_ =	shalt  }
0x73: {  	_ =	shalt  }
0x74: {  	_ =	shalt  }
0x75: {  	_ =	shalt  }
0x76: {  	_ =	shalt  }
0x77: {  	_ =	shalt  }
0x78: {  	_ =	shalt  }
0x79: {  	_ =	shalt  }
0x7a: {  	_ =	shalt  }
0x7b: {  	_ =	shalt  }
0x7c: {  	_ =	shalt  }
0x7d: {  	_ =	shalt  }
0x7e: {  	_ =	shalt  }
0x7f: {  	_ =	shalt  }
0x80: {  	_ =	shalt  }
0x81: {  	_ =	shalt  }
0x82: {  	_ =	shalt  }
0x83: {  	_ =	shalt  }
0x84: {  	_ =	shalt  }
0x85: {  	_ =	shalt  }
0x86: {  	_ =	shalt  }
0x87: {  	_ =	shalt  }
.Lfunc_end0:
.L_simem_size_0:
called_computation.3_lowered:
.L_overlay_start_0:
0x88: {  	s2 =	sld [smem:$0x3FD9]  }
0x89: {  	s3 =	sld [smem:$0x3FFE];
	_ =	sdelay $0x1  }
0x8a: {  	s1 =	srdreg.scid  }
0x8b: {  	s0 =	sand.u32 $0x1, s1  }
0x8c: {  	s17 =	sshll.u32 s0, $0xA;
	s2 =	sadd.s32 s3, s2  }
0x8d: {  	s2 =	sadd.s32 s2, s17  }
0x8e: {  	[smem:$0x3FC0] =	sst s2  }
0x8f: {  	_ = 	snop  }
0x90: {  	s2 =	sld [smem:$0x3FD0];
	(tm) =	ssettm $0x1  }
0x91: {  	s18 =	sld [smem:$0x3FFB];
	_ =	sdelay $0x3  }
0x92: {  	_ =	strace s18  }
0x93: {  	s3 =	sld [smem:$0x3FFC];
	_ =	sdelay $0x3  }
0x94: {  	_ =	strace s3  }
0x95: {  	s3 =	sld [smem:$0x3FFD];
	_ =	sdelay $0x3  }
0x96: {  	_ =	strace s3  }
0x97: {  	_ =	strace $0x8FFFFFFF  }
0x98: {  	s19 =	sld [smem:$0x3FDB];
	_ =	sdelay $0x1  }
0x99: {  	s4 =	simm.s32 $_scs_section_size  }
0x9a: {  	s5 =	simm.s32 $_size__tile_overlayer_lowered;
	s6 =	simm.s32 $_tile_overlayer_lowered  }
0x9b: {  	s22 =	simm.s32 $0x1BFF;
	s21 =	sshll.u32 s6, $0x1;
	s3 =	sadd.s32 s4, s19  }
0x9c: {  	s7 =	simm.s32 $0x0;
	s20 =	sshll.u32 s5, $0x1;
	s5 =	sadd.s32 s21, s3  }
0x9d: {  	[timem:s7], [sflag:s22] =	dma.local [hbm:s5], s20  }
0x9e: {  	_ =	swait.ge [sflag:s22], s20  }
0x9f: {  	s4 =	ssub.s32 $0x0, s20;
	[sflag:s22] =	ssyncset.done $0x0  }
0xa0: {  	[sflag:s22] =	ssyncadd.s32 s4;
	_ =	sdelay $0x1  }
0xa1: {  	s23 =	simm.s32 $0x1B8B  }
0xa2: {  	_ =	swait.ge [sflag:s23], $0x1  }
0xa3: {  	[sflag:s23] =	ssyncset.done $0x0  }
0xa4: {  	s25 =	simm.s32 $0x1B8E;
	s24 =	sld [smem:$0x3FFE];
	[sflag:s23] =	ssyncadd.s32 $0xFFFFFFFF  }
0xa5: {  	s26 =	simm.s32 $execute0_lowered;
	[smem:$0x3FD2] =	sst s25  }
0xa6: {  	s5 =	sshll.u32 s26, $0x1;
	_ =	strace $0x8000004F;
	[dreg:$0x1] =	wrdreg $0xFFFFFFFF  }
0xa7: {  	s28 =	simm.s32 $_size_execute0_lowered;
	s3 =	sadd.s32 s3, s5;
	[dreg:$0x0] =	wrdreg $0x0  }
0xa8: {  	s5 =	sshll.u32 s28, $0x1;
	[dreg:$0x2] =	wrdreg s3  }
0xa9: {  	[dreg:$0x3] =	wrdreg s5  }
0xaa: {  	[dreg:$0x4] =	wrdreg $0xC0  }
0xab: {  	_ =	task [dreg:s7], $0x5FFFF  }
0xac: {  	[dreg:$0x1] =	wrdreg $0xFFFFFFFF  }
0xad: {  	[dreg:$0x0] =	wrdreg $0x60  }
0xae: {  	[dreg:$0x2] =	wrdreg s24  }
0xaf: {  	[dreg:$0x3] =	wrdreg s2  }
0xb0: {  	[dreg:$0x4] =	wrdreg $0x90000  }
0xb1: {  	[dreg:$0x5] =	wrdreg $0x9  }
0xb2: {  	_ =	task.clear_ibuf [dreg:s7], $0x6FFFF;
	_ =	strace $0x9000004F  }
0xb3: {  	s29 =	simm.s32 $0x9;
	_ =	strace $0x80000051  }
0xb4: {  	_ =	swait.ge [sflag:s29], $0x1  }
0xb5: {  	[sflag:s29] =	ssyncadd.s32 $0xFFFFFFFF  }
0xb6: {  	_ =	strace $0x90000051  }
0xb7: {  	_ =	sfence  }
0xb8: {  	s30 =	sld [smem:$0x0];
	_ =	sdelay $0x2  }
0xb9: {  	s31 =	sshll.u32 s1, $0xD;
	s1 =	sshrl.u32 s1, $0x2  }
0xba: {  	s3 =	sand.u32 $0x4000, s31;
	s1 =	sadd.s32 s1, s30  }
0xbb: {  	s0 =	sor.u32 s3, s0;
	s1 =	sshll.u32 s1, $0x11  }
0xbc: {  	s0 =	sor.u32 s1, s0  }
0xbd: {  	s0 =	sadd.s32 $0x8F2B, s0  }
0xbe: {  	[sflag:s0] =	ssyncadd.remote.s32 $0x1  }
0xbf: {  	_ =	sfence.sel $0xFFFF  }
0xc0: {  	[dreg:$0x0] =	wrdreg $0xFFFFFFFF;
	(pc) =	sbr.abs _section_cstart, $3  }
0xc1: {  	[dreg:$0x1] =	wrdreg $0xFFFFFFFF  }
0xc2: {  	_ =	task.clear_ibuf [dreg:s7], $0x2FFFF;
	_ =	strace $0x9FFFFFFF  }
0xc3: {  	(tm) =	ssettm $0x7FFFFFFF  }
tec
execute0_lowered:
.L_overlay_start_1:
0x0: {  	(tag) =	ssettag $0x1  }
0x1: {  	s6 =	rddreg [dreg:$0x0]  }
0x2: {  	s9 =	rddreg [dreg:$0x1]  }
0x3: {  	s1 =	rddreg [dreg:$0x2];
	s2 =	srdreg.scid  }
0x4: {  	s0 =	rddreg [dreg:$0x3];
	s3 =	simm.s32 $0x0;
	s15 =	simm.s32 $0x80  }
0x5: {  	s16 =	simm.s32 $0x5000;
	s7 =	sand.u32 $0x1, s2;
	s2 =	stileid.u32  }
0x6: {  	s17 =	simm.s32 $0x1;
	[smem:$0x7FF] =	sst s3;
	s8 =	smul.u32 $0x4F000, s2  }
0x7: {  	s4 =	sshll.u32 s7, $0x4;
	_ =	strace $0x80000050;
	s19 =	smul.u32 $0x2780, s2  }
0x8: {  	s10 =	ssub.s32 $0x2, s7;
	s14 =	smul.u32 $0x27100, s7;
	p0 =	seq.s32 s2, $0xF  }
0x9: {  	s5 =	sor.u32 s2, s4;
	s4 =	sadd.s32 $0xD200, s6;
	s11 =	sshrl.u32 s10, $0x1  }
0xa: {  	s5 =	smul.u32 $0x500, s5;
	s8 =	sshrl.u32 s8, $0x2;
	s10 =	ssub.s32 s10, s11  }
0xb: {  	s11 =	sadd.s32 $0x128400, s1;
	s20 =	sadd.s32 s9, s14;
	s14 =	simm.s32 $0x2800  }
0xc: {  	s13 =	sadd.s32 s8, s1;
	s9 =	smax.u32 s10, $0x1;
	s10 =	sshrl.u32 @p0 s11, $0x3  }
0xd: {  	s18 =	sadd.s32 @p0 $0x25080, s20;
	s12 =	sadd.s32 s5, s6;
	s5 =	sadd.s32 s4, s19  }
0xe: {  	s6 =	sadd.s32 $0x32280, s6;
	s19 =	sadd.s32 @!p0 s19, s20;
	s20 =	simm.s32 $0x0  }
0xf: {  	s7 =	sadd.s32 $0x34C00, s12;
	s8 =	sadd.s32 $0x3200, s12;
	s12 =	sshll.u32 @!p0 s2, $0x6  }
0x10: {  	s11 =	sor.u32 @!p0 $0x1C02, s12;
	s12 =	sshrl.u32 @!p0 s13, $0x3;
	s13 =	simm.s32 $0x2  }
.LBB2_1:
0x11: {  	s21 =	simm.s32 @p0 $0x1FC2  }
0x12: {  	[spmem:s10], [sflag:s21] =	dma.local @p0 [hbm:s6], $0x2080  }
0x13: {  	s21 =	simm.s32 @p0 $0x2  }
0x14: {  	_ =	swait.ge @p0 [sflag:s21], $0x2080  }
0x15: {  	[sflag:s21] =	ssyncset.done @p0 $0x0  }
0x16: {  	[sflag:s21] =	ssyncadd.s32 @p0 $0xFFFFDF80;
	s21 =	simm.s32 @!p0 $0x2  }
0x17: {  	[spmem:s12], [sflag:s11] =	dma.local @!p0 [hbm:s5], $0x2780  }
0x18: {  	_ =	swait.ge @!p0 [sflag:s21], $0x2780  }
0x19: {  	[sflag:s21] =	ssyncset.done @!p0 $0x0  }
0x1a: {  	[sflag:s21] =	ssyncadd.s32 @!p0 $0xFFFFD880  }
0x1b: {  	[tilespmem:s3], [sflag:$0x2] =	stream.linear.gather [hbm4b:s7+s3], $0x2780, $0x38;
	[tilespmem:$0x1C900] =	vst v63  }
0x1c: {  	_ =	swait.ge [sflag:s13], $0x2780  }
0x1d: {  	[sflag:s13] =	ssyncset.done $0x0  }
0x1e: {  	[sflag:s13] =	ssyncadd.s32 $0xFFFFD880  }
0x1f: {  	[tilespmem:s14], [sflag:$0x2] =	stream.linear.gather [hbm4b:s8+s3], $0x2780, $0x38;
	[tilespmem:$0x1C900] =	vst v63  }
0x20: {  	_ =	swait.ge [sflag:s13], $0x2780  }
0x21: {  	[sflag:s13] =	ssyncset.done $0x0  }
0x22: {  	[sflag:s13] =	ssyncadd.s32 $0xFFFFD880  }
0x23: {  	s30 =	simm.s32 $0x0;
	[bflag:$0x0] =	sbarrier.arrive $0xFFFF  }
0x24: {  	[tilespmem:s16], [sflag:$0x1] =	stream.indirect.gather [hbm4b:s4+s15], $0x80, s30, s15, $0xb8;
	[tilespmem:$0x1C900] =	vst v63  }
0x25: {  	_ =	swait.ge [sflag:s17], $0x4000  }
0x26: {  	[sflag:s17] =	ssyncset.done $0x0  }
0x27: {  	s31 =	simm.s32 $0x2800;
	[sflag:s17] =	ssyncadd.s32 $0xFFFFC000  }
0x28: {  	[spmem:s1] =	stream.indirect.scatter.add.f32 [tilespmem:s16], [sflag:$0x2], $0x80, s31, s15, $0xb8;
	[tilespmem:$0x1C900] =	vst v63  }
0x29: {  	_ =	swait.ge [sflag:s13], $0x4000  }
0x2a: {  	s22 =	simm.s32 $0x400;
	s21 =	simm.s32 $0x200;
	[sflag:s13] =	ssyncset.done $0x0  }
.LBB2_2:
0x2b: {  	s23 =	sshra.s32 s21, $0x2  }
0x2c: {  	[sflag:s13] =	ssyncadd.s32 $0xFFFFC000;
	s21 =	smov.u32 s22;
	s24 =	sadd.s32 $0x200, s22  }
0x2d: {  	[tilespmem:s16], [sflag:$0x1] =	stream.indirect.gather [hbm4b:s4+s15], $0x80, s23, s15, $0xb8;
	[tilespmem:$0x1C900] =	vst v63  }
0x2e: {  	p1 =	sne.s32 s22, $0x9C00;
	_ =	swait.ge [sflag:s17], $0x4000  }
.Ltmp0:
0x2f: {  	[sflag:s17] =	ssyncset.done $0x0;
	(pc) =	sbr.rel @p1 .LBB2_2-.Ltmp0, $4  }
0x30: {  	s22 =	sadd.s32 $0x2800, s23;
	[sflag:s17] =	ssyncadd.s32 $0xFFFFC000  }
0x31: {  	[spmem:s1] =	stream.indirect.scatter.add.f32 [tilespmem:s16], [sflag:$0x2], $0x80, s22, s15, $0xb8;
	[tilespmem:$0x1C900] =	vst v63  }
0x32: {  	_ =	swait.ge [sflag:s13], $0x4000  }
0x33: {  	s22 =	smov.u32 s24;
	[sflag:s13] =	ssyncset.done $0x0  }
0x34: {  	s21 =	sshra.s32 s21, $0x2;
	[sflag:s13] =	ssyncadd.s32 $0xFFFFC000  }
0x35: {  	[tilespmem:s16], [sflag:$0x1] =	stream.indirect.gather [hbm4b:s4+s15], $0x80, s21, s15, $0xb8;
	[tilespmem:$0x1C900] =	vst v63  }
0x36: {  	_ =	swait.ge [sflag:s17], $0x4000  }
0x37: {  	[sflag:s17] =	ssyncset.done $0x0  }
0x38: {  	s21 =	sadd.s32 $0x2800, s21;
	[sflag:s17] =	ssyncadd.s32 $0xFFFFC000  }
0x39: {  	[spmem:s1] =	stream.indirect.scatter.add.f32 [tilespmem:s16], [sflag:$0x2], $0x80, s21, s15, $0xb8;
	[tilespmem:$0x1C900] =	vst v63  }
0x3a: {  	_ =	swait.ge [sflag:s13], $0x4000  }
0x3b: {  	[sflag:s13] =	ssyncset.done $0x0  }
0x3c: {  	[sflag:s13] =	ssyncadd.s32 $0xFFFFC000  }
0x3d: {  	s21 =	simm.s32 @p0 $0x1FC2;
	[bflag:$0x0] =	sbarrier.arrive $0xFFFF  }
0x3e: {  	[hbm:s18], [sflag:s21] =	dma.local @p0 [spmem:s10], $0x2080  }
0x3f: {  	s21 =	simm.s32 @p0 $0x2  }
0x40: {  	s20 =	sadd.s32 $0x1, s20;
	_ =	swait.ge @p0 [sflag:s21], $0x2080  }
0x41: {  	p1 =	sne.s32 s20, s9;
	[sflag:s21] =	ssyncset.done @p0 $0x0  }
.Ltmp1:
0x42: {  	[sflag:s21] =	ssyncadd.s32 @p0 $0xFFFFDF80;
	s21 =	simm.s32 @!p0 $0x2;
	(pc) =	sbr.rel @p1 .LBB2_1-.Ltmp1, $4  }
0x43: {  	[hbm:s19], [sflag:s11] =	dma.local @!p0 [spmem:s12], $0x2780  }
0x44: {  	_ =	swait.ge @!p0 [sflag:s21], $0x2780  }
0x45: {  	[sflag:s21] =	ssyncset.done @!p0 $0x0  }
0x46: {  	[sflag:s21] =	ssyncadd.s32 @!p0 $0xFFFFD880  }
0x47: {  	_ =	sfence.sel $0x180000  }
0x48: {  	[bflag:$0x0] =	sbarrier.arrive $0xFFFF  }
0x49: {  	p0 =	sne.s32 s2, $0x0;
	_ =	strace $0x90000050  }
0x4a: {  	s0 =	sadd.s32 @!p0 $0x100000, s0;
	[bflag:$0x2] =	sbarrier.arrive $0xFFFF  }
0x4b: {  	[sflag:s0] =	ssyncadd.tile.s32 @!p0 $0x1;
	_ =	shalt  }
.Lfunc_end2:
_tile_overlayer_lowered:
.L_overlay_start_2:
0x4c: {  	(tag) =	ssettag $0x2  }
0x4d: {  	s0 =	rddreg [dreg:$0x0];
	s2 =	stileid.u32  }
0x4e: {  	s1 =	rddreg [dreg:$0x1];
	p0 =	sne.s32 s2, $0x0  }
0x4f: {  	s3 =	rddreg [dreg:$0x2];
	[bflag:$0x3] =	sbarrier.arrive $0xFFFF;
	s2 =	simm.s32 @!p0 $0x1C02  }
0x50: {  	[timem:s3], [sflag:s2] =	dma.local @!p0 [hbm:s0], s1  }
0x51: {  	s0 =	simm.s32 @!p0 $0x2  }
0x52: {  	_ =	swait.ge @!p0 [sflag:s0], s1  }
0x53: {  	s1 =	ssub.s32 @!p0 $0x0, s1;
	[sflag:s0] =	ssyncset.done @!p0 $0x0  }
0x54: {  	[sflag:s0] =	ssyncadd.s32 @!p0 s1  }
0x55: {  	[bflag:$0x3] =	sbarrier.arrive $0xFFFF  }
0x56: {  	_ =	shalt  }

// kernel: kernel.26.cloned.1.call-start
scs
__scs_entry_jumppad:
0x0: {  	(pc) =	sbr.rel $0x88, $3  }
0x1: {  	(tag) =	ssettag $0x0;
	lr =	simm.s32 $0x1  }
0x2: {  	[smem:$0x3F99] =	sst lr;
	_ =	strace $0xD0000000  }
0x3: {  	_ = 	snop  }
0x4: {  	_ = 	snop  }
0x5: {  	_ = 	snop  }
0x6: {  	_ = 	snop  }
0x7: {  	_ = 	snop  }
__scs_overlays_trampoline_lowered:
0x8: {  	[smem:$0x3FA8] =	sst s0  }
0x9: {  	[smem:$0x3FA9] =	sst s1  }
0xa: {  	[smem:$0x3FAA] =	sst s2  }
0xb: {  	[smem:$0x3FAB] =	sst s3  }
0xc: {  	[smem:$0x3FAC] =	sst s4  }
0xd: {  	[smem:$0x3FAD] =	sst s5  }
0xe: {  	[smem:$0x3FAE] =	sst s6  }
0xf: {  	[smem:$0x3FAF] =	sst s7  }
0x10: {  	[smem:$0x3FB0] =	sst s8  }
0x11: {  	[smem:$0x3FB1] =	sst s9;
	s0 =	simm.s32 @!p0 $0x0  }
0x12: {  	s1 =	sld [smem:$0x3F97];
	s0 =	simm.s32 @p0 $0x1  }
0x13: {  	[smem:$0x3FB2] =	sst s0;
	s0 =	simm.s32 @!p1 $0x0  }
0x14: {  	s2 =	sld [smem:$0x3F96];
	s0 =	simm.s32 @p1 $0x1  }
0x15: {  	[smem:$0x3FB3] =	sst s0;
	s0 =	simm.s32 @!p2 $0x0  }
0x16: {  	s3 =	sld [smem:$0x3FDB];
	s0 =	simm.s32 @p2 $0x1  }
0x17: {  	s4 =	simm.s32 $0x1BF5;
	[smem:$0x3FB5] =	sst s0  }
0x18: {  	s0 =	sld [smem:$0x3F98];
	_ =	swait.ge [sflag:s4], $0x0  }
0x19: {  	s7 =	sld [smem:$0x3F99]  }
0x1a: {  	s8 =	sadd.s32 $0xFFFFE003, lr  }
0x1b: {  	s9 =	sadd.s32 $0xFFFFFEF7, lr;
	s5 =	simm.s32 $0xFFFFFFFF;
	p2 =	slt.u32 s8, $0xFFFFF086  }
0x1c: {  	p1 =	slt.u32 s9, $0xF7A;
	s5 =	simm.s32 @!p2 $0x0  }
0x1d: {  	s5 =	simm.s32 @p1 $0x1;
	p0 =	seq.s32 s7, s2  }
0x1e: {  	s7 =	smul.u32 @!p0 $0xF7A, s2;
	p2 =	seq.s32 @!p0 s5, $0x0  }
0x1f: {  	s9 =	smul.u32 $0xF7A, s1;
	s8 =	simm.s32 @!p0 $0x1BF5;
	p2 =	por !p2, p0  }
0x20: {  	[sflag:s8] =	ssyncset.s32 @!p0 $0xFFFFF086;
	s6 =	sadd.s32 @!p0 s3, s7;
	s7 =	simm.s32 @!p0 $0x108  }
0x21: {  	s3 =	sadd.s32 s3, s9;
	s6 =	sadd.s32 @!p0 $0x88, s6;
	s7 =	simm.s32 @p2 $0x1082  }
0x22: {  	[simem:s7], [sflag:s8] =	dma.local @!p0 [hbm:s6], $0xF7A  }
0x23: {  	s9 =	sor.u32 $0xD0000000, s2;
	s6 =	simm.s32 $0x108;
	_ =	swait.ge @!p0 [sflag:s8], $0x0  }
0x24: {  	s3 =	sadd.s32 $0x88, s3;
	s6 =	simm.s32 @!p1 $0x1082;
	[sflag:s4] =	ssyncset.s32 $0xFFFFF086  }
0x25: {  	[simem:s6], [sflag:s4] =	dma.local [hbm:s3], $0xF7A  }
0x26: {  	[smem:$0x3F99] =	sst s1;
	(tag) =	ssettag s2;
	_ =	strace s9  }
0x27: {  	s1 =	sld [smem:$0x3FA9]  }
0x28: {  	s2 =	sld [smem:$0x3FAA]  }
0x29: {  	s4 =	sld [smem:$0x3FAC]  }
0x2a: {  	p0 =	seq.s32 s5, $0x0;
	s5 =	sld [smem:$0x3FAD]  }
0x2b: {  	s6 =	sld [smem:$0x3FAE]  }
0x2c: {  	s7 =	sld [smem:$0x3FAF]  }
0x2d: {  	s3 =	simm.s32 $0x108;
	s8 =	sld [smem:$0x3FB0]  }
0x2e: {  	s3 =	simm.s32 @!p0 $0x1082;
	s9 =	sld [smem:$0x3FB1]  }
0x2f: {  	lr =	sadd.s32 s0, s3;
	s0 =	sld [smem:$0x3FA8]  }
0x30: {  	s3 =	sld [smem:$0x3FAB]  }
0x31: {  	[smem:$0x3FB4] =	sst s10  }
0x32: {  	s10 =	sld [smem:$0x3FB2];
	_ =	sdelay $0x3  }
0x33: {  	p0 =	seq.s32 s10, $0x1;
	s10 =	sld [smem:$0x3FB4];
	_ =	sdelay $0x3  }
0x34: {  	[smem:$0x3FB4] =	sst s10  }
0x35: {  	s10 =	sld [smem:$0x3FB3];
	_ =	sdelay $0x3  }
0x36: {  	p1 =	seq.s32 s10, $0x1;
	s10 =	sld [smem:$0x3FB4];
	_ =	sdelay $0x3  }
0x37: {  	[smem:$0x3FB4] =	sst s10  }
0x38: {  	s10 =	sld [smem:$0x3FB5]  }
0x39: {  	_ = 	snop;
	(pc) =	sbr.ind lr, $3  }
0x3a: {  	_ = 	snop  }
0x3b: {  	_ = 	snop  }
0x3c: {  	p2 =	seq.s32 s10, $0x1;
	s10 =	sld [smem:$0x3FB4]  }
0x3d: {  	_ =	shalt  }
0x3e: {  	_ =	shalt  }
0x3f: {  	_ =	shalt  }
0x40: {  	_ =	shalt  }
0x41: {  	_ =	shalt  }
0x42: {  	_ =	shalt  }
0x43: {  	_ =	shalt  }
0x44: {  	_ =	shalt  }
0x45: {  	_ =	shalt  }
0x46: {  	_ =	shalt  }
0x47: {  	_ =	shalt  }
0x48: {  	_ =	shalt  }
0x49: {  	_ =	shalt  }
0x4a: {  	_ =	shalt  }
0x4b: {  	_ =	shalt  }
0x4c: {  	_ =	shalt  }
0x4d: {  	_ =	shalt  }
0x4e: {  	_ =	shalt  }
0x4f: {  	_ =	shalt  }
0x50: {  	_ =	shalt  }
0x51: {  	_ =	shalt  }
0x52: {  	_ =	shalt  }
0x53: {  	_ =	shalt  }
0x54: {  	_ =	shalt  }
0x55: {  	_ =	shalt  }
0x56: {  	_ =	shalt  }
0x57: {  	_ =	shalt  }
0x58: {  	_ =	shalt  }
0x59: {  	_ =	shalt  }
0x5a: {  	_ =	shalt  }
0x5b: {  	_ =	shalt  }
0x5c: {  	_ =	shalt  }
0x5d: {  	_ =	shalt  }
0x5e: {  	_ =	shalt  }
0x5f: {  	_ =	shalt  }
0x60: {  	_ =	shalt  }
0x61: {  	_ =	shalt  }
0x62: {  	_ =	shalt  }
0x63: {  	_ =	shalt  }
0x64: {  	_ =	shalt  }
0x65: {  	_ =	shalt  }
0x66: {  	_ =	shalt  }
0x67: {  	_ =	shalt  }
0x68: {  	_ =	shalt  }
0x69: {  	_ =	shalt  }
0x6a: {  	_ =	shalt  }
0x6b: {  	_ =	shalt  }
0x6c: {  	_ =	shalt  }
0x6d: {  	_ =	shalt  }
0x6e: {  	_ =	shalt  }
0x6f: {  	_ =	shalt  }
0x70: {  	_ =	shalt  }
0x71: {  	_ =	shalt  }
0x72: {  	_ =	shalt  }
0x73: {  	_ =	shalt  }
0x74: {  	_ =	shalt  }
0x75: {  	_ =	shalt  }
0x76: {  	_ =	shalt  }
0x77: {  	_ =	shalt  }
0x78: {  	_ =	shalt  }
0x79: {  	_ =	shalt  }
0x7a: {  	_ =	shalt  }
0x7b: {  	_ =	shalt  }
0x7c: {  	_ =	shalt  }
0x7d: {  	_ =	shalt  }
0x7e: {  	_ =	shalt  }
0x7f: {  	_ =	shalt  }
0x80: {  	_ =	shalt  }
0x81: {  	_ =	shalt  }
0x82: {  	_ =	shalt  }
0x83: {  	_ =	shalt  }
0x84: {  	_ =	shalt  }
0x85: {  	_ =	shalt  }
0x86: {  	_ =	shalt  }
0x87: {  	_ =	shalt  }
.Lfunc_end0:
.L_simem_size_0:
called_computation.4_lowered:
.L_overlay_start_0:
0x88: {  	s2 =	sld [smem:$0x3FD9]  }
0x89: {  	s3 =	sld [smem:$0x3FFE];
	_ =	sdelay $0x1  }
0x8a: {  	s1 =	srdreg.scid  }
0x8b: {  	s0 =	sand.u32 $0x1, s1  }
0x8c: {  	s17 =	sshll.u32 s0, $0xA;
	s2 =	sadd.s32 s3, s2  }
0x8d: {  	s2 =	sadd.s32 s2, s17  }
0x8e: {  	[smem:$0x3FC0] =	sst s2  }
0x8f: {  	_ = 	snop  }
0x90: {  	s2 =	sld [smem:$0x3FD0];
	(tm) =	ssettm $0x1  }
0x91: {  	s18 =	sld [smem:$0x3FFB];
	_ =	sdelay $0x3  }
0x92: {  	_ =	strace s18  }
0x93: {  	s3 =	sld [smem:$0x3FFC];
	_ =	sdelay $0x3  }
0x94: {  	_ =	strace s3  }
0x95: {  	s3 =	sld [smem:$0x3FFD];
	_ =	sdelay $0x3  }
0x96: {  	_ =	strace s3  }
0x97: {  	_ =	strace $0x8FFFFFFF  }
0x98: {  	s19 =	sld [smem:$0x3FDB];
	_ =	sdelay $0x1  }
0x99: {  	s4 =	simm.s32 $_scs_section_size  }
0x9a: {  	s5 =	simm.s32 $_size__tile_overlayer_lowered;
	s6 =	simm.s32 $_tile_overlayer_lowered  }
0x9b: {  	s22 =	simm.s32 $0x1BFF;
	s21 =	sshll.u32 s6, $0x1;
	s3 =	sadd.s32 s4, s19  }
0x9c: {  	s7 =	simm.s32 $0x0;
	s20 =	sshll.u32 s5, $0x1;
	s5 =	sadd.s32 s21, s3  }
0x9d: {  	[timem:s7], [sflag:s22] =	dma.local [hbm:s5], s20  }
0x9e: {  	_ =	swait.ge [sflag:s22], s20  }
0x9f: {  	s4 =	ssub.s32 $0x0, s20;
	[sflag:s22] =	ssyncset.done $0x0  }
0xa0: {  	[sflag:s22] =	ssyncadd.s32 s4;
	_ =	sdelay $0x1  }
0xa1: {  	s23 =	simm.s32 $0x1B8B  }
0xa2: {  	_ =	swait.ge [sflag:s23], $0x1  }
0xa3: {  	[sflag:s23] =	ssyncset.done $0x0  }
0xa4: {  	s25 =	simm.s32 $0x1B8E;
	s24 =	sld [smem:$0x3FFE];
	[sflag:s23] =	ssyncadd.s32 $0xFFFFFFFF  }
0xa5: {  	s26 =	simm.s32 $execute0_lowered;
	[smem:$0x3FD2] =	sst s25  }
0xa6: {  	s5 =	sshll.u32 s26, $0x1;
	_ =	strace $0x80000052;
	[dreg:$0x1] =	wrdreg $0xFFFFFFFF  }
0xa7: {  	s28 =	simm.s32 $_size_execute0_lowered;
	s3 =	sadd.s32 s3, s5;
	[dreg:$0x0] =	wrdreg $0x0  }
0xa8: {  	s5 =	sshll.u32 s28, $0x1;
	[dreg:$0x2] =	wrdreg s3  }
0xa9: {  	[dreg:$0x3] =	wrdreg s5  }
0xaa: {  	[dreg:$0x4] =	wrdreg $0xC0  }
0xab: {  	_ =	task [dreg:s7], $0x5FFFF  }
0xac: {  	[dreg:$0x1] =	wrdreg $0xFFFFFFFF  }
0xad: {  	[dreg:$0x0] =	wrdreg $0x60  }
0xae: {  	[dreg:$0x2] =	wrdreg s24  }
0xaf: {  	[dreg:$0x3] =	wrdreg s2  }
0xb0: {  	[dreg:$0x4] =	wrdreg $0x90000  }
0xb1: {  	[dreg:$0x5] =	wrdreg $0x9  }
0xb2: {  	_ =	task.clear_ibuf [dreg:s7], $0x6FFFF;
	_ =	strace $0x90000052  }
0xb3: {  	s29 =	simm.s32 $0x9;
	_ =	strace $0x80000054  }
0xb4: {  	_ =	swait.ge [sflag:s29], $0x1  }
0xb5: {  	[sflag:s29] =	ssyncadd.s32 $0xFFFFFFFF  }
0xb6: {  	_ =	strace $0x90000054  }
0xb7: {  	_ =	sfence  }
0xb8: {  	s30 =	sld [smem:$0x0];
	_ =	sdelay $0x2  }
0xb9: {  	s31 =	sshll.u32 s1, $0xD;
	s1 =	sshrl.u32 s1, $0x2  }
0xba: {  	s3 =	sand.u32 $0x4000, s31;
	s1 =	sadd.s32 s1, s30  }
0xbb: {  	s0 =	sor.u32 s3, s0;
	s1 =	sshll.u32 s1, $0x11  }
0xbc: {  	s0 =	sor.u32 s1, s0  }
0xbd: {  	s0 =	sadd.s32 $0x8F2B, s0  }
0xbe: {  	[sflag:s0] =	ssyncadd.remote.s32 $0x1  }
0xbf: {  	_ =	sfence.sel $0xFFFF  }
0xc0: {  	[dreg:$0x0] =	wrdreg $0xFFFFFFFF;
	(pc) =	sbr.abs _section_cstart, $3  }
0xc1: {  	[dreg:$0x1] =	wrdreg $0xFFFFFFFF  }
0xc2: {  	_ =	task.clear_ibuf [dreg:s7], $0x2FFFF;
	_ =	strace $0x9FFFFFFF  }
0xc3: {  	(tm) =	ssettm $0x7FFFFFFF  }
tec
execute0_lowered:
.L_overlay_start_1:
0x0: {  	(tag) =	ssettag $0x1  }
0x1: {  	s6 =	rddreg [dreg:$0x0]  }
0x2: {  	s9 =	rddreg [dreg:$0x1]  }
0x3: {  	s1 =	rddreg [dreg:$0x2];
	s2 =	srdreg.scid  }
0x4: {  	s0 =	rddreg [dreg:$0x3];
	s3 =	simm.s32 $0x0;
	s15 =	simm.s32 $0x80  }
0x5: {  	s16 =	simm.s32 $0x5000;
	s7 =	sand.u32 $0x1, s2;
	s2 =	stileid.u32  }
0x6: {  	s17 =	simm.s32 $0x1;
	[smem:$0x7FF] =	sst s3;
	s8 =	smul.u32 $0x4F000, s2  }
0x7: {  	s4 =	sshll.u32 s7, $0x4;
	_ =	strace $0x80000053;
	s19 =	smul.u32 $0x2780, s2  }
0x8: {  	s10 =	ssub.s32 $0x2, s7;
	s14 =	smul.u32 $0x27100, s7;
	p0 =	seq.s32 s2, $0xF  }
0x9: {  	s5 =	sor.u32 s2, s4;
	s4 =	sadd.s32 $0xD200, s6;
	s11 =	sshrl.u32 s10, $0x1  }
0xa: {  	s5 =	smul.u32 $0x500, s5;
	s8 =	sshrl.u32 s8, $0x2;
	s10 =	ssub.s32 s10, s11  }
0xb: {  	s11 =	sadd.s32 $0x128400, s1;
	s20 =	sadd.s32 s9, s14;
	s14 =	simm.s32 $0x2800  }
0xc: {  	s13 =	sadd.s32 s8, s1;
	s9 =	smax.u32 s10, $0x1;
	s10 =	sshrl.u32 @p0 s11, $0x3  }
0xd: {  	s18 =	sadd.s32 @p0 $0x25080, s20;
	s12 =	sadd.s32 s5, s6;
	s5 =	sadd.s32 s4, s19  }
0xe: {  	s6 =	sadd.s32 $0x32280, s6;
	s19 =	sadd.s32 @!p0 s19, s20;
	s20 =	simm.s32 $0x0  }
0xf: {  	s7 =	sadd.s32 $0x34C00, s12;
	s8 =	sadd.s32 $0x3200, s12;
	s12 =	sshll.u32 @!p0 s2, $0x6  }
0x10: {  	s11 =	sor.u32 @!p0 $0x1C02, s12;
	s12 =	sshrl.u32 @!p0 s13, $0x3;
	s13 =	simm.s32 $0x2  }
.LBB2_1:
0x11: {  	s21 =	simm.s32 @p0 $0x1FC2  }
0x12: {  	[spmem:s10], [sflag:s21] =	dma.local @p0 [hbm:s6], $0x2080  }
0x13: {  	s21 =	simm.s32 @p0 $0x2  }
0x14: {  	_ =	swait.ge @p0 [sflag:s21], $0x2080  }
0x15: {  	[sflag:s21] =	ssyncset.done @p0 $0x0  }
0x16: {  	[sflag:s21] =	ssyncadd.s32 @p0 $0xFFFFDF80;
	s21 =	simm.s32 @!p0 $0x2  }
0x17: {  	[spmem:s12], [sflag:s11] =	dma.local @!p0 [hbm:s5], $0x2780  }
0x18: {  	_ =	swait.ge @!p0 [sflag:s21], $0x2780  }
0x19: {  	[sflag:s21] =	ssyncset.done @!p0 $0x0  }
0x1a: {  	[sflag:s21] =	ssyncadd.s32 @!p0 $0xFFFFD880  }
0x1b: {  	[tilespmem:s3], [sflag:$0x2] =	stream.linear.gather [hbm4b:s7+s3], $0x2780, $0x38;
	[tilespmem:$0x1C900] =	vst v63  }
0x1c: {  	_ =	swait.ge [sflag:s13], $0x2780  }
0x1d: {  	[sflag:s13] =	ssyncset.done $0x0  }
0x1e: {  	[sflag:s13] =	ssyncadd.s32 $0xFFFFD880  }
0x1f: {  	[tilespmem:s14], [sflag:$0x2] =	stream.linear.gather [hbm4b:s8+s3], $0x2780, $0x38;
	[tilespmem:$0x1C900] =	vst v63  }
0x20: {  	_ =	swait.ge [sflag:s13], $0x2780  }
0x21: {  	[sflag:s13] =	ssyncset.done $0x0  }
0x22: {  	[sflag:s13] =	ssyncadd.s32 $0xFFFFD880  }
0x23: {  	s30 =	simm.s32 $0x0;
	[bflag:$0x0] =	sbarrier.arrive $0xFFFF  }
0x24: {  	[tilespmem:s16], [sflag:$0x1] =	stream.indirect.gather [hbm4b:s4+s15], $0x80, s30, s15, $0xb8;
	[tilespmem:$0x1C900] =	vst v63  }
0x25: {  	_ =	swait.ge [sflag:s17], $0x4000  }
0x26: {  	[sflag:s17] =	ssyncset.done $0x0  }
0x27: {  	s31 =	simm.s32 $0x2800;
	[sflag:s17] =	ssyncadd.s32 $0xFFFFC000  }
0x28: {  	[spmem:s1] =	stream.indirect.scatter.add.f32 [tilespmem:s16], [sflag:$0x2], $0x80, s31, s15, $0xb8;
	[tilespmem:$0x1C900] =	vst v63  }
0x29: {  	_ =	swait.ge [sflag:s13], $0x4000  }
0x2a: {  	s22 =	simm.s32 $0x400;
	s21 =	simm.s32 $0x200;
	[sflag:s13] =	ssyncset.done $0x0  }
.LBB2_2:
0x2b: {  	s23 =	sshra.s32 s21, $0x2  }
0x2c: {  	[sflag:s13] =	ssyncadd.s32 $0xFFFFC000;
	s21 =	smov.u32 s22;
	s24 =	sadd.s32 $0x200, s22  }
0x2d: {  	[tilespmem:s16], [sflag:$0x1] =	stream.indirect.gather [hbm4b:s4+s15], $0x80, s23, s15, $0xb8;
	[tilespmem:$0x1C900] =	vst v63  }
0x2e: {  	p1 =	sne.s32 s22, $0x9C00;
	_ =	swait.ge [sflag:s17], $0x4000  }
.Ltmp0:
0x2f: {  	[sflag:s17] =	ssyncset.done $0x0;
	(pc) =	sbr.rel @p1 .LBB2_2-.Ltmp0, $4  }
0x30: {  	s22 =	sadd.s32 $0x2800, s23;
	[sflag:s17] =	ssyncadd.s32 $0xFFFFC000  }
0x31: {  	[spmem:s1] =	stream.indirect.scatter.add.f32 [tilespmem:s16], [sflag:$0x2], $0x80, s22, s15, $0xb8;
	[tilespmem:$0x1C900] =	vst v63  }
0x32: {  	_ =	swait.ge [sflag:s13], $0x4000  }
0x33: {  	s22 =	smov.u32 s24;
	[sflag:s13] =	ssyncset.done $0x0  }
0x34: {  	s21 =	sshra.s32 s21, $0x2;
	[sflag:s13] =	ssyncadd.s32 $0xFFFFC000  }
0x35: {  	[tilespmem:s16], [sflag:$0x1] =	stream.indirect.gather [hbm4b:s4+s15], $0x80, s21, s15, $0xb8;
	[tilespmem:$0x1C900] =	vst v63  }
0x36: {  	_ =	swait.ge [sflag:s17], $0x4000  }
0x37: {  	[sflag:s17] =	ssyncset.done $0x0  }
0x38: {  	s21 =	sadd.s32 $0x2800, s21;
	[sflag:s17] =	ssyncadd.s32 $0xFFFFC000  }
0x39: {  	[spmem:s1] =	stream.indirect.scatter.add.f32 [tilespmem:s16], [sflag:$0x2], $0x80, s21, s15, $0xb8;
	[tilespmem:$0x1C900] =	vst v63  }
0x3a: {  	_ =	swait.ge [sflag:s13], $0x4000  }
0x3b: {  	[sflag:s13] =	ssyncset.done $0x0  }
0x3c: {  	[sflag:s13] =	ssyncadd.s32 $0xFFFFC000  }
0x3d: {  	s21 =	simm.s32 @p0 $0x1FC2;
	[bflag:$0x0] =	sbarrier.arrive $0xFFFF  }
0x3e: {  	[hbm:s18], [sflag:s21] =	dma.local @p0 [spmem:s10], $0x2080  }
0x3f: {  	s21 =	simm.s32 @p0 $0x2  }
0x40: {  	s20 =	sadd.s32 $0x1, s20;
	_ =	swait.ge @p0 [sflag:s21], $0x2080  }
0x41: {  	p1 =	sne.s32 s20, s9;
	[sflag:s21] =	ssyncset.done @p0 $0x0  }
.Ltmp1:
0x42: {  	[sflag:s21] =	ssyncadd.s32 @p0 $0xFFFFDF80;
	s21 =	simm.s32 @!p0 $0x2;
	(pc) =	sbr.rel @p1 .LBB2_1-.Ltmp1, $4  }
0x43: {  	[hbm:s19], [sflag:s11] =	dma.local @!p0 [spmem:s12], $0x2780  }
0x44: {  	_ =	swait.ge @!p0 [sflag:s21], $0x2780  }
0x45: {  	[sflag:s21] =	ssyncset.done @!p0 $0x0  }
0x46: {  	[sflag:s21] =	ssyncadd.s32 @!p0 $0xFFFFD880  }
0x47: {  	_ =	sfence.sel $0x180000  }
0x48: {  	[bflag:$0x0] =	sbarrier.arrive $0xFFFF  }
0x49: {  	p0 =	sne.s32 s2, $0x0;
	_ =	strace $0x90000053  }
0x4a: {  	s0 =	sadd.s32 @!p0 $0x100000, s0;
	[bflag:$0x2] =	sbarrier.arrive $0xFFFF  }
0x4b: {  	[sflag:s0] =	ssyncadd.tile.s32 @!p0 $0x1;
	_ =	shalt  }
.Lfunc_end2:
_tile_overlayer_lowered:
.L_overlay_start_2:
0x4c: {  	(tag) =	ssettag $0x2  }
0x4d: {  	s0 =	rddreg [dreg:$0x0];
	s2 =	stileid.u32  }
0x4e: {  	s1 =	rddreg [dreg:$0x1];
	p0 =	sne.s32 s2, $0x0  }
0x4f: {  	s3 =	rddreg [dreg:$0x2];
	[bflag:$0x3] =	sbarrier.arrive $0xFFFF;
	s2 =	simm.s32 @!p0 $0x1C02  }
0x50: {  	[timem:s3], [sflag:s2] =	dma.local @!p0 [hbm:s0], s1  }
0x51: {  	s0 =	simm.s32 @!p0 $0x2  }
0x52: {  	_ =	swait.ge @!p0 [sflag:s0], s1  }
0x53: {  	s1 =	ssub.s32 @!p0 $0x0, s1;
	[sflag:s0] =	ssyncset.done @!p0 $0x0  }
0x54: {  	[sflag:s0] =	ssyncadd.s32 @!p0 s1  }
0x55: {  	[bflag:$0x3] =	sbarrier.arrive $0xFFFF  }
0x56: {  	_ =	shalt  }

</sc_bundles>
